<compile_context>
chip_gen: v7x
topology: tpu7x:2x2x1
jax: 0.10.2.dev20260603
libtpu: 0.0.44.dev20260713+nightly
codegen_flags: <defaults>
</compile_context>

<pallas_src>
import functools

import jax
import jax.numpy as jnp
from jax import lax
from jax.experimental import pallas as pl
from jax.experimental.pallas import tpu as pltpu
from jax.experimental.pallas import tpu_sc as plsc

_NC = 2
_NS = 16
_NW = _NC * _NS
_K = 8
_R = 248


@functools.lru_cache(maxsize=None)
def _build_widen(v: int, d: int):
    np_full = v // 128
    tail = v - np_full * 128
    per_w = np_full // _NW
    extra = np_full - per_w * _NW
    assert per_w % 2 == 0 and tail % 8 == 0
    mesh = plsc.VectorSubcoreMesh(core_axis_name="c", subcore_axis_name="s")

    @functools.partial(
        pl.kernel,
        mesh=mesh,
        out_type=jax.ShapeDtypeStruct((v, 128), jnp.float32),
        scratch_types=[
            pltpu.VMEM((d, 128), jnp.float32),
            pltpu.VMEM((d, 128), jnp.float32),
            pltpu.VMEM((128, 128), jnp.float32),
            pltpu.VMEM((128, 128), jnp.float32),
            pltpu.VMEM((max(tail, 8), d), jnp.float32),
            pltpu.SemaphoreType.DMA,
            pltpu.SemaphoreType.DMA,
            pltpu.SemaphoreType.DMA,
            pltpu.SemaphoreType.DMA,
        ],
        compiler_params=pltpu.CompilerParams(use_tc_tiling_on_sc=True,
                                             needs_layout_passes=False),
    )
    def widen(tablet_hbm, tail_hbm, wide_hbm, pbuf_a, pbuf_b, wbuf_a,
              wbuf_b, tbuf, isem_a, isem_b, osem_a, osem_b):
        wid = lax.axis_index("s") * _NC + lax.axis_index("c")
        start = wid * per_w + jnp.minimum(wid, extra)
        count = per_w + jnp.where(wid < extra, 1, 0)
        iota = lax.iota(jnp.int32, 16)

        def fire_in(p, buf, sem):
            pltpu.async_copy(tablet_hbm.at[:, pl.ds(p * 128, 128)], buf, sem)

        def wait_in(p, buf, sem):
            pltpu.make_async_copy(
                tablet_hbm.at[:, pl.ds(p * 128, 128)], buf, sem).wait()

        def fire_out(p, buf, sem):
            pltpu.async_copy(buf, wide_hbm.at[pl.ds(p * 128, 128)], sem)

        def wait_out(p, buf, sem):
            pltpu.make_async_copy(
                buf, wide_hbm.at[pl.ds(p * 128, 128)], sem).wait()

        def transpose(pbuf, wbuf):
            def sloop(s4, carry):
                s = s4 * 4
                vs = [jnp.bitwise_and(iota + (s + u), 127) for u in range(4)]
                xs = []
                for u in range(4):
                    for m in range(d // 16):
                        rowm = iota + 16 * m
                        xs.append(plsc.load_gather(pbuf, [rowm, vs[u]]))
                i = 0
                for u in range(4):
                    for m in range(d // 16):
                        rowm = iota + 16 * m
                        plsc.store_scatter(wbuf, [vs[u], rowm], xs[i])
                        i += 1
                return carry
            lax.fori_loop(0, 32, sloop, 0)

        fire_in(start, pbuf_a, isem_a)

        def body(i, carry):
            pa = start + 2 * i
            pb = pa + 1
            fire_in(pb, pbuf_b, isem_b)
            wait_in(pa, pbuf_a, isem_a)

            @pl.when(i > 0)
            def _():
                wait_out(pa - 2, wbuf_a, osem_a)

            transpose(pbuf_a, wbuf_a)
            fire_out(pa, wbuf_a, osem_a)

            @pl.when(i < per_w // 2 - 1)
            def _():
                fire_in(pa + 2, pbuf_a, isem_a)

            wait_in(pb, pbuf_b, isem_b)

            @pl.when(i > 0)
            def _():
                wait_out(pb - 2, wbuf_b, osem_b)

            transpose(pbuf_b, wbuf_b)
            fire_out(pb, wbuf_b, osem_b)
            return carry

        lax.fori_loop(0, per_w // 2, body, 0)
        wait_out(start + per_w - 2, wbuf_a, osem_a)
        wait_out(start + per_w - 1, wbuf_b, osem_b)

        @pl.when(wid < extra)
        def _():
            p = start + per_w
            fire_in(p, pbuf_a, isem_a)
            wait_in(p, pbuf_a, isem_a)
            transpose(pbuf_a, wbuf_a)
            fire_out(p, wbuf_a, osem_a)
            wait_out(p, wbuf_a, osem_a)

        if tail:
            @pl.when(wid == _NW - 1)
            def _():
                pltpu.sync_copy(tail_hbm, tbuf)

                def rows(i, carry):
                    for k in range(8):
                        r = i * 8 + k
                        for c in range(0, d, 16):
                            wbuf_a[r, pl.ds(c, 16)] = tbuf[r, pl.ds(c, 16)]
                    return carry
                lax.fori_loop(0, tail // 8, rows, 0)
                pltpu.sync_copy(wbuf_a.at[pl.ds(0, tail)],
                                wide_hbm.at[pl.ds(np_full * 128, tail)])

    return widen


@functools.lru_cache(maxsize=None)
def _build_gather(b: int, l: int, v: int):
    bw = b // _NW
    nph = bw // _K
    assert bw * _NW == b and nph * _K == bw and nph % 2 == 0
    mesh = plsc.VectorSubcoreMesh(core_axis_name="c", subcore_axis_name="s")

    @functools.partial(
        pl.kernel,
        mesh=mesh,
        out_type=jax.ShapeDtypeStruct((b, l, 128), jnp.float32),
        scratch_types=[
            pltpu.VMEM((bw, l), jnp.int32),
            pltpu.VMEM((_K, l, 128), jnp.float32),
            pltpu.VMEM((_K, l, 128), jnp.float32),
            pltpu.SemaphoreType.DMA,
            pltpu.SemaphoreType.DMA,
            pltpu.SemaphoreType.DMA,
            pltpu.SemaphoreType.DMA,
        ],
        compiler_params=pltpu.CompilerParams(use_tc_tiling_on_sc=True),
    )
    def gather(wide_hbm, idx_hbm, out_hbm, idx_v, buf_a, buf_b,
               gsem_a, gsem_b, ssem_a, ssem_b):
        wid = lax.axis_index("s") * _NC + lax.axis_index("c")
        base = wid * bw
        pltpu.sync_copy(idx_hbm.at[pl.ds(base, bw)], idx_v)

        def fire_gathers(phase, buf, sem):
            for i in range(_K):
                pltpu.async_copy(
                    wide_hbm.at[idx_v.at[phase * _K + i]], buf.at[i], sem)

        def drain_gathers(phase, buf, sem):
            for i in range(_K):
                pltpu.make_async_copy(
                    wide_hbm.at[idx_v.at[phase * _K + i]], buf.at[i], sem
                ).wait()

        def fire_scatter(phase, buf, sem):
            pltpu.async_copy(
                buf, out_hbm.at[pl.ds(base + phase * _K, _K)], sem)

        def drain_scatter(phase, buf, sem):
            pltpu.make_async_copy(
                buf, out_hbm.at[pl.ds(base + phase * _K, _K)], sem).wait()

        fire_gathers(0, buf_a, gsem_a)

        def body(i, carry):
            pa = 2 * i
            pb = 2 * i + 1

            @pl.when(i > 0)
            def _():
                drain_scatter(pb - 2, buf_b, ssem_b)

            fire_gathers(pb, buf_b, gsem_b)
            drain_gathers(pa, buf_a, gsem_a)
            fire_scatter(pa, buf_a, ssem_a)

            @pl.when(i < nph // 2 - 1)
            def _():
                drain_scatter(pa, buf_a, ssem_a)
                fire_gathers(pa + 2, buf_a, gsem_a)

            drain_gathers(pb, buf_b, gsem_b)
            fire_scatter(pb, buf_b, ssem_b)
            return carry

        lax.fori_loop(0, nph // 2, body, 0)
        drain_scatter(nph - 2, buf_a, ssem_a)
        drain_scatter(nph - 1, buf_b, ssem_b)

    return gather


def kernel(indices, table):
    b, l = indices.shape
    v, d = table.shape
    np_full = v // 128
    tail = v - np_full * 128
    tablet = jnp.swapaxes(table, 0, 1)
    tail_arr = table[v - max(tail, 8):, :]
    wide = _build_widen(v, d)(tablet, tail_arr)
    gout = _build_gather(b, l, v)(wide, indices)
    return gout[:, :, :d], jnp.full((b,), l, dtype=jnp.int64)

# --- scband reference (transcript-rebuilt; emitter-appended) ---
"""Pipeline reference for scband-word-embedding-21775484191038 (READ-ONLY COPY).

The authoritative reference and input builder live on the scoring server;
editing this copy changes nothing except your own understanding.
"""

import jax, jax.numpy as jnp
import numpy as np

B, L, V, D = 4096, 50, 1000000, 64


def setup_inputs(seed: int = 0) -> dict:
    key = jax.random.key(seed)
    k1, k2 = jax.random.split(key)
    # Token indices into the vocabulary. Index 0 is reserved as the
    # OOV / padding token, mirroring word_emb.get(x, zeros(emb_size)).
    indices = jax.random.randint(k1, (B, L), 0, V, dtype=jnp.int32)
    # Learned/static embedding table standing in for the word_emb dict.
    table = jax.random.normal(k2, (V, D), dtype=jnp.float32) * 0.1
    table = table.at[0].set(0.0)  # OOV/pad row -> zero vector
    return {"indices": indices, "table": table}


def reference(indices, table):
    # Faithful tensorized form of WordEmbedding.str_list_to_batch /
    # gen_x_batch (use_model=True branch): each token is mapped through the
    # embedding dictionary (a pure gather); unknown/pad tokens (index 0)
    # produce the zero vector because table row 0 is zeroed.
    # out[b, t, :] = table[indices[b, t], :]
    val_inp = jnp.take(table, indices, axis=0)  # [B, L, D]
    val_len = jnp.full((B,), L, dtype=jnp.int64)
    return (val_inp, val_len)

if __name__ == "__main__":
    import jax
    _d = setup_inputs()
    print(jax.jit(kernel)(*tuple(_d.values())))

</pallas_src>

<mosaic_0001>
#map = affine_map<(d0, d1) -> (0, 0)>
module attributes {stable_mosaic.version = 14 : i64} {
  func.func @widen(%arg0: i32, %arg1: i32, %arg2: memref<64x1000000xf32, #tpu.memory_space<hbm>>, %arg3: memref<64x64xf32, #tpu.memory_space<hbm>>, %arg4: memref<1000000x128xf32, #tpu.memory_space<hbm>>, %arg5: memref<64x128xf32, #tpu.memory_space<vmem>>, %arg6: memref<64x128xf32, #tpu.memory_space<vmem>>, %arg7: memref<128x128xf32, #tpu.memory_space<vmem>>, %arg8: memref<128x128xf32, #tpu.memory_space<vmem>>, %arg9: memref<64x64xf32, #tpu.memory_space<vmem>>, %arg10: memref<!tpu.dma_semaphore, #tpu.memory_space<semaphore_mem>>, %arg11: memref<!tpu.dma_semaphore, #tpu.memory_space<semaphore_mem>>, %arg12: memref<!tpu.dma_semaphore, #tpu.memory_space<semaphore_mem>>, %arg13: memref<!tpu.dma_semaphore, #tpu.memory_space<semaphore_mem>>) attributes {dimension_semantics = [#tpu.dimension_semantics<core_parallel>, #tpu.dimension_semantics<subcore_parallel>], iteration_bounds = array<i64: 2, 16>, scalar_prefetch = 0 : i64, scratch_operands = 9 : i64, tpu.core_type = #tpu.core_type<sc_vector_subcore>, window_params = [{transform_indices = #map}, {transform_indices = #map}, {transform_indices = #map}]} {
    %mul3A = arith.constant 2 : i32
    %mul3A_0 = arith.muli %arg1, %mul3A : i32
    %add3A = arith.addi %mul3A_0, %arg0 : i32
    %mul3A_1 = arith.constant 244 : i32
    %mul3A_2 = arith.muli %add3A, %mul3A_1 : i32
    %min3A = arith.constant 4 : i32
    %min3A_3 = arith.minsi %add3A, %min3A : i32
    %add3A_4 = arith.addi %mul3A_2, %min3A_3 : i32
    %lt3A = arith.constant 4 : i32
    %lt3A_5 = arith.cmpi slt, %add3A, %lt3A : i32
    %jit3A = arith.constant 1 : i32
    %jit3A_6 = arith.constant 0 : i32
    %select_n3A = arith.select %lt3A_5, %jit3A, %jit3A_6 : i32
    %add3A_7 = arith.constant 244 : i32
    %add3A_8 = arith.addi %add3A_7, %select_n3A : i32
    %iota3A = tpu.iota {dimensions = array<i32: 0>} : vector<16xi32>
    %mul3A_9 = arith.constant 128 : i32
    %mul3A_10 = arith.muli %add3A_4, %mul3A_9 : i32
    %dma_start3A = arith.constant 0 : i32
    %dma_start3A_11 = tpu.memref_slice %arg2[%dma_start3A, %mul3A_10] : memref<64x1000000xf32, #tpu.memory_space<hbm>> -> memref<64x128xf32, #tpu.memory_space<hbm>>
    %dma_start3A_12 = arith.constant 0 : i32
    %dma_start3A_13 = tpu.memref_slice %arg2[%dma_start3A_12, %mul3A_10] : memref<64x1000000xf32, #tpu.memory_space<hbm>> -> memref<64x128xf32, #tpu.memory_space<hbm>>
    tpu.enqueue_dma source(%dma_start3A_13 : memref<64x128xf32, #tpu.memory_space<hbm>>) target(%arg5 : memref<64x128xf32, #tpu.memory_space<vmem>>) target_semaphore(%arg10 : memref<!tpu.dma_semaphore, #tpu.memory_space<semaphore_mem>>)
    %scan3A = arith.constant 0 : i32
    %scan3A_14 = arith.constant 0 : i32
    %scan3A_15 = arith.constant 122 : i32
    %scan3A_16 = arith.addi %scan3A_14, %scan3A_15 : i32
    %scan3A_17 = arith.constant 1 : i32
    scf.for %scan3A_44 = %scan3A_14 to %scan3A_16 step %scan3A_17  : i32 {
      %mul3A_45 = arith.constant 2 : i32
      %mul3A_46 = arith.muli %mul3A_45, %scan3A_44 : i32
      %add3A_47 = arith.addi %add3A_4, %mul3A_46 : i32
      %add3A_48 = arith.constant 1 : i32
      %add3A_49 = arith.addi %add3A_47, %add3A_48 : i32
      %mul3A_50 = arith.constant 128 : i32
      %mul3A_51 = arith.muli %add3A_49, %mul3A_50 : i32
      %dma_start3A_52 = arith.constant 0 : i32
      %dma_start3A_53 = tpu.memref_slice %arg2[%dma_start3A_52, %mul3A_51] : memref<64x1000000xf32, #tpu.memory_space<hbm>> -> memref<64x128xf32, #tpu.memory_space<hbm>>
      %dma_start3A_54 = arith.constant 0 : i32
      %dma_start3A_55 = tpu.memref_slice %arg2[%dma_start3A_54, %mul3A_51] : memref<64x1000000xf32, #tpu.memory_space<hbm>> -> memref<64x128xf32, #tpu.memory_space<hbm>>
      tpu.enqueue_dma source(%dma_start3A_55 : memref<64x128xf32, #tpu.memory_space<hbm>>) target(%arg6 : memref<64x128xf32, #tpu.memory_space<vmem>>) target_semaphore(%arg11 : memref<!tpu.dma_semaphore, #tpu.memory_space<semaphore_mem>>)
      %mul3A_56 = arith.constant 128 : i32
      %mul3A_57 = arith.muli %add3A_47, %mul3A_56 : i32
      %dma_wait3A_58 = arith.constant 0 : i32
      %dma_wait3A_59 = tpu.memref_slice %arg2[%dma_wait3A_58, %mul3A_57] : memref<64x1000000xf32, #tpu.memory_space<hbm>> -> memref<64x128xf32, #tpu.memory_space<hbm>>
      %dma_wait3A_60 = arith.constant 0 : i32
      %dma_wait3A_61 = tpu.memref_slice %arg2[%dma_wait3A_60, %mul3A_57] : memref<64x1000000xf32, #tpu.memory_space<hbm>> -> memref<64x128xf32, #tpu.memory_space<hbm>>
      tpu.wait_dma2 semaphore(%arg10 : memref<!tpu.dma_semaphore, #tpu.memory_space<semaphore_mem>>) src(%dma_wait3A_61 : memref<64x128xf32, #tpu.memory_space<hbm>>) dst(%arg5 : memref<64x128xf32, #tpu.memory_space<vmem>>)
      %gt3A = arith.constant 0 : i32
      %gt3A_62 = arith.cmpi sgt, %scan3A_44, %gt3A : i32
      %convert_element_type3A_63 = arith.extui %gt3A_62 : i1 to i32
      %cond3A_64 = arith.constant 0 : i32
      %cond3A_65 = arith.cmpi ne, %convert_element_type3A_63, %cond3A_64 : i32
      scf.if %cond3A_65 {
        %sub3A_106 = arith.constant 2 : i32
        %sub3A_107 = arith.subi %add3A_47, %sub3A_106 : i32
        %mul3A_108 = arith.constant 128 : i32
        %mul3A_109 = arith.muli %sub3A_107, %mul3A_108 : i32
        %dma_wait3A_110 = arith.constant 0 : i32
        %dma_wait3A_111 = tpu.memref_slice %arg4[%mul3A_109, %dma_wait3A_110] : memref<1000000x128xf32, #tpu.memory_space<hbm>> -> memref<128x128xf32, #tpu.memory_space<hbm>>
        %dma_wait3A_112 = arith.constant 0 : i32
        %dma_wait3A_113 = tpu.memref_slice %arg4[%mul3A_109, %dma_wait3A_112] : memref<1000000x128xf32, #tpu.memory_space<hbm>> -> memref<128x128xf32, #tpu.memory_space<hbm>>
        tpu.wait_dma2 semaphore(%arg12 : memref<!tpu.dma_semaphore, #tpu.memory_space<semaphore_mem>>) src(%arg7 : memref<128x128xf32, #tpu.memory_space<vmem>>) dst(%dma_wait3A_113 : memref<128x128xf32, #tpu.memory_space<hbm>>)
      } else {
      }
      %scan3A_66 = arith.constant 0 : i32
      %scan3A_67 = arith.constant 0 : i32
      %scan3A_68 = arith.constant 32 : i32
      %scan3A_69 = arith.addi %scan3A_67, %scan3A_68 : i32
      %scan3A_70 = arith.constant 1 : i32
      scf.for %scan3A_106 = %scan3A_67 to %scan3A_69 step %scan3A_70  : i32 {
        %mul3A_107 = arith.constant 4 : i32
        %mul3A_108 = arith.muli %scan3A_106, %mul3A_107 : i32
        %add3A_109 = arith.constant 0 : i32
        %add3A_110 = arith.addi %mul3A_108, %add3A_109 : i32
        %add3A_111 = vector.broadcast %add3A_110 : i32 to vector<16xi32>
        %add3A_112 = arith.addi %iota3A, %add3A_111 : vector<16xi32>
        %and3A = arith.constant 127 : i32
        %and3A_113 = vector.broadcast %and3A : i32 to vector<16xi32>
        %and3A_114 = arith.andi %add3A_112, %and3A_113 : vector<16xi32>
        %add3A_115 = arith.constant 1 : i32
        %add3A_116 = arith.addi %mul3A_108, %add3A_115 : i32
        %add3A_117 = vector.broadcast %add3A_116 : i32 to vector<16xi32>
        %add3A_118 = arith.addi %iota3A, %add3A_117 : vector<16xi32>
        %and3A_119 = arith.constant 127 : i32
        %and3A_120 = vector.broadcast %and3A_119 : i32 to vector<16xi32>
        %and3A_121 = arith.andi %add3A_118, %and3A_120 : vector<16xi32>
        %add3A_122 = arith.constant 2 : i32
        %add3A_123 = arith.addi %mul3A_108, %add3A_122 : i32
        %add3A_124 = vector.broadcast %add3A_123 : i32 to vector<16xi32>
        %add3A_125 = arith.addi %iota3A, %add3A_124 : vector<16xi32>
        %and3A_126 = arith.constant 127 : i32
        %and3A_127 = vector.broadcast %and3A_126 : i32 to vector<16xi32>
        %and3A_128 = arith.andi %add3A_125, %and3A_127 : vector<16xi32>
        %add3A_129 = arith.constant 3 : i32
        %add3A_130 = arith.addi %mul3A_108, %add3A_129 : i32
        %add3A_131 = vector.broadcast %add3A_130 : i32 to vector<16xi32>
        %add3A_132 = arith.addi %iota3A, %add3A_131 : vector<16xi32>
        %and3A_133 = arith.constant 127 : i32
        %and3A_134 = vector.broadcast %and3A_133 : i32 to vector<16xi32>
        %and3A_135 = arith.andi %add3A_132, %and3A_134 : vector<16xi32>
        %add3A_136 = arith.constant 0 : i32
        %add3A_137 = vector.broadcast %add3A_136 : i32 to vector<16xi32>
        %add3A_138 = arith.addi %iota3A, %add3A_137 : vector<16xi32>
        %gather3A = tpu.vector_load_idx %arg5[%add3A_138, %and3A_114] : memref<64x128xf32, #tpu.memory_space<vmem>>[vector<16xi32>, vector<16xi32>], vector<16xf32>,
        %add3A_139 = arith.constant 16 : i32
        %add3A_140 = vector.broadcast %add3A_139 : i32 to vector<16xi32>
        %add3A_141 = arith.addi %iota3A, %add3A_140 : vector<16xi32>
        %gather3A_142 = tpu.vector_load_idx %arg5[%add3A_141, %and3A_114] : memref<64x128xf32, #tpu.memory_space<vmem>>[vector<16xi32>, vector<16xi32>], vector<16xf32>,
        %add3A_143 = arith.constant 32 : i32
        %add3A_144 = vector.broadcast %add3A_143 : i32 to vector<16xi32>
        %add3A_145 = arith.addi %iota3A, %add3A_144 : vector<16xi32>
        %gather3A_146 = tpu.vector_load_idx %arg5[%add3A_145, %and3A_114] : memref<64x128xf32, #tpu.memory_space<vmem>>[vector<16xi32>, vector<16xi32>], vector<16xf32>,
        %add3A_147 = arith.constant 48 : i32
        %add3A_148 = vector.broadcast %add3A_147 : i32 to vector<16xi32>
        %add3A_149 = arith.addi %iota3A, %add3A_148 : vector<16xi32>
        %gather3A_150 = tpu.vector_load_idx %arg5[%add3A_149, %and3A_114] : memref<64x128xf32, #tpu.memory_space<vmem>>[vector<16xi32>, vector<16xi32>], vector<16xf32>,
        %add3A_151 = arith.constant 0 : i32
        %add3A_152 = vector.broadcast %add3A_151 : i32 to vector<16xi32>
        %add3A_153 = arith.addi %iota3A, %add3A_152 : vector<16xi32>
        %gather3A_154 = tpu.vector_load_idx %arg5[%add3A_153, %and3A_121] : memref<64x128xf32, #tpu.memory_space<vmem>>[vector<16xi32>, vector<16xi32>], vector<16xf32>,
        %add3A_155 = arith.constant 16 : i32
        %add3A_156 = vector.broadcast %add3A_155 : i32 to vector<16xi32>
        %add3A_157 = arith.addi %iota3A, %add3A_156 : vector<16xi32>
        %gather3A_158 = tpu.vector_load_idx %arg5[%add3A_157, %and3A_121] : memref<64x128xf32, #tpu.memory_space<vmem>>[vector<16xi32>, vector<16xi32>], vector<16xf32>,
        %add3A_159 = arith.constant 32 : i32
        %add3A_160 = vector.broadcast %add3A_159 : i32 to vector<16xi32>
        %add3A_161 = arith.addi %iota3A, %add3A_160 : vector<16xi32>
        %gather3A_162 = tpu.vector_load_idx %arg5[%add3A_161, %and3A_121] : memref<64x128xf32, #tpu.memory_space<vmem>>[vector<16xi32>, vector<16xi32>], vector<16xf32>,
        %add3A_163 = arith.constant 48 : i32
        %add3A_164 = vector.broadcast %add3A_163 : i32 to vector<16xi32>
        %add3A_165 = arith.addi %iota3A, %add3A_164 : vector<16xi32>
        %gather3A_166 = tpu.vector_load_idx %arg5[%add3A_165, %and3A_121] : memref<64x128xf32, #tpu.memory_space<vmem>>[vector<16xi32>, vector<16xi32>], vector<16xf32>,
        %add3A_167 = arith.constant 0 : i32
        %add3A_168 = vector.broadcast %add3A_167 : i32 to vector<16xi32>
        %add3A_169 = arith.addi %iota3A, %add3A_168 : vector<16xi32>
        %gather3A_170 = tpu.vector_load_idx %arg5[%add3A_169, %and3A_128] : memref<64x128xf32, #tpu.memory_space<vmem>>[vector<16xi32>, vector<16xi32>], vector<16xf32>,
        %add3A_171 = arith.constant 16 : i32
        %add3A_172 = vector.broadcast %add3A_171 : i32 to vector<16xi32>
        %add3A_173 = arith.addi %iota3A, %add3A_172 : vector<16xi32>
        %gather3A_174 = tpu.vector_load_idx %arg5[%add3A_173, %and3A_128] : memref<64x128xf32, #tpu.memory_space<vmem>>[vector<16xi32>, vector<16xi32>], vector<16xf32>,
        %add3A_175 = arith.constant 32 : i32
        %add3A_176 = vector.broadcast %add3A_175 : i32 to vector<16xi32>
        %add3A_177 = arith.addi %iota3A, %add3A_176 : vector<16xi32>
        %gather3A_178 = tpu.vector_load_idx %arg5[%add3A_177, %and3A_128] : memref<64x128xf32, #tpu.memory_space<vmem>>[vector<16xi32>, vector<16xi32>], vector<16xf32>,
        %add3A_179 = arith.constant 48 : i32
        %add3A_180 = vector.broadcast %add3A_179 : i32 to vector<16xi32>
        %add3A_181 = arith.addi %iota3A, %add3A_180 : vector<16xi32>
        %gather3A_182 = tpu.vector_load_idx %arg5[%add3A_181, %and3A_128] : memref<64x128xf32, #tpu.memory_space<vmem>>[vector<16xi32>, vector<16xi32>], vector<16xf32>,
        %add3A_183 = arith.constant 0 : i32
        %add3A_184 = vector.broadcast %add3A_183 : i32 to vector<16xi32>
        %add3A_185 = arith.addi %iota3A, %add3A_184 : vector<16xi32>
        %gather3A_186 = tpu.vector_load_idx %arg5[%add3A_185, %and3A_135] : memref<64x128xf32, #tpu.memory_space<vmem>>[vector<16xi32>, vector<16xi32>], vector<16xf32>,
        %add3A_187 = arith.constant 16 : i32
        %add3A_188 = vector.broadcast %add3A_187 : i32 to vector<16xi32>
        %add3A_189 = arith.addi %iota3A, %add3A_188 : vector<16xi32>
        %gather3A_190 = tpu.vector_load_idx %arg5[%add3A_189, %and3A_135] : memref<64x128xf32, #tpu.memory_space<vmem>>[vector<16xi32>, vector<16xi32>], vector<16xf32>,
        %add3A_191 = arith.constant 32 : i32
        %add3A_192 = vector.broadcast %add3A_191 : i32 to vector<16xi32>
        %add3A_193 = arith.addi %iota3A, %add3A_192 : vector<16xi32>
        %gather3A_194 = tpu.vector_load_idx %arg5[%add3A_193, %and3A_135] : memref<64x128xf32, #tpu.memory_space<vmem>>[vector<16xi32>, vector<16xi32>], vector<16xf32>,
        %add3A_195 = arith.constant 48 : i32
        %add3A_196 = vector.broadcast %add3A_195 : i32 to vector<16xi32>
        %add3A_197 = arith.addi %iota3A, %add3A_196 : vector<16xi32>
        %gather3A_198 = tpu.vector_load_idx %arg5[%add3A_197, %and3A_135] : memref<64x128xf32, #tpu.memory_space<vmem>>[vector<16xi32>, vector<16xi32>], vector<16xf32>,
        %add3A_199 = arith.constant 0 : i32
        %add3A_200 = vector.broadcast %add3A_199 : i32 to vector<16xi32>
        %add3A_201 = arith.addi %iota3A, %add3A_200 : vector<16xi32>
        tpu.vector_store_idx %arg7[%and3A_114, %add3A_201], %gather3A : memref<128x128xf32, #tpu.memory_space<vmem>>[vector<16xi32>, vector<16xi32>], vector<16xf32>,
        %add3A_202 = arith.constant 16 : i32
        %add3A_203 = vector.broadcast %add3A_202 : i32 to vector<16xi32>
        %add3A_204 = arith.addi %iota3A, %add3A_203 : vector<16xi32>
        tpu.vector_store_idx %arg7[%and3A_114, %add3A_204], %gather3A_142 : memref<128x128xf32, #tpu.memory_space<vmem>>[vector<16xi32>, vector<16xi32>], vector<16xf32>,
        %add3A_205 = arith.constant 32 : i32
        %add3A_206 = vector.broadcast %add3A_205 : i32 to vector<16xi32>
        %add3A_207 = arith.addi %iota3A, %add3A_206 : vector<16xi32>
        tpu.vector_store_idx %arg7[%and3A_114, %add3A_207], %gather3A_146 : memref<128x128xf32, #tpu.memory_space<vmem>>[vector<16xi32>, vector<16xi32>], vector<16xf32>,
        %add3A_208 = arith.constant 48 : i32
        %add3A_209 = vector.broadcast %add3A_208 : i32 to vector<16xi32>
        %add3A_210 = arith.addi %iota3A, %add3A_209 : vector<16xi32>
        tpu.vector_store_idx %arg7[%and3A_114, %add3A_210], %gather3A_150 : memref<128x128xf32, #tpu.memory_space<vmem>>[vector<16xi32>, vector<16xi32>], vector<16xf32>,
        %add3A_211 = arith.constant 0 : i32
        %add3A_212 = vector.broadcast %add3A_211 : i32 to vector<16xi32>
        %add3A_213 = arith.addi %iota3A, %add3A_212 : vector<16xi32>
        tpu.vector_store_idx %arg7[%and3A_121, %add3A_213], %gather3A_154 : memref<128x128xf32, #tpu.memory_space<vmem>>[vector<16xi32>, vector<16xi32>], vector<16xf32>,
        %add3A_214 = arith.constant 16 : i32
        %add3A_215 = vector.broadcast %add3A_214 : i32 to vector<16xi32>
        %add3A_216 = arith.addi %iota3A, %add3A_215 : vector<16xi32>
        tpu.vector_store_idx %arg7[%and3A_121, %add3A_216], %gather3A_158 : memref<128x128xf32, #tpu.memory_space<vmem>>[vector<16xi32>, vector<16xi32>], vector<16xf32>,
        %add3A_217 = arith.constant 32 : i32
        %add3A_218 = vector.broadcast %add3A_217 : i32 to vector<16xi32>
        %add3A_219 = arith.addi %iota3A, %add3A_218 : vector<16xi32>
        tpu.vector_store_idx %arg7[%and3A_121, %add3A_219], %gather3A_162 : memref<128x128xf32, #tpu.memory_space<vmem>>[vector<16xi32>, vector<16xi32>], vector<16xf32>,
        %add3A_220 = arith.constant 48 : i32
        %add3A_221 = vector.broadcast %add3A_220 : i32 to vector<16xi32>
        %add3A_222 = arith.addi %iota3A, %add3A_221 : vector<16xi32>
        tpu.vector_store_idx %arg7[%and3A_121, %add3A_222], %gather3A_166 : memref<128x128xf32, #tpu.memory_space<vmem>>[vector<16xi32>, vector<16xi32>], vector<16xf32>,
        %add3A_223 = arith.constant 0 : i32
        %add3A_224 = vector.broadcast %add3A_223 : i32 to vector<16xi32>
        %add3A_225 = arith.addi %iota3A, %add3A_224 : vector<16xi32>
        tpu.vector_store_idx %arg7[%and3A_128, %add3A_225], %gather3A_170 : memref<128x128xf32, #tpu.memory_space<vmem>>[vector<16xi32>, vector<16xi32>], vector<16xf32>,
        %add3A_226 = arith.constant 16 : i32
        %add3A_227 = vector.broadcast %add3A_226 : i32 to vector<16xi32>
        %add3A_228 = arith.addi %iota3A, %add3A_227 : vector<16xi32>
        tpu.vector_store_idx %arg7[%and3A_128, %add3A_228], %gather3A_174 : memref<128x128xf32, #tpu.memory_space<vmem>>[vector<16xi32>, vector<16xi32>], vector<16xf32>,
        %add3A_229 = arith.constant 32 : i32
        %add3A_230 = vector.broadcast %add3A_229 : i32 to vector<16xi32>
        %add3A_231 = arith.addi %iota3A, %add3A_230 : vector<16xi32>
        tpu.vector_store_idx %arg7[%and3A_128, %add3A_231], %gather3A_178 : memref<128x128xf32, #tpu.memory_space<vmem>>[vector<16xi32>, vector<16xi32>], vector<16xf32>,
        %add3A_232 = arith.constant 48 : i32
        %add3A_233 = vector.broadcast %add3A_232 : i32 to vector<16xi32>
        %add3A_234 = arith.addi %iota3A, %add3A_233 : vector<16xi32>
        tpu.vector_store_idx %arg7[%and3A_128, %add3A_234], %gather3A_182 : memref<128x128xf32, #tpu.memory_space<vmem>>[vector<16xi32>, vector<16xi32>], vector<16xf32>,
        %add3A_235 = arith.constant 0 : i32
        %add3A_236 = vector.broadcast %add3A_235 : i32 to vector<16xi32>
        %add3A_237 = arith.addi %iota3A, %add3A_236 : vector<16xi32>
        tpu.vector_store_idx %arg7[%and3A_135, %add3A_237], %gather3A_186 : memref<128x128xf32, #tpu.memory_space<vmem>>[vector<16xi32>, vector<16xi32>], vector<16xf32>,
        %add3A_238 = arith.constant 16 : i32
        %add3A_239 = vector.broadcast %add3A_238 : i32 to vector<16xi32>
        %add3A_240 = arith.addi %iota3A, %add3A_239 : vector<16xi32>
        tpu.vector_store_idx %arg7[%and3A_135, %add3A_240], %gather3A_190 : memref<128x128xf32, #tpu.memory_space<vmem>>[vector<16xi32>, vector<16xi32>], vector<16xf32>,
        %add3A_241 = arith.constant 32 : i32
        %add3A_242 = vector.broadcast %add3A_241 : i32 to vector<16xi32>
        %add3A_243 = arith.addi %iota3A, %add3A_242 : vector<16xi32>
        tpu.vector_store_idx %arg7[%and3A_135, %add3A_243], %gather3A_194 : memref<128x128xf32, #tpu.memory_space<vmem>>[vector<16xi32>, vector<16xi32>], vector<16xf32>,
        %add3A_244 = arith.constant 48 : i32
        %add3A_245 = vector.broadcast %add3A_244 : i32 to vector<16xi32>
        %add3A_246 = arith.addi %iota3A, %add3A_245 : vector<16xi32>
        tpu.vector_store_idx %arg7[%and3A_135, %add3A_246], %gather3A_198 : memref<128x128xf32, #tpu.memory_space<vmem>>[vector<16xi32>, vector<16xi32>], vector<16xf32>,
      }
      %scan3A_71 = arith.constant 32 : i32
      %mul3A_72 = arith.constant 128 : i32
      %mul3A_73 = arith.muli %add3A_47, %mul3A_72 : i32
      %dma_start3A_74 = arith.constant 0 : i32
      %dma_start3A_75 = tpu.memref_slice %arg4[%mul3A_73, %dma_start3A_74] : memref<1000000x128xf32, #tpu.memory_space<hbm>> -> memref<128x128xf32, #tpu.memory_space<hbm>>
      %dma_start3A_76 = arith.constant 0 : i32
      %dma_start3A_77 = tpu.memref_slice %arg4[%mul3A_73, %dma_start3A_76] : memref<1000000x128xf32, #tpu.memory_space<hbm>> -> memref<128x128xf32, #tpu.memory_space<hbm>>
      tpu.enqueue_dma source(%arg7 : memref<128x128xf32, #tpu.memory_space<vmem>>) target(%dma_start3A_77 : memref<128x128xf32, #tpu.memory_space<hbm>>) target_semaphore(%arg12 : memref<!tpu.dma_semaphore, #tpu.memory_space<semaphore_mem>>)
      %lt3A_78 = arith.constant 121 : i32
      %lt3A_79 = arith.cmpi slt, %scan3A_44, %lt3A_78 : i32
      %convert_element_type3A_80 = arith.extui %lt3A_79 : i1 to i32
      %cond3A_81 = arith.constant 0 : i32
      %cond3A_82 = arith.cmpi ne, %convert_element_type3A_80, %cond3A_81 : i32
      scf.if %cond3A_82 {
        %add3A_106 = arith.constant 2 : i32
        %add3A_107 = arith.addi %add3A_47, %add3A_106 : i32
        %mul3A_108 = arith.constant 128 : i32
        %mul3A_109 = arith.muli %add3A_107, %mul3A_108 : i32
        %dma_start3A_110 = arith.constant 0 : i32
        %dma_start3A_111 = tpu.memref_slice %arg2[%dma_start3A_110, %mul3A_109] : memref<64x1000000xf32, #tpu.memory_space<hbm>> -> memref<64x128xf32, #tpu.memory_space<hbm>>
        %dma_start3A_112 = arith.constant 0 : i32
        %dma_start3A_113 = tpu.memref_slice %arg2[%dma_start3A_112, %mul3A_109] : memref<64x1000000xf32, #tpu.memory_space<hbm>> -> memref<64x128xf32, #tpu.memory_space<hbm>>
        tpu.enqueue_dma source(%dma_start3A_113 : memref<64x128xf32, #tpu.memory_space<hbm>>) target(%arg5 : memref<64x128xf32, #tpu.memory_space<vmem>>) target_semaphore(%arg10 : memref<!tpu.dma_semaphore, #tpu.memory_space<semaphore_mem>>)
      } else {
      }
      %mul3A_83 = arith.constant 128 : i32
      %mul3A_84 = arith.muli %add3A_49, %mul3A_83 : i32
      %dma_wait3A_85 = arith.constant 0 : i32
      %dma_wait3A_86 = tpu.memref_slice %arg2[%dma_wait3A_85, %mul3A_84] : memref<64x1000000xf32, #tpu.memory_space<hbm>> -> memref<64x128xf32, #tpu.memory_space<hbm>>
      %dma_wait3A_87 = arith.constant 0 : i32
      %dma_wait3A_88 = tpu.memref_slice %arg2[%dma_wait3A_87, %mul3A_84] : memref<64x1000000xf32, #tpu.memory_space<hbm>> -> memref<64x128xf32, #tpu.memory_space<hbm>>
      tpu.wait_dma2 semaphore(%arg11 : memref<!tpu.dma_semaphore, #tpu.memory_space<semaphore_mem>>) src(%dma_wait3A_88 : memref<64x128xf32, #tpu.memory_space<hbm>>) dst(%arg6 : memref<64x128xf32, #tpu.memory_space<vmem>>)
      %gt3A_89 = arith.constant 0 : i32
      %gt3A_90 = arith.cmpi sgt, %scan3A_44, %gt3A_89 : i32
      %convert_element_type3A_91 = arith.extui %gt3A_90 : i1 to i32
      %cond3A_92 = arith.constant 0 : i32
      %cond3A_93 = arith.cmpi ne, %convert_element_type3A_91, %cond3A_92 : i32
      scf.if %cond3A_93 {
        %sub3A_106 = arith.constant 2 : i32
        %sub3A_107 = arith.subi %add3A_49, %sub3A_106 : i32
        %mul3A_108 = arith.constant 128 : i32
        %mul3A_109 = arith.muli %sub3A_107, %mul3A_108 : i32
        %dma_wait3A_110 = arith.constant 0 : i32
        %dma_wait3A_111 = tpu.memref_slice %arg4[%mul3A_109, %dma_wait3A_110] : memref<1000000x128xf32, #tpu.memory_space<hbm>> -> memref<128x128xf32, #tpu.memory_space<hbm>>
        %dma_wait3A_112 = arith.constant 0 : i32
        %dma_wait3A_113 = tpu.memref_slice %arg4[%mul3A_109, %dma_wait3A_112] : memref<1000000x128xf32, #tpu.memory_space<hbm>> -> memref<128x128xf32, #tpu.memory_space<hbm>>
        tpu.wait_dma2 semaphore(%arg13 : memref<!tpu.dma_semaphore, #tpu.memory_space<semaphore_mem>>) src(%arg8 : memref<128x128xf32, #tpu.memory_space<vmem>>) dst(%dma_wait3A_113 : memref<128x128xf32, #tpu.memory_space<hbm>>)
      } else {
      }
      %scan3A_94 = arith.constant 0 : i32
      %scan3A_95 = arith.constant 0 : i32
      %scan3A_96 = arith.constant 32 : i32
      %scan3A_97 = arith.addi %scan3A_95, %scan3A_96 : i32
      %scan3A_98 = arith.constant 1 : i32
      scf.for %scan3A_106 = %scan3A_95 to %scan3A_97 step %scan3A_98  : i32 {
        %mul3A_107 = arith.constant 4 : i32
        %mul3A_108 = arith.muli %scan3A_106, %mul3A_107 : i32
        %add3A_109 = arith.constant 0 : i32
        %add3A_110 = arith.addi %mul3A_108, %add3A_109 : i32
        %add3A_111 = vector.broadcast %add3A_110 : i32 to vector<16xi32>
        %add3A_112 = arith.addi %iota3A, %add3A_111 : vector<16xi32>
        %and3A = arith.constant 127 : i32
        %and3A_113 = vector.broadcast %and3A : i32 to vector<16xi32>
        %and3A_114 = arith.andi %add3A_112, %and3A_113 : vector<16xi32>
        %add3A_115 = arith.constant 1 : i32
        %add3A_116 = arith.addi %mul3A_108, %add3A_115 : i32
        %add3A_117 = vector.broadcast %add3A_116 : i32 to vector<16xi32>
        %add3A_118 = arith.addi %iota3A, %add3A_117 : vector<16xi32>
        %and3A_119 = arith.constant 127 : i32
        %and3A_120 = vector.broadcast %and3A_119 : i32 to vector<16xi32>
        %and3A_121 = arith.andi %add3A_118, %and3A_120 : vector<16xi32>
        %add3A_122 = arith.constant 2 : i32
        %add3A_123 = arith.addi %mul3A_108, %add3A_122 : i32
        %add3A_124 = vector.broadcast %add3A_123 : i32 to vector<16xi32>
        %add3A_125 = arith.addi %iota3A, %add3A_124 : vector<16xi32>
        %and3A_126 = arith.constant 127 : i32
        %and3A_127 = vector.broadcast %and3A_126 : i32 to vector<16xi32>
        %and3A_128 = arith.andi %add3A_125, %and3A_127 : vector<16xi32>
        %add3A_129 = arith.constant 3 : i32
        %add3A_130 = arith.addi %mul3A_108, %add3A_129 : i32
        %add3A_131 = vector.broadcast %add3A_130 : i32 to vector<16xi32>
        %add3A_132 = arith.addi %iota3A, %add3A_131 : vector<16xi32>
        %and3A_133 = arith.constant 127 : i32
        %and3A_134 = vector.broadcast %and3A_133 : i32 to vector<16xi32>
        %and3A_135 = arith.andi %add3A_132, %and3A_134 : vector<16xi32>
        %add3A_136 = arith.constant 0 : i32
        %add3A_137 = vector.broadcast %add3A_136 : i32 to vector<16xi32>
        %add3A_138 = arith.addi %iota3A, %add3A_137 : vector<16xi32>
        %gather3A = tpu.vector_load_idx %arg6[%add3A_138, %and3A_114] : memref<64x128xf32, #tpu.memory_space<vmem>>[vector<16xi32>, vector<16xi32>], vector<16xf32>,
        %add3A_139 = arith.constant 16 : i32
        %add3A_140 = vector.broadcast %add3A_139 : i32 to vector<16xi32>
        %add3A_141 = arith.addi %iota3A, %add3A_140 : vector<16xi32>
        %gather3A_142 = tpu.vector_load_idx %arg6[%add3A_141, %and3A_114] : memref<64x128xf32, #tpu.memory_space<vmem>>[vector<16xi32>, vector<16xi32>], vector<16xf32>,
        %add3A_143 = arith.constant 32 : i32
        %add3A_144 = vector.broadcast %add3A_143 : i32 to vector<16xi32>
        %add3A_145 = arith.addi %iota3A, %add3A_144 : vector<16xi32>
        %gather3A_146 = tpu.vector_load_idx %arg6[%add3A_145, %and3A_114] : memref<64x128xf32, #tpu.memory_space<vmem>>[vector<16xi32>, vector<16xi32>], vector<16xf32>,
        %add3A_147 = arith.constant 48 : i32
        %add3A_148 = vector.broadcast %add3A_147 : i32 to vector<16xi32>
        %add3A_149 = arith.addi %iota3A, %add3A_148 : vector<16xi32>
        %gather3A_150 = tpu.vector_load_idx %arg6[%add3A_149, %and3A_114] : memref<64x128xf32, #tpu.memory_space<vmem>>[vector<16xi32>, vector<16xi32>], vector<16xf32>,
        %add3A_151 = arith.constant 0 : i32
        %add3A_152 = vector.broadcast %add3A_151 : i32 to vector<16xi32>
        %add3A_153 = arith.addi %iota3A, %add3A_152 : vector<16xi32>
        %gather3A_154 = tpu.vector_load_idx %arg6[%add3A_153, %and3A_121] : memref<64x128xf32, #tpu.memory_space<vmem>>[vector<16xi32>, vector<16xi32>], vector<16xf32>,
        %add3A_155 = arith.constant 16 : i32
        %add3A_156 = vector.broadcast %add3A_155 : i32 to vector<16xi32>
        %add3A_157 = arith.addi %iota3A, %add3A_156 : vector<16xi32>
        %gather3A_158 = tpu.vector_load_idx %arg6[%add3A_157, %and3A_121] : memref<64x128xf32, #tpu.memory_space<vmem>>[vector<16xi32>, vector<16xi32>], vector<16xf32>,
        %add3A_159 = arith.constant 32 : i32
        %add3A_160 = vector.broadcast %add3A_159 : i32 to vector<16xi32>
        %add3A_161 = arith.addi %iota3A, %add3A_160 : vector<16xi32>
        %gather3A_162 = tpu.vector_load_idx %arg6[%add3A_161, %and3A_121] : memref<64x128xf32, #tpu.memory_space<vmem>>[vector<16xi32>, vector<16xi32>], vector<16xf32>,
        %add3A_163 = arith.constant 48 : i32
        %add3A_164 = vector.broadcast %add3A_163 : i32 to vector<16xi32>
        %add3A_165 = arith.addi %iota3A, %add3A_164 : vector<16xi32>
        %gather3A_166 = tpu.vector_load_idx %arg6[%add3A_165, %and3A_121] : memref<64x128xf32, #tpu.memory_space<vmem>>[vector<16xi32>, vector<16xi32>], vector<16xf32>,
        %add3A_167 = arith.constant 0 : i32
        %add3A_168 = vector.broadcast %add3A_167 : i32 to vector<16xi32>
        %add3A_169 = arith.addi %iota3A, %add3A_168 : vector<16xi32>
        %gather3A_170 = tpu.vector_load_idx %arg6[%add3A_169, %and3A_128] : memref<64x128xf32, #tpu.memory_space<vmem>>[vector<16xi32>, vector<16xi32>], vector<16xf32>,
        %add3A_171 = arith.constant 16 : i32
        %add3A_172 = vector.broadcast %add3A_171 : i32 to vector<16xi32>
        %add3A_173 = arith.addi %iota3A, %add3A_172 : vector<16xi32>
        %gather3A_174 = tpu.vector_load_idx %arg6[%add3A_173, %and3A_128] : memref<64x128xf32, #tpu.memory_space<vmem>>[vector<16xi32>, vector<16xi32>], vector<16xf32>,
        %add3A_175 = arith.constant 32 : i32
        %add3A_176 = vector.broadcast %add3A_175 : i32 to vector<16xi32>
        %add3A_177 = arith.addi %iota3A, %add3A_176 : vector<16xi32>
        %gather3A_178 = tpu.vector_load_idx %arg6[%add3A_177, %and3A_128] : memref<64x128xf32, #tpu.memory_space<vmem>>[vector<16xi32>, vector<16xi32>], vector<16xf32>,
        %add3A_179 = arith.constant 48 : i32
        %add3A_180 = vector.broadcast %add3A_179 : i32 to vector<16xi32>
        %add3A_181 = arith.addi %iota3A, %add3A_180 : vector<16xi32>
        %gather3A_182 = tpu.vector_load_idx %arg6[%add3A_181, %and3A_128] : memref<64x128xf32, #tpu.memory_space<vmem>>[vector<16xi32>, vector<16xi32>], vector<16xf32>,
        %add3A_183 = arith.constant 0 : i32
        %add3A_184 = vector.broadcast %add3A_183 : i32 to vector<16xi32>
        %add3A_185 = arith.addi %iota3A, %add3A_184 : vector<16xi32>
        %gather3A_186 = tpu.vector_load_idx %arg6[%add3A_185, %and3A_135] : memref<64x128xf32, #tpu.memory_space<vmem>>[vector<16xi32>, vector<16xi32>], vector<16xf32>,
        %add3A_187 = arith.constant 16 : i32
        %add3A_188 = vector.broadcast %add3A_187 : i32 to vector<16xi32>
        %add3A_189 = arith.addi %iota3A, %add3A_188 : vector<16xi32>
        %gather3A_190 = tpu.vector_load_idx %arg6[%add3A_189, %and3A_135] : memref<64x128xf32, #tpu.memory_space<vmem>>[vector<16xi32>, vector<16xi32>], vector<16xf32>,
        %add3A_191 = arith.constant 32 : i32
        %add3A_192 = vector.broadcast %add3A_191 : i32 to vector<16xi32>
        %add3A_193 = arith.addi %iota3A, %add3A_192 : vector<16xi32>
        %gather3A_194 = tpu.vector_load_idx %arg6[%add3A_193, %and3A_135] : memref<64x128xf32, #tpu.memory_space<vmem>>[vector<16xi32>, vector<16xi32>], vector<16xf32>,
        %add3A_195 = arith.constant 48 : i32
        %add3A_196 = vector.broadcast %add3A_195 : i32 to vector<16xi32>
        %add3A_197 = arith.addi %iota3A, %add3A_196 : vector<16xi32>
        %gather3A_198 = tpu.vector_load_idx %arg6[%add3A_197, %and3A_135] : memref<64x128xf32, #tpu.memory_space<vmem>>[vector<16xi32>, vector<16xi32>], vector<16xf32>,
        %add3A_199 = arith.constant 0 : i32
        %add3A_200 = vector.broadcast %add3A_199 : i32 to vector<16xi32>
        %add3A_201 = arith.addi %iota3A, %add3A_200 : vector<16xi32>
        tpu.vector_store_idx %arg8[%and3A_114, %add3A_201], %gather3A : memref<128x128xf32, #tpu.memory_space<vmem>>[vector<16xi32>, vector<16xi32>], vector<16xf32>,
        %add3A_202 = arith.constant 16 : i32
        %add3A_203 = vector.broadcast %add3A_202 : i32 to vector<16xi32>
        %add3A_204 = arith.addi %iota3A, %add3A_203 : vector<16xi32>
        tpu.vector_store_idx %arg8[%and3A_114, %add3A_204], %gather3A_142 : memref<128x128xf32, #tpu.memory_space<vmem>>[vector<16xi32>, vector<16xi32>], vector<16xf32>,
        %add3A_205 = arith.constant 32 : i32
        %add3A_206 = vector.broadcast %add3A_205 : i32 to vector<16xi32>
        %add3A_207 = arith.addi %iota3A, %add3A_206 : vector<16xi32>
        tpu.vector_store_idx %arg8[%and3A_114, %add3A_207], %gather3A_146 : memref<128x128xf32, #tpu.memory_space<vmem>>[vector<16xi32>, vector<16xi32>], vector<16xf32>,
        %add3A_208 = arith.constant 48 : i32
        %add3A_209 = vector.broadcast %add3A_208 : i32 to vector<16xi32>
        %add3A_210 = arith.addi %iota3A, %add3A_209 : vector<16xi32>
        tpu.vector_store_idx %arg8[%and3A_114, %add3A_210], %gather3A_150 : memref<128x128xf32, #tpu.memory_space<vmem>>[vector<16xi32>, vector<16xi32>], vector<16xf32>,
        %add3A_211 = arith.constant 0 : i32
        %add3A_212 = vector.broadcast %add3A_211 : i32 to vector<16xi32>
        %add3A_213 = arith.addi %iota3A, %add3A_212 : vector<16xi32>
        tpu.vector_store_idx %arg8[%and3A_121, %add3A_213], %gather3A_154 : memref<128x128xf32, #tpu.memory_space<vmem>>[vector<16xi32>, vector<16xi32>], vector<16xf32>,
        %add3A_214 = arith.constant 16 : i32
        %add3A_215 = vector.broadcast %add3A_214 : i32 to vector<16xi32>
        %add3A_216 = arith.addi %iota3A, %add3A_215 : vector<16xi32>
        tpu.vector_store_idx %arg8[%and3A_121, %add3A_216], %gather3A_158 : memref<128x128xf32, #tpu.memory_space<vmem>>[vector<16xi32>, vector<16xi32>], vector<16xf32>,
        %add3A_217 = arith.constant 32 : i32
        %add3A_218 = vector.broadcast %add3A_217 : i32 to vector<16xi32>
        %add3A_219 = arith.addi %iota3A, %add3A_218 : vector<16xi32>
        tpu.vector_store_idx %arg8[%and3A_121, %add3A_219], %gather3A_162 : memref<128x128xf32, #tpu.memory_space<vmem>>[vector<16xi32>, vector<16xi32>], vector<16xf32>,
        %add3A_220 = arith.constant 48 : i32
        %add3A_221 = vector.broadcast %add3A_220 : i32 to vector<16xi32>
        %add3A_222 = arith.addi %iota3A, %add3A_221 : vector<16xi32>
        tpu.vector_store_idx %arg8[%and3A_121, %add3A_222], %gather3A_166 : memref<128x128xf32, #tpu.memory_space<vmem>>[vector<16xi32>, vector<16xi32>], vector<16xf32>,
        %add3A_223 = arith.constant 0 : i32
        %add3A_224 = vector.broadcast %add3A_223 : i32 to vector<16xi32>
        %add3A_225 = arith.addi %iota3A, %add3A_224 : vector<16xi32>
        tpu.vector_store_idx %arg8[%and3A_128, %add3A_225], %gather3A_170 : memref<128x128xf32, #tpu.memory_space<vmem>>[vector<16xi32>, vector<16xi32>], vector<16xf32>,
        %add3A_226 = arith.constant 16 : i32
        %add3A_227 = vector.broadcast %add3A_226 : i32 to vector<16xi32>
        %add3A_228 = arith.addi %iota3A, %add3A_227 : vector<16xi32>
        tpu.vector_store_idx %arg8[%and3A_128, %add3A_228], %gather3A_174 : memref<128x128xf32, #tpu.memory_space<vmem>>[vector<16xi32>, vector<16xi32>], vector<16xf32>,
        %add3A_229 = arith.constant 32 : i32
        %add3A_230 = vector.broadcast %add3A_229 : i32 to vector<16xi32>
        %add3A_231 = arith.addi %iota3A, %add3A_230 : vector<16xi32>
        tpu.vector_store_idx %arg8[%and3A_128, %add3A_231], %gather3A_178 : memref<128x128xf32, #tpu.memory_space<vmem>>[vector<16xi32>, vector<16xi32>], vector<16xf32>,
        %add3A_232 = arith.constant 48 : i32
        %add3A_233 = vector.broadcast %add3A_232 : i32 to vector<16xi32>
        %add3A_234 = arith.addi %iota3A, %add3A_233 : vector<16xi32>
        tpu.vector_store_idx %arg8[%and3A_128, %add3A_234], %gather3A_182 : memref<128x128xf32, #tpu.memory_space<vmem>>[vector<16xi32>, vector<16xi32>], vector<16xf32>,
        %add3A_235 = arith.constant 0 : i32
        %add3A_236 = vector.broadcast %add3A_235 : i32 to vector<16xi32>
        %add3A_237 = arith.addi %iota3A, %add3A_236 : vector<16xi32>
        tpu.vector_store_idx %arg8[%and3A_135, %add3A_237], %gather3A_186 : memref<128x128xf32, #tpu.memory_space<vmem>>[vector<16xi32>, vector<16xi32>], vector<16xf32>,
        %add3A_238 = arith.constant 16 : i32
        %add3A_239 = vector.broadcast %add3A_238 : i32 to vector<16xi32>
        %add3A_240 = arith.addi %iota3A, %add3A_239 : vector<16xi32>
        tpu.vector_store_idx %arg8[%and3A_135, %add3A_240], %gather3A_190 : memref<128x128xf32, #tpu.memory_space<vmem>>[vector<16xi32>, vector<16xi32>], vector<16xf32>,
        %add3A_241 = arith.constant 32 : i32
        %add3A_242 = vector.broadcast %add3A_241 : i32 to vector<16xi32>
        %add3A_243 = arith.addi %iota3A, %add3A_242 : vector<16xi32>
        tpu.vector_store_idx %arg8[%and3A_135, %add3A_243], %gather3A_194 : memref<128x128xf32, #tpu.memory_space<vmem>>[vector<16xi32>, vector<16xi32>], vector<16xf32>,
        %add3A_244 = arith.constant 48 : i32
        %add3A_245 = vector.broadcast %add3A_244 : i32 to vector<16xi32>
        %add3A_246 = arith.addi %iota3A, %add3A_245 : vector<16xi32>
        tpu.vector_store_idx %arg8[%and3A_135, %add3A_246], %gather3A_198 : memref<128x128xf32, #tpu.memory_space<vmem>>[vector<16xi32>, vector<16xi32>], vector<16xf32>,
      }
      %scan3A_99 = arith.constant 32 : i32
      %mul3A_100 = arith.constant 128 : i32
      %mul3A_101 = arith.muli %add3A_49, %mul3A_100 : i32
      %dma_start3A_102 = arith.constant 0 : i32
      %dma_start3A_103 = tpu.memref_slice %arg4[%mul3A_101, %dma_start3A_102] : memref<1000000x128xf32, #tpu.memory_space<hbm>> -> memref<128x128xf32, #tpu.memory_space<hbm>>
      %dma_start3A_104 = arith.constant 0 : i32
      %dma_start3A_105 = tpu.memref_slice %arg4[%mul3A_101, %dma_start3A_104] : memref<1000000x128xf32, #tpu.memory_space<hbm>> -> memref<128x128xf32, #tpu.memory_space<hbm>>
      tpu.enqueue_dma source(%arg8 : memref<128x128xf32, #tpu.memory_space<vmem>>) target(%dma_start3A_105 : memref<128x128xf32, #tpu.memory_space<hbm>>) target_semaphore(%arg13 : memref<!tpu.dma_semaphore, #tpu.memory_space<semaphore_mem>>)
    }
    %scan3A_18 = arith.constant 122 : i32
    %add3A_19 = arith.constant 244 : i32
    %add3A_20 = arith.addi %add3A_4, %add3A_19 : i32
    %sub3A = arith.constant 2 : i32
    %sub3A_21 = arith.subi %add3A_20, %sub3A : i32
    %mul3A_22 = arith.constant 128 : i32
    %mul3A_23 = arith.muli %sub3A_21, %mul3A_22 : i32
    %dma_wait3A = arith.constant 0 : i32
    %dma_wait3A_24 = tpu.memref_slice %arg4[%mul3A_23, %dma_wait3A] : memref<1000000x128xf32, #tpu.memory_space<hbm>> -> memref<128x128xf32, #tpu.memory_space<hbm>>
    %dma_wait3A_25 = arith.constant 0 : i32
    %dma_wait3A_26 = tpu.memref_slice %arg4[%mul3A_23, %dma_wait3A_25] : memref<1000000x128xf32, #tpu.memory_space<hbm>> -> memref<128x128xf32, #tpu.memory_space<hbm>>
    tpu.wait_dma2 semaphore(%arg12 : memref<!tpu.dma_semaphore, #tpu.memory_space<semaphore_mem>>) src(%arg7 : memref<128x128xf32, #tpu.memory_space<vmem>>) dst(%dma_wait3A_26 : memref<128x128xf32, #tpu.memory_space<hbm>>)
    %add3A_27 = arith.constant 244 : i32
    %add3A_28 = arith.addi %add3A_4, %add3A_27 : i32
    %sub3A_29 = arith.constant 1 : i32
    %sub3A_30 = arith.subi %add3A_28, %sub3A_29 : i32
    %mul3A_31 = arith.constant 128 : i32
    %mul3A_32 = arith.muli %sub3A_30, %mul3A_31 : i32
    %dma_wait3A_33 = arith.constant 0 : i32
    %dma_wait3A_34 = tpu.memref_slice %arg4[%mul3A_32, %dma_wait3A_33] : memref<1000000x128xf32, #tpu.memory_space<hbm>> -> memref<128x128xf32, #tpu.memory_space<hbm>>
    %dma_wait3A_35 = arith.constant 0 : i32
    %dma_wait3A_36 = tpu.memref_slice %arg4[%mul3A_32, %dma_wait3A_35] : memref<1000000x128xf32, #tpu.memory_space<hbm>> -> memref<128x128xf32, #tpu.memory_space<hbm>>
    tpu.wait_dma2 semaphore(%arg13 : memref<!tpu.dma_semaphore, #tpu.memory_space<semaphore_mem>>) src(%arg8 : memref<128x128xf32, #tpu.memory_space<vmem>>) dst(%dma_wait3A_36 : memref<128x128xf32, #tpu.memory_space<hbm>>)
    %lt3A_37 = arith.constant 4 : i32
    %lt3A_38 = arith.cmpi slt, %add3A, %lt3A_37 : i32
    %convert_element_type3A = arith.extui %lt3A_38 : i1 to i32
    %cond3A = arith.constant 0 : i32
    %cond3A_39 = arith.cmpi ne, %convert_element_type3A, %cond3A : i32
    scf.if %cond3A_39 {
      %add3A_44 = arith.constant 244 : i32
      %add3A_45 = arith.addi %add3A_4, %add3A_44 : i32
      %mul3A_46 = arith.constant 128 : i32
      %mul3A_47 = arith.muli %add3A_45, %mul3A_46 : i32
      %dma_start3A_48 = arith.constant 0 : i32
      %dma_start3A_49 = tpu.memref_slice %arg2[%dma_start3A_48, %mul3A_47] : memref<64x1000000xf32, #tpu.memory_space<hbm>> -> memref<64x128xf32, #tpu.memory_space<hbm>>
      %dma_start3A_50 = arith.constant 0 : i32
      %dma_start3A_51 = tpu.memref_slice %arg2[%dma_start3A_50, %mul3A_47] : memref<64x1000000xf32, #tpu.memory_space<hbm>> -> memref<64x128xf32, #tpu.memory_space<hbm>>
      tpu.enqueue_dma source(%dma_start3A_51 : memref<64x128xf32, #tpu.memory_space<hbm>>) target(%arg5 : memref<64x128xf32, #tpu.memory_space<vmem>>) target_semaphore(%arg10 : memref<!tpu.dma_semaphore, #tpu.memory_space<semaphore_mem>>)
      %mul3A_52 = arith.constant 128 : i32
      %mul3A_53 = arith.muli %add3A_45, %mul3A_52 : i32
      %dma_wait3A_54 = arith.constant 0 : i32
      %dma_wait3A_55 = tpu.memref_slice %arg2[%dma_wait3A_54, %mul3A_53] : memref<64x1000000xf32, #tpu.memory_space<hbm>> -> memref<64x128xf32, #tpu.memory_space<hbm>>
      %dma_wait3A_56 = arith.constant 0 : i32
      %dma_wait3A_57 = tpu.memref_slice %arg2[%dma_wait3A_56, %mul3A_53] : memref<64x1000000xf32, #tpu.memory_space<hbm>> -> memref<64x128xf32, #tpu.memory_space<hbm>>
      tpu.wait_dma2 semaphore(%arg10 : memref<!tpu.dma_semaphore, #tpu.memory_space<semaphore_mem>>) src(%dma_wait3A_57 : memref<64x128xf32, #tpu.memory_space<hbm>>) dst(%arg5 : memref<64x128xf32, #tpu.memory_space<vmem>>)
      %scan3A_58 = arith.constant 0 : i32
      %scan3A_59 = arith.constant 0 : i32
      %scan3A_60 = arith.constant 32 : i32
      %scan3A_61 = arith.addi %scan3A_59, %scan3A_60 : i32
      %scan3A_62 = arith.constant 1 : i32
      scf.for %scan3A_76 = %scan3A_59 to %scan3A_61 step %scan3A_62  : i32 {
        %mul3A_77 = arith.constant 4 : i32
        %mul3A_78 = arith.muli %scan3A_76, %mul3A_77 : i32
        %add3A_79 = arith.constant 0 : i32
        %add3A_80 = arith.addi %mul3A_78, %add3A_79 : i32
        %add3A_81 = vector.broadcast %add3A_80 : i32 to vector<16xi32>
        %add3A_82 = arith.addi %iota3A, %add3A_81 : vector<16xi32>
        %and3A = arith.constant 127 : i32
        %and3A_83 = vector.broadcast %and3A : i32 to vector<16xi32>
        %and3A_84 = arith.andi %add3A_82, %and3A_83 : vector<16xi32>
        %add3A_85 = arith.constant 1 : i32
        %add3A_86 = arith.addi %mul3A_78, %add3A_85 : i32
        %add3A_87 = vector.broadcast %add3A_86 : i32 to vector<16xi32>
        %add3A_88 = arith.addi %iota3A, %add3A_87 : vector<16xi32>
        %and3A_89 = arith.constant 127 : i32
        %and3A_90 = vector.broadcast %and3A_89 : i32 to vector<16xi32>
        %and3A_91 = arith.andi %add3A_88, %and3A_90 : vector<16xi32>
        %add3A_92 = arith.constant 2 : i32
        %add3A_93 = arith.addi %mul3A_78, %add3A_92 : i32
        %add3A_94 = vector.broadcast %add3A_93 : i32 to vector<16xi32>
        %add3A_95 = arith.addi %iota3A, %add3A_94 : vector<16xi32>
        %and3A_96 = arith.constant 127 : i32
        %and3A_97 = vector.broadcast %and3A_96 : i32 to vector<16xi32>
        %and3A_98 = arith.andi %add3A_95, %and3A_97 : vector<16xi32>
        %add3A_99 = arith.constant 3 : i32
        %add3A_100 = arith.addi %mul3A_78, %add3A_99 : i32
        %add3A_101 = vector.broadcast %add3A_100 : i32 to vector<16xi32>
        %add3A_102 = arith.addi %iota3A, %add3A_101 : vector<16xi32>
        %and3A_103 = arith.constant 127 : i32
        %and3A_104 = vector.broadcast %and3A_103 : i32 to vector<16xi32>
        %and3A_105 = arith.andi %add3A_102, %and3A_104 : vector<16xi32>
        %add3A_106 = arith.constant 0 : i32
        %add3A_107 = vector.broadcast %add3A_106 : i32 to vector<16xi32>
        %add3A_108 = arith.addi %iota3A, %add3A_107 : vector<16xi32>
        %gather3A = tpu.vector_load_idx %arg5[%add3A_108, %and3A_84] : memref<64x128xf32, #tpu.memory_space<vmem>>[vector<16xi32>, vector<16xi32>], vector<16xf32>,
        %add3A_109 = arith.constant 16 : i32
        %add3A_110 = vector.broadcast %add3A_109 : i32 to vector<16xi32>
        %add3A_111 = arith.addi %iota3A, %add3A_110 : vector<16xi32>
        %gather3A_112 = tpu.vector_load_idx %arg5[%add3A_111, %and3A_84] : memref<64x128xf32, #tpu.memory_space<vmem>>[vector<16xi32>, vector<16xi32>], vector<16xf32>,
        %add3A_113 = arith.constant 32 : i32
        %add3A_114 = vector.broadcast %add3A_113 : i32 to vector<16xi32>
        %add3A_115 = arith.addi %iota3A, %add3A_114 : vector<16xi32>
        %gather3A_116 = tpu.vector_load_idx %arg5[%add3A_115, %and3A_84] : memref<64x128xf32, #tpu.memory_space<vmem>>[vector<16xi32>, vector<16xi32>], vector<16xf32>,
        %add3A_117 = arith.constant 48 : i32
        %add3A_118 = vector.broadcast %add3A_117 : i32 to vector<16xi32>
        %add3A_119 = arith.addi %iota3A, %add3A_118 : vector<16xi32>
        %gather3A_120 = tpu.vector_load_idx %arg5[%add3A_119, %and3A_84] : memref<64x128xf32, #tpu.memory_space<vmem>>[vector<16xi32>, vector<16xi32>], vector<16xf32>,
        %add3A_121 = arith.constant 0 : i32
        %add3A_122 = vector.broadcast %add3A_121 : i32 to vector<16xi32>
        %add3A_123 = arith.addi %iota3A, %add3A_122 : vector<16xi32>
        %gather3A_124 = tpu.vector_load_idx %arg5[%add3A_123, %and3A_91] : memref<64x128xf32, #tpu.memory_space<vmem>>[vector<16xi32>, vector<16xi32>], vector<16xf32>,
        %add3A_125 = arith.constant 16 : i32
        %add3A_126 = vector.broadcast %add3A_125 : i32 to vector<16xi32>
        %add3A_127 = arith.addi %iota3A, %add3A_126 : vector<16xi32>
        %gather3A_128 = tpu.vector_load_idx %arg5[%add3A_127, %and3A_91] : memref<64x128xf32, #tpu.memory_space<vmem>>[vector<16xi32>, vector<16xi32>], vector<16xf32>,
        %add3A_129 = arith.constant 32 : i32
        %add3A_130 = vector.broadcast %add3A_129 : i32 to vector<16xi32>
        %add3A_131 = arith.addi %iota3A, %add3A_130 : vector<16xi32>
        %gather3A_132 = tpu.vector_load_idx %arg5[%add3A_131, %and3A_91] : memref<64x128xf32, #tpu.memory_space<vmem>>[vector<16xi32>, vector<16xi32>], vector<16xf32>,
        %add3A_133 = arith.constant 48 : i32
        %add3A_134 = vector.broadcast %add3A_133 : i32 to vector<16xi32>
        %add3A_135 = arith.addi %iota3A, %add3A_134 : vector<16xi32>
        %gather3A_136 = tpu.vector_load_idx %arg5[%add3A_135, %and3A_91] : memref<64x128xf32, #tpu.memory_space<vmem>>[vector<16xi32>, vector<16xi32>], vector<16xf32>,
        %add3A_137 = arith.constant 0 : i32
        %add3A_138 = vector.broadcast %add3A_137 : i32 to vector<16xi32>
        %add3A_139 = arith.addi %iota3A, %add3A_138 : vector<16xi32>
        %gather3A_140 = tpu.vector_load_idx %arg5[%add3A_139, %and3A_98] : memref<64x128xf32, #tpu.memory_space<vmem>>[vector<16xi32>, vector<16xi32>], vector<16xf32>,
        %add3A_141 = arith.constant 16 : i32
        %add3A_142 = vector.broadcast %add3A_141 : i32 to vector<16xi32>
        %add3A_143 = arith.addi %iota3A, %add3A_142 : vector<16xi32>
        %gather3A_144 = tpu.vector_load_idx %arg5[%add3A_143, %and3A_98] : memref<64x128xf32, #tpu.memory_space<vmem>>[vector<16xi32>, vector<16xi32>], vector<16xf32>,
        %add3A_145 = arith.constant 32 : i32
        %add3A_146 = vector.broadcast %add3A_145 : i32 to vector<16xi32>
        %add3A_147 = arith.addi %iota3A, %add3A_146 : vector<16xi32>
        %gather3A_148 = tpu.vector_load_idx %arg5[%add3A_147, %and3A_98] : memref<64x128xf32, #tpu.memory_space<vmem>>[vector<16xi32>, vector<16xi32>], vector<16xf32>,
        %add3A_149 = arith.constant 48 : i32
        %add3A_150 = vector.broadcast %add3A_149 : i32 to vector<16xi32>
        %add3A_151 = arith.addi %iota3A, %add3A_150 : vector<16xi32>
        %gather3A_152 = tpu.vector_load_idx %arg5[%add3A_151, %and3A_98] : memref<64x128xf32, #tpu.memory_space<vmem>>[vector<16xi32>, vector<16xi32>], vector<16xf32>,
        %add3A_153 = arith.constant 0 : i32
        %add3A_154 = vector.broadcast %add3A_153 : i32 to vector<16xi32>
        %add3A_155 = arith.addi %iota3A, %add3A_154 : vector<16xi32>
        %gather3A_156 = tpu.vector_load_idx %arg5[%add3A_155, %and3A_105] : memref<64x128xf32, #tpu.memory_space<vmem>>[vector<16xi32>, vector<16xi32>], vector<16xf32>,
        %add3A_157 = arith.constant 16 : i32
        %add3A_158 = vector.broadcast %add3A_157 : i32 to vector<16xi32>
        %add3A_159 = arith.addi %iota3A, %add3A_158 : vector<16xi32>
        %gather3A_160 = tpu.vector_load_idx %arg5[%add3A_159, %and3A_105] : memref<64x128xf32, #tpu.memory_space<vmem>>[vector<16xi32>, vector<16xi32>], vector<16xf32>,
        %add3A_161 = arith.constant 32 : i32
        %add3A_162 = vector.broadcast %add3A_161 : i32 to vector<16xi32>
        %add3A_163 = arith.addi %iota3A, %add3A_162 : vector<16xi32>
        %gather3A_164 = tpu.vector_load_idx %arg5[%add3A_163, %and3A_105] : memref<64x128xf32, #tpu.memory_space<vmem>>[vector<16xi32>, vector<16xi32>], vector<16xf32>,
        %add3A_165 = arith.constant 48 : i32
        %add3A_166 = vector.broadcast %add3A_165 : i32 to vector<16xi32>
        %add3A_167 = arith.addi %iota3A, %add3A_166 : vector<16xi32>
        %gather3A_168 = tpu.vector_load_idx %arg5[%add3A_167, %and3A_105] : memref<64x128xf32, #tpu.memory_space<vmem>>[vector<16xi32>, vector<16xi32>], vector<16xf32>,
        %add3A_169 = arith.constant 0 : i32
        %add3A_170 = vector.broadcast %add3A_169 : i32 to vector<16xi32>
        %add3A_171 = arith.addi %iota3A, %add3A_170 : vector<16xi32>
        tpu.vector_store_idx %arg7[%and3A_84, %add3A_171], %gather3A : memref<128x128xf32, #tpu.memory_space<vmem>>[vector<16xi32>, vector<16xi32>], vector<16xf32>,
        %add3A_172 = arith.constant 16 : i32
        %add3A_173 = vector.broadcast %add3A_172 : i32 to vector<16xi32>
        %add3A_174 = arith.addi %iota3A, %add3A_173 : vector<16xi32>
        tpu.vector_store_idx %arg7[%and3A_84, %add3A_174], %gather3A_112 : memref<128x128xf32, #tpu.memory_space<vmem>>[vector<16xi32>, vector<16xi32>], vector<16xf32>,
        %add3A_175 = arith.constant 32 : i32
        %add3A_176 = vector.broadcast %add3A_175 : i32 to vector<16xi32>
        %add3A_177 = arith.addi %iota3A, %add3A_176 : vector<16xi32>
        tpu.vector_store_idx %arg7[%and3A_84, %add3A_177], %gather3A_116 : memref<128x128xf32, #tpu.memory_space<vmem>>[vector<16xi32>, vector<16xi32>], vector<16xf32>,
        %add3A_178 = arith.constant 48 : i32
        %add3A_179 = vector.broadcast %add3A_178 : i32 to vector<16xi32>
        %add3A_180 = arith.addi %iota3A, %add3A_179 : vector<16xi32>
        tpu.vector_store_idx %arg7[%and3A_84, %add3A_180], %gather3A_120 : memref<128x128xf32, #tpu.memory_space<vmem>>[vector<16xi32>, vector<16xi32>], vector<16xf32>,
        %add3A_181 = arith.constant 0 : i32
        %add3A_182 = vector.broadcast %add3A_181 : i32 to vector<16xi32>
        %add3A_183 = arith.addi %iota3A, %add3A_182 : vector<16xi32>
        tpu.vector_store_idx %arg7[%and3A_91, %add3A_183], %gather3A_124 : memref<128x128xf32, #tpu.memory_space<vmem>>[vector<16xi32>, vector<16xi32>], vector<16xf32>,
        %add3A_184 = arith.constant 16 : i32
        %add3A_185 = vector.broadcast %add3A_184 : i32 to vector<16xi32>
        %add3A_186 = arith.addi %iota3A, %add3A_185 : vector<16xi32>
        tpu.vector_store_idx %arg7[%and3A_91, %add3A_186], %gather3A_128 : memref<128x128xf32, #tpu.memory_space<vmem>>[vector<16xi32>, vector<16xi32>], vector<16xf32>,
        %add3A_187 = arith.constant 32 : i32
        %add3A_188 = vector.broadcast %add3A_187 : i32 to vector<16xi32>
        %add3A_189 = arith.addi %iota3A, %add3A_188 : vector<16xi32>
        tpu.vector_store_idx %arg7[%and3A_91, %add3A_189], %gather3A_132 : memref<128x128xf32, #tpu.memory_space<vmem>>[vector<16xi32>, vector<16xi32>], vector<16xf32>,
        %add3A_190 = arith.constant 48 : i32
        %add3A_191 = vector.broadcast %add3A_190 : i32 to vector<16xi32>
        %add3A_192 = arith.addi %iota3A, %add3A_191 : vector<16xi32>
        tpu.vector_store_idx %arg7[%and3A_91, %add3A_192], %gather3A_136 : memref<128x128xf32, #tpu.memory_space<vmem>>[vector<16xi32>, vector<16xi32>], vector<16xf32>,
        %add3A_193 = arith.constant 0 : i32
        %add3A_194 = vector.broadcast %add3A_193 : i32 to vector<16xi32>
        %add3A_195 = arith.addi %iota3A, %add3A_194 : vector<16xi32>
        tpu.vector_store_idx %arg7[%and3A_98, %add3A_195], %gather3A_140 : memref<128x128xf32, #tpu.memory_space<vmem>>[vector<16xi32>, vector<16xi32>], vector<16xf32>,
        %add3A_196 = arith.constant 16 : i32
        %add3A_197 = vector.broadcast %add3A_196 : i32 to vector<16xi32>
        %add3A_198 = arith.addi %iota3A, %add3A_197 : vector<16xi32>
        tpu.vector_store_idx %arg7[%and3A_98, %add3A_198], %gather3A_144 : memref<128x128xf32, #tpu.memory_space<vmem>>[vector<16xi32>, vector<16xi32>], vector<16xf32>,
        %add3A_199 = arith.constant 32 : i32
        %add3A_200 = vector.broadcast %add3A_199 : i32 to vector<16xi32>
        %add3A_201 = arith.addi %iota3A, %add3A_200 : vector<16xi32>
        tpu.vector_store_idx %arg7[%and3A_98, %add3A_201], %gather3A_148 : memref<128x128xf32, #tpu.memory_space<vmem>>[vector<16xi32>, vector<16xi32>], vector<16xf32>,
        %add3A_202 = arith.constant 48 : i32
        %add3A_203 = vector.broadcast %add3A_202 : i32 to vector<16xi32>
        %add3A_204 = arith.addi %iota3A, %add3A_203 : vector<16xi32>
        tpu.vector_store_idx %arg7[%and3A_98, %add3A_204], %gather3A_152 : memref<128x128xf32, #tpu.memory_space<vmem>>[vector<16xi32>, vector<16xi32>], vector<16xf32>,
        %add3A_205 = arith.constant 0 : i32
        %add3A_206 = vector.broadcast %add3A_205 : i32 to vector<16xi32>
        %add3A_207 = arith.addi %iota3A, %add3A_206 : vector<16xi32>
        tpu.vector_store_idx %arg7[%and3A_105, %add3A_207], %gather3A_156 : memref<128x128xf32, #tpu.memory_space<vmem>>[vector<16xi32>, vector<16xi32>], vector<16xf32>,
        %add3A_208 = arith.constant 16 : i32
        %add3A_209 = vector.broadcast %add3A_208 : i32 to vector<16xi32>
        %add3A_210 = arith.addi %iota3A, %add3A_209 : vector<16xi32>
        tpu.vector_store_idx %arg7[%and3A_105, %add3A_210], %gather3A_160 : memref<128x128xf32, #tpu.memory_space<vmem>>[vector<16xi32>, vector<16xi32>], vector<16xf32>,
        %add3A_211 = arith.constant 32 : i32
        %add3A_212 = vector.broadcast %add3A_211 : i32 to vector<16xi32>
        %add3A_213 = arith.addi %iota3A, %add3A_212 : vector<16xi32>
        tpu.vector_store_idx %arg7[%and3A_105, %add3A_213], %gather3A_164 : memref<128x128xf32, #tpu.memory_space<vmem>>[vector<16xi32>, vector<16xi32>], vector<16xf32>,
        %add3A_214 = arith.constant 48 : i32
        %add3A_215 = vector.broadcast %add3A_214 : i32 to vector<16xi32>
        %add3A_216 = arith.addi %iota3A, %add3A_215 : vector<16xi32>
        tpu.vector_store_idx %arg7[%and3A_105, %add3A_216], %gather3A_168 : memref<128x128xf32, #tpu.memory_space<vmem>>[vector<16xi32>, vector<16xi32>], vector<16xf32>,
      }
      %scan3A_63 = arith.constant 32 : i32
      %mul3A_64 = arith.constant 128 : i32
      %mul3A_65 = arith.muli %add3A_45, %mul3A_64 : i32
      %dma_start3A_66 = arith.constant 0 : i32
      %dma_start3A_67 = tpu.memref_slice %arg4[%mul3A_65, %dma_start3A_66] : memref<1000000x128xf32, #tpu.memory_space<hbm>> -> memref<128x128xf32, #tpu.memory_space<hbm>>
      %dma_start3A_68 = arith.constant 0 : i32
      %dma_start3A_69 = tpu.memref_slice %arg4[%mul3A_65, %dma_start3A_68] : memref<1000000x128xf32, #tpu.memory_space<hbm>> -> memref<128x128xf32, #tpu.memory_space<hbm>>
      tpu.enqueue_dma source(%arg7 : memref<128x128xf32, #tpu.memory_space<vmem>>) target(%dma_start3A_69 : memref<128x128xf32, #tpu.memory_space<hbm>>) target_semaphore(%arg12 : memref<!tpu.dma_semaphore, #tpu.memory_space<semaphore_mem>>)
      %mul3A_70 = arith.constant 128 : i32
      %mul3A_71 = arith.muli %add3A_45, %mul3A_70 : i32
      %dma_wait3A_72 = arith.constant 0 : i32
      %dma_wait3A_73 = tpu.memref_slice %arg4[%mul3A_71, %dma_wait3A_72] : memref<1000000x128xf32, #tpu.memory_space<hbm>> -> memref<128x128xf32, #tpu.memory_space<hbm>>
      %dma_wait3A_74 = arith.constant 0 : i32
      %dma_wait3A_75 = tpu.memref_slice %arg4[%mul3A_71, %dma_wait3A_74] : memref<1000000x128xf32, #tpu.memory_space<hbm>> -> memref<128x128xf32, #tpu.memory_space<hbm>>
      tpu.wait_dma2 semaphore(%arg12 : memref<!tpu.dma_semaphore, #tpu.memory_space<semaphore_mem>>) src(%arg7 : memref<128x128xf32, #tpu.memory_space<vmem>>) dst(%dma_wait3A_75 : memref<128x128xf32, #tpu.memory_space<hbm>>)
    } else {
    }
    %eq3A = arith.constant 31 : i32
    %eq3A_40 = arith.cmpi eq, %add3A, %eq3A : i32
    %convert_element_type3A_41 = arith.extui %eq3A_40 : i1 to i32
    %cond3A_42 = arith.constant 0 : i32
    %cond3A_43 = arith.cmpi ne, %convert_element_type3A_41, %cond3A_42 : i32
    scf.if %cond3A_43 {
      "tpu.region"() ({
        %run_scoped3A = tpu.sem_alloc : memref<!tpu.dma_semaphore, #tpu.memory_space<semaphore_mem>>
        tpu.enqueue_dma source(%arg3 : memref<64x64xf32, #tpu.memory_space<hbm>>) target(%arg9 : memref<64x64xf32, #tpu.memory_space<vmem>>) target_semaphore(%run_scoped3A : memref<!tpu.dma_semaphore, #tpu.memory_space<semaphore_mem>>)
        tpu.wait_dma2 semaphore(%run_scoped3A : memref<!tpu.dma_semaphore, #tpu.memory_space<semaphore_mem>>) src(%arg3 : memref<64x64xf32, #tpu.memory_space<hbm>>) dst(%arg9 : memref<64x64xf32, #tpu.memory_space<vmem>>)
        tpu.yield
      }) : () -> ()
      %scan3A_44 = arith.constant 0 : i32
      %scan3A_45 = arith.constant 0 : i32
      %scan3A_46 = arith.constant 8 : i32
      %scan3A_47 = arith.addi %scan3A_45, %scan3A_46 : i32
      %scan3A_48 = arith.constant 1 : i32
      scf.for %scan3A_50 = %scan3A_45 to %scan3A_47 step %scan3A_48  : i32 {
        %mul3A_51 = arith.constant 8 : i32
        %mul3A_52 = arith.muli %scan3A_50, %mul3A_51 : i32
        %add3A_53 = arith.constant 0 : i32
        %add3A_54 = arith.addi %mul3A_52, %add3A_53 : i32
        %get3A = arith.index_cast %add3A_54 : i32 to index
        %get3A_55 = arith.constant 0 : index
        %get3A_56 = tpu.vector_load %arg9[%get3A, %get3A_55] {strides = array<i32>} : memref<64x64xf32, #tpu.memory_space<vmem>>, vector<16xf32>,
        %swap3A = arith.index_cast %add3A_54 : i32 to index
        %swap3A_57 = arith.constant 0 : index
        %swap3A_58 = tpu.vector_load %arg7[%swap3A, %swap3A_57] {strides = array<i32>} : memref<128x128xf32, #tpu.memory_space<vmem>>, vector<16xf32>,
        tpu.vector_store %arg7[%swap3A, %swap3A_57], %get3A_56 {strides = array<i32>} : memref<128x128xf32, #tpu.memory_space<vmem>>, vector<16xf32>,
        %get3A_59 = arith.index_cast %add3A_54 : i32 to index
        %get3A_60 = arith.constant 16 : index
        %get3A_61 = tpu.vector_load %arg9[%get3A_59, %get3A_60] {strides = array<i32>} : memref<64x64xf32, #tpu.memory_space<vmem>>, vector<16xf32>,
        %swap3A_62 = arith.index_cast %add3A_54 : i32 to index
        %swap3A_63 = arith.constant 16 : index
        %swap3A_64 = tpu.vector_load %arg7[%swap3A_62, %swap3A_63] {strides = array<i32>} : memref<128x128xf32, #tpu.memory_space<vmem>>, vector<16xf32>,
        tpu.vector_store %arg7[%swap3A_62, %swap3A_63], %get3A_61 {strides = array<i32>} : memref<128x128xf32, #tpu.memory_space<vmem>>, vector<16xf32>,
        %get3A_65 = arith.index_cast %add3A_54 : i32 to index
        %get3A_66 = arith.constant 32 : index
        %get3A_67 = tpu.vector_load %arg9[%get3A_65, %get3A_66] {strides = array<i32>} : memref<64x64xf32, #tpu.memory_space<vmem>>, vector<16xf32>,
        %swap3A_68 = arith.index_cast %add3A_54 : i32 to index
        %swap3A_69 = arith.constant 32 : index
        %swap3A_70 = tpu.vector_load %arg7[%swap3A_68, %swap3A_69] {strides = array<i32>} : memref<128x128xf32, #tpu.memory_space<vmem>>, vector<16xf32>,
        tpu.vector_store %arg7[%swap3A_68, %swap3A_69], %get3A_67 {strides = array<i32>} : memref<128x128xf32, #tpu.memory_space<vmem>>, vector<16xf32>,
        %get3A_71 = arith.index_cast %add3A_54 : i32 to index
        %get3A_72 = arith.constant 48 : index
        %get3A_73 = tpu.vector_load %arg9[%get3A_71, %get3A_72] {strides = array<i32>} : memref<64x64xf32, #tpu.memory_space<vmem>>, vector<16xf32>,
        %swap3A_74 = arith.index_cast %add3A_54 : i32 to index
        %swap3A_75 = arith.constant 48 : index
        %swap3A_76 = tpu.vector_load %arg7[%swap3A_74, %swap3A_75] {strides = array<i32>} : memref<128x128xf32, #tpu.memory_space<vmem>>, vector<16xf32>,
        tpu.vector_store %arg7[%swap3A_74, %swap3A_75], %get3A_73 {strides = array<i32>} : memref<128x128xf32, #tpu.memory_space<vmem>>, vector<16xf32>,
        %mul3A_77 = arith.constant 8 : i32
        %mul3A_78 = arith.muli %scan3A_50, %mul3A_77 : i32
        %add3A_79 = arith.constant 1 : i32
        %add3A_80 = arith.addi %mul3A_78, %add3A_79 : i32
        %get3A_81 = arith.index_cast %add3A_80 : i32 to index
        %get3A_82 = arith.constant 0 : index
        %get3A_83 = tpu.vector_load %arg9[%get3A_81, %get3A_82] {strides = array<i32>} : memref<64x64xf32, #tpu.memory_space<vmem>>, vector<16xf32>,
        %swap3A_84 = arith.index_cast %add3A_80 : i32 to index
        %swap3A_85 = arith.constant 0 : index
        %swap3A_86 = tpu.vector_load %arg7[%swap3A_84, %swap3A_85] {strides = array<i32>} : memref<128x128xf32, #tpu.memory_space<vmem>>, vector<16xf32>,
        tpu.vector_store %arg7[%swap3A_84, %swap3A_85], %get3A_83 {strides = array<i32>} : memref<128x128xf32, #tpu.memory_space<vmem>>, vector<16xf32>,
        %get3A_87 = arith.index_cast %add3A_80 : i32 to index
        %get3A_88 = arith.constant 16 : index
        %get3A_89 = tpu.vector_load %arg9[%get3A_87, %get3A_88] {strides = array<i32>} : memref<64x64xf32, #tpu.memory_space<vmem>>, vector<16xf32>,
        %swap3A_90 = arith.index_cast %add3A_80 : i32 to index
        %swap3A_91 = arith.constant 16 : index
        %swap3A_92 = tpu.vector_load %arg7[%swap3A_90, %swap3A_91] {strides = array<i32>} : memref<128x128xf32, #tpu.memory_space<vmem>>, vector<16xf32>,
        tpu.vector_store %arg7[%swap3A_90, %swap3A_91], %get3A_89 {strides = array<i32>} : memref<128x128xf32, #tpu.memory_space<vmem>>, vector<16xf32>,
        %get3A_93 = arith.index_cast %add3A_80 : i32 to index
        %get3A_94 = arith.constant 32 : index
        %get3A_95 = tpu.vector_load %arg9[%get3A_93, %get3A_94] {strides = array<i32>} : memref<64x64xf32, #tpu.memory_space<vmem>>, vector<16xf32>,
        %swap3A_96 = arith.index_cast %add3A_80 : i32 to index
        %swap3A_97 = arith.constant 32 : index
        %swap3A_98 = tpu.vector_load %arg7[%swap3A_96, %swap3A_97] {strides = array<i32>} : memref<128x128xf32, #tpu.memory_space<vmem>>, vector<16xf32>,
        tpu.vector_store %arg7[%swap3A_96, %swap3A_97], %get3A_95 {strides = array<i32>} : memref<128x128xf32, #tpu.memory_space<vmem>>, vector<16xf32>,
        %get3A_99 = arith.index_cast %add3A_80 : i32 to index
        %get3A_100 = arith.constant 48 : index
        %get3A_101 = tpu.vector_load %arg9[%get3A_99, %get3A_100] {strides = array<i32>} : memref<64x64xf32, #tpu.memory_space<vmem>>, vector<16xf32>,
        %swap3A_102 = arith.index_cast %add3A_80 : i32 to index
        %swap3A_103 = arith.constant 48 : index
        %swap3A_104 = tpu.vector_load %arg7[%swap3A_102, %swap3A_103] {strides = array<i32>} : memref<128x128xf32, #tpu.memory_space<vmem>>, vector<16xf32>,
        tpu.vector_store %arg7[%swap3A_102, %swap3A_103], %get3A_101 {strides = array<i32>} : memref<128x128xf32, #tpu.memory_space<vmem>>, vector<16xf32>,
        %mul3A_105 = arith.constant 8 : i32
        %mul3A_106 = arith.muli %scan3A_50, %mul3A_105 : i32
        %add3A_107 = arith.constant 2 : i32
        %add3A_108 = arith.addi %mul3A_106, %add3A_107 : i32
        %get3A_109 = arith.index_cast %add3A_108 : i32 to index
        %get3A_110 = arith.constant 0 : index
        %get3A_111 = tpu.vector_load %arg9[%get3A_109, %get3A_110] {strides = array<i32>} : memref<64x64xf32, #tpu.memory_space<vmem>>, vector<16xf32>,
        %swap3A_112 = arith.index_cast %add3A_108 : i32 to index
        %swap3A_113 = arith.constant 0 : index
        %swap3A_114 = tpu.vector_load %arg7[%swap3A_112, %swap3A_113] {strides = array<i32>} : memref<128x128xf32, #tpu.memory_space<vmem>>, vector<16xf32>,
        tpu.vector_store %arg7[%swap3A_112, %swap3A_113], %get3A_111 {strides = array<i32>} : memref<128x128xf32, #tpu.memory_space<vmem>>, vector<16xf32>,
        %get3A_115 = arith.index_cast %add3A_108 : i32 to index
        %get3A_116 = arith.constant 16 : index
        %get3A_117 = tpu.vector_load %arg9[%get3A_115, %get3A_116] {strides = array<i32>} : memref<64x64xf32, #tpu.memory_space<vmem>>, vector<16xf32>,
        %swap3A_118 = arith.index_cast %add3A_108 : i32 to index
        %swap3A_119 = arith.constant 16 : index
        %swap3A_120 = tpu.vector_load %arg7[%swap3A_118, %swap3A_119] {strides = array<i32>} : memref<128x128xf32, #tpu.memory_space<vmem>>, vector<16xf32>,
        tpu.vector_store %arg7[%swap3A_118, %swap3A_119], %get3A_117 {strides = array<i32>} : memref<128x128xf32, #tpu.memory_space<vmem>>, vector<16xf32>,
        %get3A_121 = arith.index_cast %add3A_108 : i32 to index
        %get3A_122 = arith.constant 32 : index
        %get3A_123 = tpu.vector_load %arg9[%get3A_121, %get3A_122] {strides = array<i32>} : memref<64x64xf32, #tpu.memory_space<vmem>>, vector<16xf32>,
        %swap3A_124 = arith.index_cast %add3A_108 : i32 to index
        %swap3A_125 = arith.constant 32 : index
        %swap3A_126 = tpu.vector_load %arg7[%swap3A_124, %swap3A_125] {strides = array<i32>} : memref<128x128xf32, #tpu.memory_space<vmem>>, vector<16xf32>,
        tpu.vector_store %arg7[%swap3A_124, %swap3A_125], %get3A_123 {strides = array<i32>} : memref<128x128xf32, #tpu.memory_space<vmem>>, vector<16xf32>,
        %get3A_127 = arith.index_cast %add3A_108 : i32 to index
        %get3A_128 = arith.constant 48 : index
        %get3A_129 = tpu.vector_load %arg9[%get3A_127, %get3A_128] {strides = array<i32>} : memref<64x64xf32, #tpu.memory_space<vmem>>, vector<16xf32>,
        %swap3A_130 = arith.index_cast %add3A_108 : i32 to index
        %swap3A_131 = arith.constant 48 : index
        %swap3A_132 = tpu.vector_load %arg7[%swap3A_130, %swap3A_131] {strides = array<i32>} : memref<128x128xf32, #tpu.memory_space<vmem>>, vector<16xf32>,
        tpu.vector_store %arg7[%swap3A_130, %swap3A_131], %get3A_129 {strides = array<i32>} : memref<128x128xf32, #tpu.memory_space<vmem>>, vector<16xf32>,
        %mul3A_133 = arith.constant 8 : i32
        %mul3A_134 = arith.muli %scan3A_50, %mul3A_133 : i32
        %add3A_135 = arith.constant 3 : i32
        %add3A_136 = arith.addi %mul3A_134, %add3A_135 : i32
        %get3A_137 = arith.index_cast %add3A_136 : i32 to index
        %get3A_138 = arith.constant 0 : index
        %get3A_139 = tpu.vector_load %arg9[%get3A_137, %get3A_138] {strides = array<i32>} : memref<64x64xf32, #tpu.memory_space<vmem>>, vector<16xf32>,
        %swap3A_140 = arith.index_cast %add3A_136 : i32 to index
        %swap3A_141 = arith.constant 0 : index
        %swap3A_142 = tpu.vector_load %arg7[%swap3A_140, %swap3A_141] {strides = array<i32>} : memref<128x128xf32, #tpu.memory_space<vmem>>, vector<16xf32>,
        tpu.vector_store %arg7[%swap3A_140, %swap3A_141], %get3A_139 {strides = array<i32>} : memref<128x128xf32, #tpu.memory_space<vmem>>, vector<16xf32>,
        %get3A_143 = arith.index_cast %add3A_136 : i32 to index
        %get3A_144 = arith.constant 16 : index
        %get3A_145 = tpu.vector_load %arg9[%get3A_143, %get3A_144] {strides = array<i32>} : memref<64x64xf32, #tpu.memory_space<vmem>>, vector<16xf32>,
        %swap3A_146 = arith.index_cast %add3A_136 : i32 to index
        %swap3A_147 = arith.constant 16 : index
        %swap3A_148 = tpu.vector_load %arg7[%swap3A_146, %swap3A_147] {strides = array<i32>} : memref<128x128xf32, #tpu.memory_space<vmem>>, vector<16xf32>,
        tpu.vector_store %arg7[%swap3A_146, %swap3A_147], %get3A_145 {strides = array<i32>} : memref<128x128xf32, #tpu.memory_space<vmem>>, vector<16xf32>,
        %get3A_149 = arith.index_cast %add3A_136 : i32 to index
        %get3A_150 = arith.constant 32 : index
        %get3A_151 = tpu.vector_load %arg9[%get3A_149, %get3A_150] {strides = array<i32>} : memref<64x64xf32, #tpu.memory_space<vmem>>, vector<16xf32>,
        %swap3A_152 = arith.index_cast %add3A_136 : i32 to index
        %swap3A_153 = arith.constant 32 : index
        %swap3A_154 = tpu.vector_load %arg7[%swap3A_152, %swap3A_153] {strides = array<i32>} : memref<128x128xf32, #tpu.memory_space<vmem>>, vector<16xf32>,
        tpu.vector_store %arg7[%swap3A_152, %swap3A_153], %get3A_151 {strides = array<i32>} : memref<128x128xf32, #tpu.memory_space<vmem>>, vector<16xf32>,
        %get3A_155 = arith.index_cast %add3A_136 : i32 to index
        %get3A_156 = arith.constant 48 : index
        %get3A_157 = tpu.vector_load %arg9[%get3A_155, %get3A_156] {strides = array<i32>} : memref<64x64xf32, #tpu.memory_space<vmem>>, vector<16xf32>,
        %swap3A_158 = arith.index_cast %add3A_136 : i32 to index
        %swap3A_159 = arith.constant 48 : index
        %swap3A_160 = tpu.vector_load %arg7[%swap3A_158, %swap3A_159] {strides = array<i32>} : memref<128x128xf32, #tpu.memory_space<vmem>>, vector<16xf32>,
        tpu.vector_store %arg7[%swap3A_158, %swap3A_159], %get3A_157 {strides = array<i32>} : memref<128x128xf32, #tpu.memory_space<vmem>>, vector<16xf32>,
        %mul3A_161 = arith.constant 8 : i32
        %mul3A_162 = arith.muli %scan3A_50, %mul3A_161 : i32
        %add3A_163 = arith.constant 4 : i32
        %add3A_164 = arith.addi %mul3A_162, %add3A_163 : i32
        %get3A_165 = arith.index_cast %add3A_164 : i32 to index
        %get3A_166 = arith.constant 0 : index
        %get3A_167 = tpu.vector_load %arg9[%get3A_165, %get3A_166] {strides = array<i32>} : memref<64x64xf32, #tpu.memory_space<vmem>>, vector<16xf32>,
        %swap3A_168 = arith.index_cast %add3A_164 : i32 to index
        %swap3A_169 = arith.constant 0 : index
        %swap3A_170 = tpu.vector_load %arg7[%swap3A_168, %swap3A_169] {strides = array<i32>} : memref<128x128xf32, #tpu.memory_space<vmem>>, vector<16xf32>,
        tpu.vector_store %arg7[%swap3A_168, %swap3A_169], %get3A_167 {strides = array<i32>} : memref<128x128xf32, #tpu.memory_space<vmem>>, vector<16xf32>,
        %get3A_171 = arith.index_cast %add3A_164 : i32 to index
        %get3A_172 = arith.constant 16 : index
        %get3A_173 = tpu.vector_load %arg9[%get3A_171, %get3A_172] {strides = array<i32>} : memref<64x64xf32, #tpu.memory_space<vmem>>, vector<16xf32>,
        %swap3A_174 = arith.index_cast %add3A_164 : i32 to index
        %swap3A_175 = arith.constant 16 : index
        %swap3A_176 = tpu.vector_load %arg7[%swap3A_174, %swap3A_175] {strides = array<i32>} : memref<128x128xf32, #tpu.memory_space<vmem>>, vector<16xf32>,
        tpu.vector_store %arg7[%swap3A_174, %swap3A_175], %get3A_173 {strides = array<i32>} : memref<128x128xf32, #tpu.memory_space<vmem>>, vector<16xf32>,
        %get3A_177 = arith.index_cast %add3A_164 : i32 to index
        %get3A_178 = arith.constant 32 : index
        %get3A_179 = tpu.vector_load %arg9[%get3A_177, %get3A_178] {strides = array<i32>} : memref<64x64xf32, #tpu.memory_space<vmem>>, vector<16xf32>,
        %swap3A_180 = arith.index_cast %add3A_164 : i32 to index
        %swap3A_181 = arith.constant 32 : index
        %swap3A_182 = tpu.vector_load %arg7[%swap3A_180, %swap3A_181] {strides = array<i32>} : memref<128x128xf32, #tpu.memory_space<vmem>>, vector<16xf32>,
        tpu.vector_store %arg7[%swap3A_180, %swap3A_181], %get3A_179 {strides = array<i32>} : memref<128x128xf32, #tpu.memory_space<vmem>>, vector<16xf32>,
        %get3A_183 = arith.index_cast %add3A_164 : i32 to index
        %get3A_184 = arith.constant 48 : index
        %get3A_185 = tpu.vector_load %arg9[%get3A_183, %get3A_184] {strides = array<i32>} : memref<64x64xf32, #tpu.memory_space<vmem>>, vector<16xf32>,
        %swap3A_186 = arith.index_cast %add3A_164 : i32 to index
        %swap3A_187 = arith.constant 48 : index
        %swap3A_188 = tpu.vector_load %arg7[%swap3A_186, %swap3A_187] {strides = array<i32>} : memref<128x128xf32, #tpu.memory_space<vmem>>, vector<16xf32>,
        tpu.vector_store %arg7[%swap3A_186, %swap3A_187], %get3A_185 {strides = array<i32>} : memref<128x128xf32, #tpu.memory_space<vmem>>, vector<16xf32>,
        %mul3A_189 = arith.constant 8 : i32
        %mul3A_190 = arith.muli %scan3A_50, %mul3A_189 : i32
        %add3A_191 = arith.constant 5 : i32
        %add3A_192 = arith.addi %mul3A_190, %add3A_191 : i32
        %get3A_193 = arith.index_cast %add3A_192 : i32 to index
        %get3A_194 = arith.constant 0 : index
        %get3A_195 = tpu.vector_load %arg9[%get3A_193, %get3A_194] {strides = array<i32>} : memref<64x64xf32, #tpu.memory_space<vmem>>, vector<16xf32>,
        %swap3A_196 = arith.index_cast %add3A_192 : i32 to index
        %swap3A_197 = arith.constant 0 : index
        %swap3A_198 = tpu.vector_load %arg7[%swap3A_196, %swap3A_197] {strides = array<i32>} : memref<128x128xf32, #tpu.memory_space<vmem>>, vector<16xf32>,
        tpu.vector_store %arg7[%swap3A_196, %swap3A_197], %get3A_195 {strides = array<i32>} : memref<128x128xf32, #tpu.memory_space<vmem>>, vector<16xf32>,
        %get3A_199 = arith.index_cast %add3A_192 : i32 to index
        %get3A_200 = arith.constant 16 : index
        %get3A_201 = tpu.vector_load %arg9[%get3A_199, %get3A_200] {strides = array<i32>} : memref<64x64xf32, #tpu.memory_space<vmem>>, vector<16xf32>,
        %swap3A_202 = arith.index_cast %add3A_192 : i32 to index
        %swap3A_203 = arith.constant 16 : index
        %swap3A_204 = tpu.vector_load %arg7[%swap3A_202, %swap3A_203] {strides = array<i32>} : memref<128x128xf32, #tpu.memory_space<vmem>>, vector<16xf32>,
        tpu.vector_store %arg7[%swap3A_202, %swap3A_203], %get3A_201 {strides = array<i32>} : memref<128x128xf32, #tpu.memory_space<vmem>>, vector<16xf32>,
        %get3A_205 = arith.index_cast %add3A_192 : i32 to index
        %get3A_206 = arith.constant 32 : index
        %get3A_207 = tpu.vector_load %arg9[%get3A_205, %get3A_206] {strides = array<i32>} : memref<64x64xf32, #tpu.memory_space<vmem>>, vector<16xf32>,
        %swap3A_208 = arith.index_cast %add3A_192 : i32 to index
        %swap3A_209 = arith.constant 32 : index
        %swap3A_210 = tpu.vector_load %arg7[%swap3A_208, %swap3A_209] {strides = array<i32>} : memref<128x128xf32, #tpu.memory_space<vmem>>, vector<16xf32>,
        tpu.vector_store %arg7[%swap3A_208, %swap3A_209], %get3A_207 {strides = array<i32>} : memref<128x128xf32, #tpu.memory_space<vmem>>, vector<16xf32>,
        %get3A_211 = arith.index_cast %add3A_192 : i32 to index
        %get3A_212 = arith.constant 48 : index
        %get3A_213 = tpu.vector_load %arg9[%get3A_211, %get3A_212] {strides = array<i32>} : memref<64x64xf32, #tpu.memory_space<vmem>>, vector<16xf32>,
        %swap3A_214 = arith.index_cast %add3A_192 : i32 to index
        %swap3A_215 = arith.constant 48 : index
        %swap3A_216 = tpu.vector_load %arg7[%swap3A_214, %swap3A_215] {strides = array<i32>} : memref<128x128xf32, #tpu.memory_space<vmem>>, vector<16xf32>,
        tpu.vector_store %arg7[%swap3A_214, %swap3A_215], %get3A_213 {strides = array<i32>} : memref<128x128xf32, #tpu.memory_space<vmem>>, vector<16xf32>,
        %mul3A_217 = arith.constant 8 : i32
        %mul3A_218 = arith.muli %scan3A_50, %mul3A_217 : i32
        %add3A_219 = arith.constant 6 : i32
        %add3A_220 = arith.addi %mul3A_218, %add3A_219 : i32
        %get3A_221 = arith.index_cast %add3A_220 : i32 to index
        %get3A_222 = arith.constant 0 : index
        %get3A_223 = tpu.vector_load %arg9[%get3A_221, %get3A_222] {strides = array<i32>} : memref<64x64xf32, #tpu.memory_space<vmem>>, vector<16xf32>,
        %swap3A_224 = arith.index_cast %add3A_220 : i32 to index
        %swap3A_225 = arith.constant 0 : index
        %swap3A_226 = tpu.vector_load %arg7[%swap3A_224, %swap3A_225] {strides = array<i32>} : memref<128x128xf32, #tpu.memory_space<vmem>>, vector<16xf32>,
        tpu.vector_store %arg7[%swap3A_224, %swap3A_225], %get3A_223 {strides = array<i32>} : memref<128x128xf32, #tpu.memory_space<vmem>>, vector<16xf32>,
        %get3A_227 = arith.index_cast %add3A_220 : i32 to index
        %get3A_228 = arith.constant 16 : index
        %get3A_229 = tpu.vector_load %arg9[%get3A_227, %get3A_228] {strides = array<i32>} : memref<64x64xf32, #tpu.memory_space<vmem>>, vector<16xf32>,
        %swap3A_230 = arith.index_cast %add3A_220 : i32 to index
        %swap3A_231 = arith.constant 16 : index
        %swap3A_232 = tpu.vector_load %arg7[%swap3A_230, %swap3A_231] {strides = array<i32>} : memref<128x128xf32, #tpu.memory_space<vmem>>, vector<16xf32>,
        tpu.vector_store %arg7[%swap3A_230, %swap3A_231], %get3A_229 {strides = array<i32>} : memref<128x128xf32, #tpu.memory_space<vmem>>, vector<16xf32>,
        %get3A_233 = arith.index_cast %add3A_220 : i32 to index
        %get3A_234 = arith.constant 32 : index
        %get3A_235 = tpu.vector_load %arg9[%get3A_233, %get3A_234] {strides = array<i32>} : memref<64x64xf32, #tpu.memory_space<vmem>>, vector<16xf32>,
        %swap3A_236 = arith.index_cast %add3A_220 : i32 to index
        %swap3A_237 = arith.constant 32 : index
        %swap3A_238 = tpu.vector_load %arg7[%swap3A_236, %swap3A_237] {strides = array<i32>} : memref<128x128xf32, #tpu.memory_space<vmem>>, vector<16xf32>,
        tpu.vector_store %arg7[%swap3A_236, %swap3A_237], %get3A_235 {strides = array<i32>} : memref<128x128xf32, #tpu.memory_space<vmem>>, vector<16xf32>,
        %get3A_239 = arith.index_cast %add3A_220 : i32 to index
        %get3A_240 = arith.constant 48 : index
        %get3A_241 = tpu.vector_load %arg9[%get3A_239, %get3A_240] {strides = array<i32>} : memref<64x64xf32, #tpu.memory_space<vmem>>, vector<16xf32>,
        %swap3A_242 = arith.index_cast %add3A_220 : i32 to index
        %swap3A_243 = arith.constant 48 : index
        %swap3A_244 = tpu.vector_load %arg7[%swap3A_242, %swap3A_243] {strides = array<i32>} : memref<128x128xf32, #tpu.memory_space<vmem>>, vector<16xf32>,
        tpu.vector_store %arg7[%swap3A_242, %swap3A_243], %get3A_241 {strides = array<i32>} : memref<128x128xf32, #tpu.memory_space<vmem>>, vector<16xf32>,
        %mul3A_245 = arith.constant 8 : i32
        %mul3A_246 = arith.muli %scan3A_50, %mul3A_245 : i32
        %add3A_247 = arith.constant 7 : i32
        %add3A_248 = arith.addi %mul3A_246, %add3A_247 : i32
        %get3A_249 = arith.index_cast %add3A_248 : i32 to index
        %get3A_250 = arith.constant 0 : index
        %get3A_251 = tpu.vector_load %arg9[%get3A_249, %get3A_250] {strides = array<i32>} : memref<64x64xf32, #tpu.memory_space<vmem>>, vector<16xf32>,
        %swap3A_252 = arith.index_cast %add3A_248 : i32 to index
        %swap3A_253 = arith.constant 0 : index
        %swap3A_254 = tpu.vector_load %arg7[%swap3A_252, %swap3A_253] {strides = array<i32>} : memref<128x128xf32, #tpu.memory_space<vmem>>, vector<16xf32>,
        tpu.vector_store %arg7[%swap3A_252, %swap3A_253], %get3A_251 {strides = array<i32>} : memref<128x128xf32, #tpu.memory_space<vmem>>, vector<16xf32>,
        %get3A_255 = arith.index_cast %add3A_248 : i32 to index
        %get3A_256 = arith.constant 16 : index
        %get3A_257 = tpu.vector_load %arg9[%get3A_255, %get3A_256] {strides = array<i32>} : memref<64x64xf32, #tpu.memory_space<vmem>>, vector<16xf32>,
        %swap3A_258 = arith.index_cast %add3A_248 : i32 to index
        %swap3A_259 = arith.constant 16 : index
        %swap3A_260 = tpu.vector_load %arg7[%swap3A_258, %swap3A_259] {strides = array<i32>} : memref<128x128xf32, #tpu.memory_space<vmem>>, vector<16xf32>,
        tpu.vector_store %arg7[%swap3A_258, %swap3A_259], %get3A_257 {strides = array<i32>} : memref<128x128xf32, #tpu.memory_space<vmem>>, vector<16xf32>,
        %get3A_261 = arith.index_cast %add3A_248 : i32 to index
        %get3A_262 = arith.constant 32 : index
        %get3A_263 = tpu.vector_load %arg9[%get3A_261, %get3A_262] {strides = array<i32>} : memref<64x64xf32, #tpu.memory_space<vmem>>, vector<16xf32>,
        %swap3A_264 = arith.index_cast %add3A_248 : i32 to index
        %swap3A_265 = arith.constant 32 : index
        %swap3A_266 = tpu.vector_load %arg7[%swap3A_264, %swap3A_265] {strides = array<i32>} : memref<128x128xf32, #tpu.memory_space<vmem>>, vector<16xf32>,
        tpu.vector_store %arg7[%swap3A_264, %swap3A_265], %get3A_263 {strides = array<i32>} : memref<128x128xf32, #tpu.memory_space<vmem>>, vector<16xf32>,
        %get3A_267 = arith.index_cast %add3A_248 : i32 to index
        %get3A_268 = arith.constant 48 : index
        %get3A_269 = tpu.vector_load %arg9[%get3A_267, %get3A_268] {strides = array<i32>} : memref<64x64xf32, #tpu.memory_space<vmem>>, vector<16xf32>,
        %swap3A_270 = arith.index_cast %add3A_248 : i32 to index
        %swap3A_271 = arith.constant 48 : index
        %swap3A_272 = tpu.vector_load %arg7[%swap3A_270, %swap3A_271] {strides = array<i32>} : memref<128x128xf32, #tpu.memory_space<vmem>>, vector<16xf32>,
        tpu.vector_store %arg7[%swap3A_270, %swap3A_271], %get3A_269 {strides = array<i32>} : memref<128x128xf32, #tpu.memory_space<vmem>>, vector<16xf32>,
      }
      %scan3A_49 = arith.constant 8 : i32
      "tpu.region"() ({
        %run_scoped3A = tpu.sem_alloc : memref<!tpu.dma_semaphore, #tpu.memory_space<semaphore_mem>>
        %dma_start3A_50 = arith.constant 0 : i32
        %dma_start3A_51 = arith.constant 0 : i32
        %dma_start3A_52 = tpu.memref_slice %arg7[%dma_start3A_50, %dma_start3A_51] : memref<128x128xf32, #tpu.memory_space<vmem>> -> memref<64x128xf32, #tpu.memory_space<vmem>>
        %dma_start3A_53 = arith.constant 999936 : i32
        %dma_start3A_54 = arith.constant 0 : i32
        %dma_start3A_55 = tpu.memref_slice %arg4[%dma_start3A_53, %dma_start3A_54] : memref<1000000x128xf32, #tpu.memory_space<hbm>> -> memref<64x128xf32, #tpu.memory_space<hbm>>
        %dma_start3A_56 = arith.constant 999936 : i32
        %dma_start3A_57 = arith.constant 0 : i32
        %dma_start3A_58 = tpu.memref_slice %arg4[%dma_start3A_56, %dma_start3A_57] : memref<1000000x128xf32, #tpu.memory_space<hbm>> -> memref<64x128xf32, #tpu.memory_space<hbm>>
        %dma_start3A_59 = arith.constant 0 : i32
        %dma_start3A_60 = arith.constant 0 : i32
        %dma_start3A_61 = tpu.memref_slice %arg7[%dma_start3A_59, %dma_start3A_60] : memref<128x128xf32, #tpu.memory_space<vmem>> -> memref<64x128xf32, #tpu.memory_space<vmem>>
        tpu.enqueue_dma source(%dma_start3A_61 : memref<64x128xf32, #tpu.memory_space<vmem>>) target(%dma_start3A_58 : memref<64x128xf32, #tpu.memory_space<hbm>>) target_semaphore(%run_scoped3A : memref<!tpu.dma_semaphore, #tpu.memory_space<semaphore_mem>>)
        %dma_wait3A_62 = arith.constant 0 : i32
        %dma_wait3A_63 = arith.constant 0 : i32
        %dma_wait3A_64 = tpu.memref_slice %arg7[%dma_wait3A_62, %dma_wait3A_63] : memref<128x128xf32, #tpu.memory_space<vmem>> -> memref<64x128xf32, #tpu.memory_space<vmem>>
        %dma_wait3A_65 = arith.constant 999936 : i32
        %dma_wait3A_66 = arith.constant 0 : i32
        %dma_wait3A_67 = tpu.memref_slice %arg4[%dma_wait3A_65, %dma_wait3A_66] : memref<1000000x128xf32, #tpu.memory_space<hbm>> -> memref<64x128xf32, #tpu.memory_space<hbm>>
        %dma_wait3A_68 = arith.constant 999936 : i32
        %dma_wait3A_69 = arith.constant 0 : i32
        %dma_wait3A_70 = tpu.memref_slice %arg4[%dma_wait3A_68, %dma_wait3A_69] : memref<1000000x128xf32, #tpu.memory_space<hbm>> -> memref<64x128xf32, #tpu.memory_space<hbm>>
        %dma_wait3A_71 = arith.constant 0 : i32
        %dma_wait3A_72 = arith.constant 0 : i32
        %dma_wait3A_73 = tpu.memref_slice %arg7[%dma_wait3A_71, %dma_wait3A_72] : memref<128x128xf32, #tpu.memory_space<vmem>> -> memref<64x128xf32, #tpu.memory_space<vmem>>
        tpu.wait_dma2 semaphore(%run_scoped3A : memref<!tpu.dma_semaphore, #tpu.memory_space<semaphore_mem>>) src(%dma_wait3A_73 : memref<64x128xf32, #tpu.memory_space<vmem>>) dst(%dma_wait3A_70 : memref<64x128xf32, #tpu.memory_space<hbm>>)
        tpu.yield
      }) : () -> ()
    } else {
    }
    return
  }
}

#map = affine_map<(d0, d1) -> (0, 0)>
#map1 = affine_map<(d0, d1) -> (0, 0, 0)>
module attributes {stable_mosaic.version = 14 : i64} {
  func.func @gather(%arg0: i32, %arg1: i32, %arg2: memref<1000000x128xf32, #tpu.memory_space<hbm>>, %arg3: memref<4096x50xi32, #tpu.memory_space<hbm>>, %arg4: memref<4096x50x128xf32, #tpu.memory_space<hbm>>, %arg5: memref<128x50xi32, #tpu.memory_space<vmem>>, %arg6: memref<8x50x128xf32, #tpu.memory_space<vmem>>, %arg7: memref<8x50x128xf32, #tpu.memory_space<vmem>>, %arg8: memref<!tpu.dma_semaphore, #tpu.memory_space<semaphore_mem>>, %arg9: memref<!tpu.dma_semaphore, #tpu.memory_space<semaphore_mem>>, %arg10: memref<!tpu.dma_semaphore, #tpu.memory_space<semaphore_mem>>, %arg11: memref<!tpu.dma_semaphore, #tpu.memory_space<semaphore_mem>>) attributes {dimension_semantics = [#tpu.dimension_semantics<core_parallel>, #tpu.dimension_semantics<subcore_parallel>], iteration_bounds = array<i64: 2, 16>, scalar_prefetch = 0 : i64, scratch_operands = 7 : i64, tpu.core_type = #tpu.core_type<sc_vector_subcore>, window_params = [{transform_indices = #map}, {transform_indices = #map}, {transform_indices = #map1}]} {
    %mul3A = arith.constant 2 : i32
    %mul3A_0 = arith.muli %arg1, %mul3A : i32
    %add3A = arith.addi %mul3A_0, %arg0 : i32
    %mul3A_1 = arith.constant 128 : i32
    %mul3A_2 = arith.muli %add3A, %mul3A_1 : i32
    "tpu.region"() ({
      %run_scoped3A = tpu.sem_alloc : memref<!tpu.dma_semaphore, #tpu.memory_space<semaphore_mem>>
      %dma_start3A_118 = arith.constant 0 : i32
      %dma_start3A_119 = tpu.memref_slice %arg3[%mul3A_2, %dma_start3A_118] : memref<4096x50xi32, #tpu.memory_space<hbm>> -> memref<128x50xi32, #tpu.memory_space<hbm>>
      %dma_start3A_120 = arith.constant 0 : i32
      %dma_start3A_121 = tpu.memref_slice %arg3[%mul3A_2, %dma_start3A_120] : memref<4096x50xi32, #tpu.memory_space<hbm>> -> memref<128x50xi32, #tpu.memory_space<hbm>>
      tpu.enqueue_dma source(%dma_start3A_121 : memref<128x50xi32, #tpu.memory_space<hbm>>) target(%arg5 : memref<128x50xi32, #tpu.memory_space<vmem>>) target_semaphore(%run_scoped3A : memref<!tpu.dma_semaphore, #tpu.memory_space<semaphore_mem>>)
      %dma_wait3A_122 = arith.constant 0 : i32
      %dma_wait3A_123 = tpu.memref_slice %arg3[%mul3A_2, %dma_wait3A_122] : memref<4096x50xi32, #tpu.memory_space<hbm>> -> memref<128x50xi32, #tpu.memory_space<hbm>>
      %dma_wait3A_124 = arith.constant 0 : i32
      %dma_wait3A_125 = tpu.memref_slice %arg3[%mul3A_2, %dma_wait3A_124] : memref<4096x50xi32, #tpu.memory_space<hbm>> -> memref<128x50xi32, #tpu.memory_space<hbm>>
      tpu.wait_dma2 semaphore(%run_scoped3A : memref<!tpu.dma_semaphore, #tpu.memory_space<semaphore_mem>>) src(%dma_wait3A_125 : memref<128x50xi32, #tpu.memory_space<hbm>>) dst(%arg5 : memref<128x50xi32, #tpu.memory_space<vmem>>)
      tpu.yield
    }) : () -> ()
    %dma_start3A = arith.constant 0 : i32
    %dma_start3A_3 = arith.constant 0 : i32
    %dma_start3A_4 = arith.constant 0 : i32
    %dma_start3A_5 = arith.constant 0 : i32
    %dma_start3A_6 = tpu.memref_slice %arg6[%dma_start3A_3, %dma_start3A_4, %dma_start3A_5] : memref<8x50x128xf32, #tpu.memory_space<vmem>> -> memref<1x50x128xf32, #tpu.memory_space<vmem>>
    %dma_start3A_7 = tpu.memref_squeeze %dma_start3A_6 : memref<1x50x128xf32, #tpu.memory_space<vmem>> -> memref<50x128xf32, #tpu.memory_space<vmem>>
    %dma_start3A_8 = arith.constant 0 : i32
    %dma_start3A_9 = tpu.memref_slice %arg5[%dma_start3A, %dma_start3A_8] : memref<128x50xi32, #tpu.memory_space<vmem>> -> memref<1x50xi32, #tpu.memory_space<vmem>>
    %dma_start3A_10 = tpu.memref_squeeze %dma_start3A_9 : memref<1x50xi32, #tpu.memory_space<vmem>> -> memref<50xi32, #tpu.memory_space<vmem>>
    %dma_start3A_11 = arith.constant 0 : i32
    %dma_start3A_12 = arith.constant 0 : i32
    %dma_start3A_13 = tpu.memref_slice %arg2[%dma_start3A_11, %dma_start3A_12] : memref<1000000x128xf32, #tpu.memory_space<hbm>> -> memref<1000000x128xf32, #tpu.memory_space<hbm>>
    tpu.enqueue_indirect_dma source(%dma_start3A_13 : memref<1000000x128xf32, #tpu.memory_space<hbm>>) target(%dma_start3A_7 : memref<50x128xf32, #tpu.memory_space<vmem>>) offsets(%dma_start3A_10 : memref<50xi32, #tpu.memory_space<vmem>>) semaphore(%arg8 : memref<!tpu.dma_semaphore, #tpu.memory_space<semaphore_mem>>)
    %dma_start3A_14 = arith.constant 1 : i32
    %dma_start3A_15 = arith.constant 1 : i32
    %dma_start3A_16 = arith.constant 0 : i32
    %dma_start3A_17 = arith.constant 0 : i32
    %dma_start3A_18 = tpu.memref_slice %arg6[%dma_start3A_15, %dma_start3A_16, %dma_start3A_17] : memref<8x50x128xf32, #tpu.memory_space<vmem>> -> memref<1x50x128xf32, #tpu.memory_space<vmem>>
    %dma_start3A_19 = tpu.memref_squeeze %dma_start3A_18 : memref<1x50x128xf32, #tpu.memory_space<vmem>> -> memref<50x128xf32, #tpu.memory_space<vmem>>
    %dma_start3A_20 = arith.constant 0 : i32
    %dma_start3A_21 = tpu.memref_slice %arg5[%dma_start3A_14, %dma_start3A_20] : memref<128x50xi32, #tpu.memory_space<vmem>> -> memref<1x50xi32, #tpu.memory_space<vmem>>
    %dma_start3A_22 = tpu.memref_squeeze %dma_start3A_21 : memref<1x50xi32, #tpu.memory_space<vmem>> -> memref<50xi32, #tpu.memory_space<vmem>>
    %dma_start3A_23 = arith.constant 0 : i32
    %dma_start3A_24 = arith.constant 0 : i32
    %dma_start3A_25 = tpu.memref_slice %arg2[%dma_start3A_23, %dma_start3A_24] : memref<1000000x128xf32, #tpu.memory_space<hbm>> -> memref<1000000x128xf32, #tpu.memory_space<hbm>>
    tpu.enqueue_indirect_dma source(%dma_start3A_25 : memref<1000000x128xf32, #tpu.memory_space<hbm>>) target(%dma_start3A_19 : memref<50x128xf32, #tpu.memory_space<vmem>>) offsets(%dma_start3A_22 : memref<50xi32, #tpu.memory_space<vmem>>) semaphore(%arg8 : memref<!tpu.dma_semaphore, #tpu.memory_space<semaphore_mem>>)
    %dma_start3A_26 = arith.constant 2 : i32
    %dma_start3A_27 = arith.constant 2 : i32
    %dma_start3A_28 = arith.constant 0 : i32
    %dma_start3A_29 = arith.constant 0 : i32
    %dma_start3A_30 = tpu.memref_slice %arg6[%dma_start3A_27, %dma_start3A_28, %dma_start3A_29] : memref<8x50x128xf32, #tpu.memory_space<vmem>> -> memref<1x50x128xf32, #tpu.memory_space<vmem>>
    %dma_start3A_31 = tpu.memref_squeeze %dma_start3A_30 : memref<1x50x128xf32, #tpu.memory_space<vmem>> -> memref<50x128xf32, #tpu.memory_space<vmem>>
    %dma_start3A_32 = arith.constant 0 : i32
    %dma_start3A_33 = tpu.memref_slice %arg5[%dma_start3A_26, %dma_start3A_32] : memref<128x50xi32, #tpu.memory_space<vmem>> -> memref<1x50xi32, #tpu.memory_space<vmem>>
    %dma_start3A_34 = tpu.memref_squeeze %dma_start3A_33 : memref<1x50xi32, #tpu.memory_space<vmem>> -> memref<50xi32, #tpu.memory_space<vmem>>
    %dma_start3A_35 = arith.constant 0 : i32
    %dma_start3A_36 = arith.constant 0 : i32
    %dma_start3A_37 = tpu.memref_slice %arg2[%dma_start3A_35, %dma_start3A_36] : memref<1000000x128xf32, #tpu.memory_space<hbm>> -> memref<1000000x128xf32, #tpu.memory_space<hbm>>
    tpu.enqueue_indirect_dma source(%dma_start3A_37 : memref<1000000x128xf32, #tpu.memory_space<hbm>>) target(%dma_start3A_31 : memref<50x128xf32, #tpu.memory_space<vmem>>) offsets(%dma_start3A_34 : memref<50xi32, #tpu.memory_space<vmem>>) semaphore(%arg8 : memref<!tpu.dma_semaphore, #tpu.memory_space<semaphore_mem>>)
    %dma_start3A_38 = arith.constant 3 : i32
    %dma_start3A_39 = arith.constant 3 : i32
    %dma_start3A_40 = arith.constant 0 : i32
    %dma_start3A_41 = arith.constant 0 : i32
    %dma_start3A_42 = tpu.memref_slice %arg6[%dma_start3A_39, %dma_start3A_40, %dma_start3A_41] : memref<8x50x128xf32, #tpu.memory_space<vmem>> -> memref<1x50x128xf32, #tpu.memory_space<vmem>>
    %dma_start3A_43 = tpu.memref_squeeze %dma_start3A_42 : memref<1x50x128xf32, #tpu.memory_space<vmem>> -> memref<50x128xf32, #tpu.memory_space<vmem>>
    %dma_start3A_44 = arith.constant 0 : i32
    %dma_start3A_45 = tpu.memref_slice %arg5[%dma_start3A_38, %dma_start3A_44] : memref<128x50xi32, #tpu.memory_space<vmem>> -> memref<1x50xi32, #tpu.memory_space<vmem>>
    %dma_start3A_46 = tpu.memref_squeeze %dma_start3A_45 : memref<1x50xi32, #tpu.memory_space<vmem>> -> memref<50xi32, #tpu.memory_space<vmem>>
    %dma_start3A_47 = arith.constant 0 : i32
    %dma_start3A_48 = arith.constant 0 : i32
    %dma_start3A_49 = tpu.memref_slice %arg2[%dma_start3A_47, %dma_start3A_48] : memref<1000000x128xf32, #tpu.memory_space<hbm>> -> memref<1000000x128xf32, #tpu.memory_space<hbm>>
    tpu.enqueue_indirect_dma source(%dma_start3A_49 : memref<1000000x128xf32, #tpu.memory_space<hbm>>) target(%dma_start3A_43 : memref<50x128xf32, #tpu.memory_space<vmem>>) offsets(%dma_start3A_46 : memref<50xi32, #tpu.memory_space<vmem>>) semaphore(%arg8 : memref<!tpu.dma_semaphore, #tpu.memory_space<semaphore_mem>>)
    %dma_start3A_50 = arith.constant 4 : i32
    %dma_start3A_51 = arith.constant 4 : i32
    %dma_start3A_52 = arith.constant 0 : i32
    %dma_start3A_53 = arith.constant 0 : i32
    %dma_start3A_54 = tpu.memref_slice %arg6[%dma_start3A_51, %dma_start3A_52, %dma_start3A_53] : memref<8x50x128xf32, #tpu.memory_space<vmem>> -> memref<1x50x128xf32, #tpu.memory_space<vmem>>
    %dma_start3A_55 = tpu.memref_squeeze %dma_start3A_54 : memref<1x50x128xf32, #tpu.memory_space<vmem>> -> memref<50x128xf32, #tpu.memory_space<vmem>>
    %dma_start3A_56 = arith.constant 0 : i32
    %dma_start3A_57 = tpu.memref_slice %arg5[%dma_start3A_50, %dma_start3A_56] : memref<128x50xi32, #tpu.memory_space<vmem>> -> memref<1x50xi32, #tpu.memory_space<vmem>>
    %dma_start3A_58 = tpu.memref_squeeze %dma_start3A_57 : memref<1x50xi32, #tpu.memory_space<vmem>> -> memref<50xi32, #tpu.memory_space<vmem>>
    %dma_start3A_59 = arith.constant 0 : i32
    %dma_start3A_60 = arith.constant 0 : i32
    %dma_start3A_61 = tpu.memref_slice %arg2[%dma_start3A_59, %dma_start3A_60] : memref<1000000x128xf32, #tpu.memory_space<hbm>> -> memref<1000000x128xf32, #tpu.memory_space<hbm>>
    tpu.enqueue_indirect_dma source(%dma_start3A_61 : memref<1000000x128xf32, #tpu.memory_space<hbm>>) target(%dma_start3A_55 : memref<50x128xf32, #tpu.memory_space<vmem>>) offsets(%dma_start3A_58 : memref<50xi32, #tpu.memory_space<vmem>>) semaphore(%arg8 : memref<!tpu.dma_semaphore, #tpu.memory_space<semaphore_mem>>)
    %dma_start3A_62 = arith.constant 5 : i32
    %dma_start3A_63 = arith.constant 5 : i32
    %dma_start3A_64 = arith.constant 0 : i32
    %dma_start3A_65 = arith.constant 0 : i32
    %dma_start3A_66 = tpu.memref_slice %arg6[%dma_start3A_63, %dma_start3A_64, %dma_start3A_65] : memref<8x50x128xf32, #tpu.memory_space<vmem>> -> memref<1x50x128xf32, #tpu.memory_space<vmem>>
    %dma_start3A_67 = tpu.memref_squeeze %dma_start3A_66 : memref<1x50x128xf32, #tpu.memory_space<vmem>> -> memref<50x128xf32, #tpu.memory_space<vmem>>
    %dma_start3A_68 = arith.constant 0 : i32
    %dma_start3A_69 = tpu.memref_slice %arg5[%dma_start3A_62, %dma_start3A_68] : memref<128x50xi32, #tpu.memory_space<vmem>> -> memref<1x50xi32, #tpu.memory_space<vmem>>
    %dma_start3A_70 = tpu.memref_squeeze %dma_start3A_69 : memref<1x50xi32, #tpu.memory_space<vmem>> -> memref<50xi32, #tpu.memory_space<vmem>>
    %dma_start3A_71 = arith.constant 0 : i32
    %dma_start3A_72 = arith.constant 0 : i32
    %dma_start3A_73 = tpu.memref_slice %arg2[%dma_start3A_71, %dma_start3A_72] : memref<1000000x128xf32, #tpu.memory_space<hbm>> -> memref<1000000x128xf32, #tpu.memory_space<hbm>>
    tpu.enqueue_indirect_dma source(%dma_start3A_73 : memref<1000000x128xf32, #tpu.memory_space<hbm>>) target(%dma_start3A_67 : memref<50x128xf32, #tpu.memory_space<vmem>>) offsets(%dma_start3A_70 : memref<50xi32, #tpu.memory_space<vmem>>) semaphore(%arg8 : memref<!tpu.dma_semaphore, #tpu.memory_space<semaphore_mem>>)
    %dma_start3A_74 = arith.constant 6 : i32
    %dma_start3A_75 = arith.constant 6 : i32
    %dma_start3A_76 = arith.constant 0 : i32
    %dma_start3A_77 = arith.constant 0 : i32
    %dma_start3A_78 = tpu.memref_slice %arg6[%dma_start3A_75, %dma_start3A_76, %dma_start3A_77] : memref<8x50x128xf32, #tpu.memory_space<vmem>> -> memref<1x50x128xf32, #tpu.memory_space<vmem>>
    %dma_start3A_79 = tpu.memref_squeeze %dma_start3A_78 : memref<1x50x128xf32, #tpu.memory_space<vmem>> -> memref<50x128xf32, #tpu.memory_space<vmem>>
    %dma_start3A_80 = arith.constant 0 : i32
    %dma_start3A_81 = tpu.memref_slice %arg5[%dma_start3A_74, %dma_start3A_80] : memref<128x50xi32, #tpu.memory_space<vmem>> -> memref<1x50xi32, #tpu.memory_space<vmem>>
    %dma_start3A_82 = tpu.memref_squeeze %dma_start3A_81 : memref<1x50xi32, #tpu.memory_space<vmem>> -> memref<50xi32, #tpu.memory_space<vmem>>
    %dma_start3A_83 = arith.constant 0 : i32
    %dma_start3A_84 = arith.constant 0 : i32
    %dma_start3A_85 = tpu.memref_slice %arg2[%dma_start3A_83, %dma_start3A_84] : memref<1000000x128xf32, #tpu.memory_space<hbm>> -> memref<1000000x128xf32, #tpu.memory_space<hbm>>
    tpu.enqueue_indirect_dma source(%dma_start3A_85 : memref<1000000x128xf32, #tpu.memory_space<hbm>>) target(%dma_start3A_79 : memref<50x128xf32, #tpu.memory_space<vmem>>) offsets(%dma_start3A_82 : memref<50xi32, #tpu.memory_space<vmem>>) semaphore(%arg8 : memref<!tpu.dma_semaphore, #tpu.memory_space<semaphore_mem>>)
    %dma_start3A_86 = arith.constant 7 : i32
    %dma_start3A_87 = arith.constant 7 : i32
    %dma_start3A_88 = arith.constant 0 : i32
    %dma_start3A_89 = arith.constant 0 : i32
    %dma_start3A_90 = tpu.memref_slice %arg6[%dma_start3A_87, %dma_start3A_88, %dma_start3A_89] : memref<8x50x128xf32, #tpu.memory_space<vmem>> -> memref<1x50x128xf32, #tpu.memory_space<vmem>>
    %dma_start3A_91 = tpu.memref_squeeze %dma_start3A_90 : memref<1x50x128xf32, #tpu.memory_space<vmem>> -> memref<50x128xf32, #tpu.memory_space<vmem>>
    %dma_start3A_92 = arith.constant 0 : i32
    %dma_start3A_93 = tpu.memref_slice %arg5[%dma_start3A_86, %dma_start3A_92] : memref<128x50xi32, #tpu.memory_space<vmem>> -> memref<1x50xi32, #tpu.memory_space<vmem>>
    %dma_start3A_94 = tpu.memref_squeeze %dma_start3A_93 : memref<1x50xi32, #tpu.memory_space<vmem>> -> memref<50xi32, #tpu.memory_space<vmem>>
    %dma_start3A_95 = arith.constant 0 : i32
    %dma_start3A_96 = arith.constant 0 : i32
    %dma_start3A_97 = tpu.memref_slice %arg2[%dma_start3A_95, %dma_start3A_96] : memref<1000000x128xf32, #tpu.memory_space<hbm>> -> memref<1000000x128xf32, #tpu.memory_space<hbm>>
    tpu.enqueue_indirect_dma source(%dma_start3A_97 : memref<1000000x128xf32, #tpu.memory_space<hbm>>) target(%dma_start3A_91 : memref<50x128xf32, #tpu.memory_space<vmem>>) offsets(%dma_start3A_94 : memref<50xi32, #tpu.memory_space<vmem>>) semaphore(%arg8 : memref<!tpu.dma_semaphore, #tpu.memory_space<semaphore_mem>>)
    %scan3A = arith.constant 0 : i32
    %scan3A_98 = arith.constant 0 : i32
    %scan3A_99 = arith.constant 8 : i32
    %scan3A_100 = arith.addi %scan3A_98, %scan3A_99 : i32
    %scan3A_101 = arith.constant 1 : i32
    scf.for %scan3A_118 = %scan3A_98 to %scan3A_100 step %scan3A_101  : i32 {
      %mul3A_119 = arith.constant 2 : i32
      %mul3A_120 = arith.muli %mul3A_119, %scan3A_118 : i32
      %mul3A_121 = arith.constant 2 : i32
      %mul3A_122 = arith.muli %mul3A_121, %scan3A_118 : i32
      %add3A_123 = arith.constant 1 : i32
      %add3A_124 = arith.addi %mul3A_122, %add3A_123 : i32
      %gt3A = arith.constant 0 : i32
      %gt3A_125 = arith.cmpi sgt, %scan3A_118, %gt3A : i32
      %convert_element_type3A = arith.extui %gt3A_125 : i1 to i32
      %cond3A = arith.constant 0 : i32
      %cond3A_126 = arith.cmpi ne, %convert_element_type3A, %cond3A : i32
      scf.if %cond3A_126 {
        %sub3A = arith.constant 2 : i32
        %sub3A_509 = arith.subi %add3A_124, %sub3A : i32
        %mul3A_510 = arith.constant 8 : i32
        %mul3A_511 = arith.muli %sub3A_509, %mul3A_510 : i32
        %add3A_512 = arith.addi %mul3A_2, %mul3A_511 : i32
        %dma_wait3A_513 = arith.constant 0 : i32
        %dma_wait3A_514 = arith.constant 0 : i32
        %dma_wait3A_515 = tpu.memref_slice %arg4[%add3A_512, %dma_wait3A_513, %dma_wait3A_514] : memref<4096x50x128xf32, #tpu.memory_space<hbm>> -> memref<8x50x128xf32, #tpu.memory_space<hbm>>
        %dma_wait3A_516 = arith.constant 0 : i32
        %dma_wait3A_517 = arith.constant 0 : i32
        %dma_wait3A_518 = tpu.memref_slice %arg4[%add3A_512, %dma_wait3A_516, %dma_wait3A_517] : memref<4096x50x128xf32, #tpu.memory_space<hbm>> -> memref<8x50x128xf32, #tpu.memory_space<hbm>>
        tpu.wait_dma2 semaphore(%arg11 : memref<!tpu.dma_semaphore, #tpu.memory_space<semaphore_mem>>) src(%arg7 : memref<8x50x128xf32, #tpu.memory_space<vmem>>) dst(%dma_wait3A_518 : memref<8x50x128xf32, #tpu.memory_space<hbm>>)
      } else {
      }
      %mul3A_127 = arith.constant 8 : i32
      %mul3A_128 = arith.muli %add3A_124, %mul3A_127 : i32
      %add3A_129 = arith.constant 0 : i32
      %add3A_130 = arith.addi %mul3A_128, %add3A_129 : i32
      %dma_start3A_131 = arith.constant 0 : i32
      %dma_start3A_132 = arith.constant 0 : i32
      %dma_start3A_133 = arith.constant 0 : i32
      %dma_start3A_134 = tpu.memref_slice %arg7[%dma_start3A_131, %dma_start3A_132, %dma_start3A_133] : memref<8x50x128xf32, #tpu.memory_space<vmem>> -> memref<1x50x128xf32, #tpu.memory_space<vmem>>
      %dma_start3A_135 = tpu.memref_squeeze %dma_start3A_134 : memref<1x50x128xf32, #tpu.memory_space<vmem>> -> memref<50x128xf32, #tpu.memory_space<vmem>>
      %dma_start3A_136 = arith.constant 0 : i32
      %dma_start3A_137 = tpu.memref_slice %arg5[%add3A_130, %dma_start3A_136] : memref<128x50xi32, #tpu.memory_space<vmem>> -> memref<1x50xi32, #tpu.memory_space<vmem>>
      %dma_start3A_138 = tpu.memref_squeeze %dma_start3A_137 : memref<1x50xi32, #tpu.memory_space<vmem>> -> memref<50xi32, #tpu.memory_space<vmem>>
      %dma_start3A_139 = arith.constant 0 : i32
      %dma_start3A_140 = arith.constant 0 : i32
      %dma_start3A_141 = tpu.memref_slice %arg2[%dma_start3A_139, %dma_start3A_140] : memref<1000000x128xf32, #tpu.memory_space<hbm>> -> memref<1000000x128xf32, #tpu.memory_space<hbm>>
      tpu.enqueue_indirect_dma source(%dma_start3A_141 : memref<1000000x128xf32, #tpu.memory_space<hbm>>) target(%dma_start3A_135 : memref<50x128xf32, #tpu.memory_space<vmem>>) offsets(%dma_start3A_138 : memref<50xi32, #tpu.memory_space<vmem>>) semaphore(%arg9 : memref<!tpu.dma_semaphore, #tpu.memory_space<semaphore_mem>>)
      %mul3A_142 = arith.constant 8 : i32
      %mul3A_143 = arith.muli %add3A_124, %mul3A_142 : i32
      %add3A_144 = arith.constant 1 : i32
      %add3A_145 = arith.addi %mul3A_143, %add3A_144 : i32
      %dma_start3A_146 = arith.constant 1 : i32
      %dma_start3A_147 = arith.constant 0 : i32
      %dma_start3A_148 = arith.constant 0 : i32
      %dma_start3A_149 = tpu.memref_slice %arg7[%dma_start3A_146, %dma_start3A_147, %dma_start3A_148] : memref<8x50x128xf32, #tpu.memory_space<vmem>> -> memref<1x50x128xf32, #tpu.memory_space<vmem>>
      %dma_start3A_150 = tpu.memref_squeeze %dma_start3A_149 : memref<1x50x128xf32, #tpu.memory_space<vmem>> -> memref<50x128xf32, #tpu.memory_space<vmem>>
      %dma_start3A_151 = arith.constant 0 : i32
      %dma_start3A_152 = tpu.memref_slice %arg5[%add3A_145, %dma_start3A_151] : memref<128x50xi32, #tpu.memory_space<vmem>> -> memref<1x50xi32, #tpu.memory_space<vmem>>
      %dma_start3A_153 = tpu.memref_squeeze %dma_start3A_152 : memref<1x50xi32, #tpu.memory_space<vmem>> -> memref<50xi32, #tpu.memory_space<vmem>>
      %dma_start3A_154 = arith.constant 0 : i32
      %dma_start3A_155 = arith.constant 0 : i32
      %dma_start3A_156 = tpu.memref_slice %arg2[%dma_start3A_154, %dma_start3A_155] : memref<1000000x128xf32, #tpu.memory_space<hbm>> -> memref<1000000x128xf32, #tpu.memory_space<hbm>>
      tpu.enqueue_indirect_dma source(%dma_start3A_156 : memref<1000000x128xf32, #tpu.memory_space<hbm>>) target(%dma_start3A_150 : memref<50x128xf32, #tpu.memory_space<vmem>>) offsets(%dma_start3A_153 : memref<50xi32, #tpu.memory_space<vmem>>) semaphore(%arg9 : memref<!tpu.dma_semaphore, #tpu.memory_space<semaphore_mem>>)
      %mul3A_157 = arith.constant 8 : i32
      %mul3A_158 = arith.muli %add3A_124, %mul3A_157 : i32
      %add3A_159 = arith.constant 2 : i32
      %add3A_160 = arith.addi %mul3A_158, %add3A_159 : i32
      %dma_start3A_161 = arith.constant 2 : i32
      %dma_start3A_162 = arith.constant 0 : i32
      %dma_start3A_163 = arith.constant 0 : i32
      %dma_start3A_164 = tpu.memref_slice %arg7[%dma_start3A_161, %dma_start3A_162, %dma_start3A_163] : memref<8x50x128xf32, #tpu.memory_space<vmem>> -> memref<1x50x128xf32, #tpu.memory_space<vmem>>
      %dma_start3A_165 = tpu.memref_squeeze %dma_start3A_164 : memref<1x50x128xf32, #tpu.memory_space<vmem>> -> memref<50x128xf32, #tpu.memory_space<vmem>>
      %dma_start3A_166 = arith.constant 0 : i32
      %dma_start3A_167 = tpu.memref_slice %arg5[%add3A_160, %dma_start3A_166] : memref<128x50xi32, #tpu.memory_space<vmem>> -> memref<1x50xi32, #tpu.memory_space<vmem>>
      %dma_start3A_168 = tpu.memref_squeeze %dma_start3A_167 : memref<1x50xi32, #tpu.memory_space<vmem>> -> memref<50xi32, #tpu.memory_space<vmem>>
      %dma_start3A_169 = arith.constant 0 : i32
      %dma_start3A_170 = arith.constant 0 : i32
      %dma_start3A_171 = tpu.memref_slice %arg2[%dma_start3A_169, %dma_start3A_170] : memref<1000000x128xf32, #tpu.memory_space<hbm>> -> memref<1000000x128xf32, #tpu.memory_space<hbm>>
      tpu.enqueue_indirect_dma source(%dma_start3A_171 : memref<1000000x128xf32, #tpu.memory_space<hbm>>) target(%dma_start3A_165 : memref<50x128xf32, #tpu.memory_space<vmem>>) offsets(%dma_start3A_168 : memref<50xi32, #tpu.memory_space<vmem>>) semaphore(%arg9 : memref<!tpu.dma_semaphore, #tpu.memory_space<semaphore_mem>>)
      %mul3A_172 = arith.constant 8 : i32
      %mul3A_173 = arith.muli %add3A_124, %mul3A_172 : i32
      %add3A_174 = arith.constant 3 : i32
      %add3A_175 = arith.addi %mul3A_173, %add3A_174 : i32
      %dma_start3A_176 = arith.constant 3 : i32
      %dma_start3A_177 = arith.constant 0 : i32
      %dma_start3A_178 = arith.constant 0 : i32
      %dma_start3A_179 = tpu.memref_slice %arg7[%dma_start3A_176, %dma_start3A_177, %dma_start3A_178] : memref<8x50x128xf32, #tpu.memory_space<vmem>> -> memref<1x50x128xf32, #tpu.memory_space<vmem>>
      %dma_start3A_180 = tpu.memref_squeeze %dma_start3A_179 : memref<1x50x128xf32, #tpu.memory_space<vmem>> -> memref<50x128xf32, #tpu.memory_space<vmem>>
      %dma_start3A_181 = arith.constant 0 : i32
      %dma_start3A_182 = tpu.memref_slice %arg5[%add3A_175, %dma_start3A_181] : memref<128x50xi32, #tpu.memory_space<vmem>> -> memref<1x50xi32, #tpu.memory_space<vmem>>
      %dma_start3A_183 = tpu.memref_squeeze %dma_start3A_182 : memref<1x50xi32, #tpu.memory_space<vmem>> -> memref<50xi32, #tpu.memory_space<vmem>>
      %dma_start3A_184 = arith.constant 0 : i32
      %dma_start3A_185 = arith.constant 0 : i32
      %dma_start3A_186 = tpu.memref_slice %arg2[%dma_start3A_184, %dma_start3A_185] : memref<1000000x128xf32, #tpu.memory_space<hbm>> -> memref<1000000x128xf32, #tpu.memory_space<hbm>>
      tpu.enqueue_indirect_dma source(%dma_start3A_186 : memref<1000000x128xf32, #tpu.memory_space<hbm>>) target(%dma_start3A_180 : memref<50x128xf32, #tpu.memory_space<vmem>>) offsets(%dma_start3A_183 : memref<50xi32, #tpu.memory_space<vmem>>) semaphore(%arg9 : memref<!tpu.dma_semaphore, #tpu.memory_space<semaphore_mem>>)
      %mul3A_187 = arith.constant 8 : i32
      %mul3A_188 = arith.muli %add3A_124, %mul3A_187 : i32
      %add3A_189 = arith.constant 4 : i32
      %add3A_190 = arith.addi %mul3A_188, %add3A_189 : i32
      %dma_start3A_191 = arith.constant 4 : i32
      %dma_start3A_192 = arith.constant 0 : i32
      %dma_start3A_193 = arith.constant 0 : i32
      %dma_start3A_194 = tpu.memref_slice %arg7[%dma_start3A_191, %dma_start3A_192, %dma_start3A_193] : memref<8x50x128xf32, #tpu.memory_space<vmem>> -> memref<1x50x128xf32, #tpu.memory_space<vmem>>
      %dma_start3A_195 = tpu.memref_squeeze %dma_start3A_194 : memref<1x50x128xf32, #tpu.memory_space<vmem>> -> memref<50x128xf32, #tpu.memory_space<vmem>>
      %dma_start3A_196 = arith.constant 0 : i32
      %dma_start3A_197 = tpu.memref_slice %arg5[%add3A_190, %dma_start3A_196] : memref<128x50xi32, #tpu.memory_space<vmem>> -> memref<1x50xi32, #tpu.memory_space<vmem>>
      %dma_start3A_198 = tpu.memref_squeeze %dma_start3A_197 : memref<1x50xi32, #tpu.memory_space<vmem>> -> memref<50xi32, #tpu.memory_space<vmem>>
      %dma_start3A_199 = arith.constant 0 : i32
      %dma_start3A_200 = arith.constant 0 : i32
      %dma_start3A_201 = tpu.memref_slice %arg2[%dma_start3A_199, %dma_start3A_200] : memref<1000000x128xf32, #tpu.memory_space<hbm>> -> memref<1000000x128xf32, #tpu.memory_space<hbm>>
      tpu.enqueue_indirect_dma source(%dma_start3A_201 : memref<1000000x128xf32, #tpu.memory_space<hbm>>) target(%dma_start3A_195 : memref<50x128xf32, #tpu.memory_space<vmem>>) offsets(%dma_start3A_198 : memref<50xi32, #tpu.memory_space<vmem>>) semaphore(%arg9 : memref<!tpu.dma_semaphore, #tpu.memory_space<semaphore_mem>>)
      %mul3A_202 = arith.constant 8 : i32
      %mul3A_203 = arith.muli %add3A_124, %mul3A_202 : i32
      %add3A_204 = arith.constant 5 : i32
      %add3A_205 = arith.addi %mul3A_203, %add3A_204 : i32
      %dma_start3A_206 = arith.constant 5 : i32
      %dma_start3A_207 = arith.constant 0 : i32
      %dma_start3A_208 = arith.constant 0 : i32
      %dma_start3A_209 = tpu.memref_slice %arg7[%dma_start3A_206, %dma_start3A_207, %dma_start3A_208] : memref<8x50x128xf32, #tpu.memory_space<vmem>> -> memref<1x50x128xf32, #tpu.memory_space<vmem>>
      %dma_start3A_210 = tpu.memref_squeeze %dma_start3A_209 : memref<1x50x128xf32, #tpu.memory_space<vmem>> -> memref<50x128xf32, #tpu.memory_space<vmem>>
      %dma_start3A_211 = arith.constant 0 : i32
      %dma_start3A_212 = tpu.memref_slice %arg5[%add3A_205, %dma_start3A_211] : memref<128x50xi32, #tpu.memory_space<vmem>> -> memref<1x50xi32, #tpu.memory_space<vmem>>
      %dma_start3A_213 = tpu.memref_squeeze %dma_start3A_212 : memref<1x50xi32, #tpu.memory_space<vmem>> -> memref<50xi32, #tpu.memory_space<vmem>>
      %dma_start3A_214 = arith.constant 0 : i32
      %dma_start3A_215 = arith.constant 0 : i32
      %dma_start3A_216 = tpu.memref_slice %arg2[%dma_start3A_214, %dma_start3A_215] : memref<1000000x128xf32, #tpu.memory_space<hbm>> -> memref<1000000x128xf32, #tpu.memory_space<hbm>>
      tpu.enqueue_indirect_dma source(%dma_start3A_216 : memref<1000000x128xf32, #tpu.memory_space<hbm>>) target(%dma_start3A_210 : memref<50x128xf32, #tpu.memory_space<vmem>>) offsets(%dma_start3A_213 : memref<50xi32, #tpu.memory_space<vmem>>) semaphore(%arg9 : memref<!tpu.dma_semaphore, #tpu.memory_space<semaphore_mem>>)
      %mul3A_217 = arith.constant 8 : i32
      %mul3A_218 = arith.muli %add3A_124, %mul3A_217 : i32
      %add3A_219 = arith.constant 6 : i32
      %add3A_220 = arith.addi %mul3A_218, %add3A_219 : i32
      %dma_start3A_221 = arith.constant 6 : i32
      %dma_start3A_222 = arith.constant 0 : i32
      %dma_start3A_223 = arith.constant 0 : i32
      %dma_start3A_224 = tpu.memref_slice %arg7[%dma_start3A_221, %dma_start3A_222, %dma_start3A_223] : memref<8x50x128xf32, #tpu.memory_space<vmem>> -> memref<1x50x128xf32, #tpu.memory_space<vmem>>
      %dma_start3A_225 = tpu.memref_squeeze %dma_start3A_224 : memref<1x50x128xf32, #tpu.memory_space<vmem>> -> memref<50x128xf32, #tpu.memory_space<vmem>>
      %dma_start3A_226 = arith.constant 0 : i32
      %dma_start3A_227 = tpu.memref_slice %arg5[%add3A_220, %dma_start3A_226] : memref<128x50xi32, #tpu.memory_space<vmem>> -> memref<1x50xi32, #tpu.memory_space<vmem>>
      %dma_start3A_228 = tpu.memref_squeeze %dma_start3A_227 : memref<1x50xi32, #tpu.memory_space<vmem>> -> memref<50xi32, #tpu.memory_space<vmem>>
      %dma_start3A_229 = arith.constant 0 : i32
      %dma_start3A_230 = arith.constant 0 : i32
      %dma_start3A_231 = tpu.memref_slice %arg2[%dma_start3A_229, %dma_start3A_230] : memref<1000000x128xf32, #tpu.memory_space<hbm>> -> memref<1000000x128xf32, #tpu.memory_space<hbm>>
      tpu.enqueue_indirect_dma source(%dma_start3A_231 : memref<1000000x128xf32, #tpu.memory_space<hbm>>) target(%dma_start3A_225 : memref<50x128xf32, #tpu.memory_space<vmem>>) offsets(%dma_start3A_228 : memref<50xi32, #tpu.memory_space<vmem>>) semaphore(%arg9 : memref<!tpu.dma_semaphore, #tpu.memory_space<semaphore_mem>>)
      %mul3A_232 = arith.constant 8 : i32
      %mul3A_233 = arith.muli %add3A_124, %mul3A_232 : i32
      %add3A_234 = arith.constant 7 : i32
      %add3A_235 = arith.addi %mul3A_233, %add3A_234 : i32
      %dma_start3A_236 = arith.constant 7 : i32
      %dma_start3A_237 = arith.constant 0 : i32
      %dma_start3A_238 = arith.constant 0 : i32
      %dma_start3A_239 = tpu.memref_slice %arg7[%dma_start3A_236, %dma_start3A_237, %dma_start3A_238] : memref<8x50x128xf32, #tpu.memory_space<vmem>> -> memref<1x50x128xf32, #tpu.memory_space<vmem>>
      %dma_start3A_240 = tpu.memref_squeeze %dma_start3A_239 : memref<1x50x128xf32, #tpu.memory_space<vmem>> -> memref<50x128xf32, #tpu.memory_space<vmem>>
      %dma_start3A_241 = arith.constant 0 : i32
      %dma_start3A_242 = tpu.memref_slice %arg5[%add3A_235, %dma_start3A_241] : memref<128x50xi32, #tpu.memory_space<vmem>> -> memref<1x50xi32, #tpu.memory_space<vmem>>
      %dma_start3A_243 = tpu.memref_squeeze %dma_start3A_242 : memref<1x50xi32, #tpu.memory_space<vmem>> -> memref<50xi32, #tpu.memory_space<vmem>>
      %dma_start3A_244 = arith.constant 0 : i32
      %dma_start3A_245 = arith.constant 0 : i32
      %dma_start3A_246 = tpu.memref_slice %arg2[%dma_start3A_244, %dma_start3A_245] : memref<1000000x128xf32, #tpu.memory_space<hbm>> -> memref<1000000x128xf32, #tpu.memory_space<hbm>>
      tpu.enqueue_indirect_dma source(%dma_start3A_246 : memref<1000000x128xf32, #tpu.memory_space<hbm>>) target(%dma_start3A_240 : memref<50x128xf32, #tpu.memory_space<vmem>>) offsets(%dma_start3A_243 : memref<50xi32, #tpu.memory_space<vmem>>) semaphore(%arg9 : memref<!tpu.dma_semaphore, #tpu.memory_space<semaphore_mem>>)
      %mul3A_247 = arith.constant 8 : i32
      %mul3A_248 = arith.muli %mul3A_120, %mul3A_247 : i32
      %add3A_249 = arith.constant 0 : i32
      %add3A_250 = arith.addi %mul3A_248, %add3A_249 : i32
      %dma_wait3A_251 = arith.constant 0 : i32
      %dma_wait3A_252 = arith.constant 0 : i32
      %dma_wait3A_253 = arith.constant 0 : i32
      %dma_wait3A_254 = tpu.memref_slice %arg6[%dma_wait3A_251, %dma_wait3A_252, %dma_wait3A_253] : memref<8x50x128xf32, #tpu.memory_space<vmem>> -> memref<1x50x128xf32, #tpu.memory_space<vmem>>
      %dma_wait3A_255 = tpu.memref_squeeze %dma_wait3A_254 : memref<1x50x128xf32, #tpu.memory_space<vmem>> -> memref<50x128xf32, #tpu.memory_space<vmem>>
      %dma_wait3A_256 = arith.constant 0 : i32
      %dma_wait3A_257 = tpu.memref_slice %arg5[%add3A_250, %dma_wait3A_256] : memref<128x50xi32, #tpu.memory_space<vmem>> -> memref<1x50xi32, #tpu.memory_space<vmem>>
      %dma_wait3A_258 = tpu.memref_squeeze %dma_wait3A_257 : memref<1x50xi32, #tpu.memory_space<vmem>> -> memref<50xi32, #tpu.memory_space<vmem>>
      %dma_wait3A_259 = arith.constant 0 : i32
      %dma_wait3A_260 = arith.constant 0 : i32
      %dma_wait3A_261 = tpu.memref_slice %arg2[%dma_wait3A_259, %dma_wait3A_260] : memref<1000000x128xf32, #tpu.memory_space<hbm>> -> memref<1000000x128xf32, #tpu.memory_space<hbm>>
      tpu.wait_indirect_dma semaphore(%arg8 : memref<!tpu.dma_semaphore, #tpu.memory_space<semaphore_mem>>) src(%dma_wait3A_261 : memref<1000000x128xf32, #tpu.memory_space<hbm>>) dst(%dma_wait3A_255 : memref<50x128xf32, #tpu.memory_space<vmem>>)
      %mul3A_262 = arith.constant 8 : i32
      %mul3A_263 = arith.muli %mul3A_120, %mul3A_262 : i32
      %add3A_264 = arith.constant 1 : i32
      %add3A_265 = arith.addi %mul3A_263, %add3A_264 : i32
      %dma_wait3A_266 = arith.constant 1 : i32
      %dma_wait3A_267 = arith.constant 0 : i32
      %dma_wait3A_268 = arith.constant 0 : i32
      %dma_wait3A_269 = tpu.memref_slice %arg6[%dma_wait3A_266, %dma_wait3A_267, %dma_wait3A_268] : memref<8x50x128xf32, #tpu.memory_space<vmem>> -> memref<1x50x128xf32, #tpu.memory_space<vmem>>
      %dma_wait3A_270 = tpu.memref_squeeze %dma_wait3A_269 : memref<1x50x128xf32, #tpu.memory_space<vmem>> -> memref<50x128xf32, #tpu.memory_space<vmem>>
      %dma_wait3A_271 = arith.constant 0 : i32
      %dma_wait3A_272 = tpu.memref_slice %arg5[%add3A_265, %dma_wait3A_271] : memref<128x50xi32, #tpu.memory_space<vmem>> -> memref<1x50xi32, #tpu.memory_space<vmem>>
      %dma_wait3A_273 = tpu.memref_squeeze %dma_wait3A_272 : memref<1x50xi32, #tpu.memory_space<vmem>> -> memref<50xi32, #tpu.memory_space<vmem>>
      %dma_wait3A_274 = arith.constant 0 : i32
      %dma_wait3A_275 = arith.constant 0 : i32
      %dma_wait3A_276 = tpu.memref_slice %arg2[%dma_wait3A_274, %dma_wait3A_275] : memref<1000000x128xf32, #tpu.memory_space<hbm>> -> memref<1000000x128xf32, #tpu.memory_space<hbm>>
      tpu.wait_indirect_dma semaphore(%arg8 : memref<!tpu.dma_semaphore, #tpu.memory_space<semaphore_mem>>) src(%dma_wait3A_276 : memref<1000000x128xf32, #tpu.memory_space<hbm>>) dst(%dma_wait3A_270 : memref<50x128xf32, #tpu.memory_space<vmem>>)
      %mul3A_277 = arith.constant 8 : i32
      %mul3A_278 = arith.muli %mul3A_120, %mul3A_277 : i32
      %add3A_279 = arith.constant 2 : i32
      %add3A_280 = arith.addi %mul3A_278, %add3A_279 : i32
      %dma_wait3A_281 = arith.constant 2 : i32
      %dma_wait3A_282 = arith.constant 0 : i32
      %dma_wait3A_283 = arith.constant 0 : i32
      %dma_wait3A_284 = tpu.memref_slice %arg6[%dma_wait3A_281, %dma_wait3A_282, %dma_wait3A_283] : memref<8x50x128xf32, #tpu.memory_space<vmem>> -> memref<1x50x128xf32, #tpu.memory_space<vmem>>
      %dma_wait3A_285 = tpu.memref_squeeze %dma_wait3A_284 : memref<1x50x128xf32, #tpu.memory_space<vmem>> -> memref<50x128xf32, #tpu.memory_space<vmem>>
      %dma_wait3A_286 = arith.constant 0 : i32
      %dma_wait3A_287 = tpu.memref_slice %arg5[%add3A_280, %dma_wait3A_286] : memref<128x50xi32, #tpu.memory_space<vmem>> -> memref<1x50xi32, #tpu.memory_space<vmem>>
      %dma_wait3A_288 = tpu.memref_squeeze %dma_wait3A_287 : memref<1x50xi32, #tpu.memory_space<vmem>> -> memref<50xi32, #tpu.memory_space<vmem>>
      %dma_wait3A_289 = arith.constant 0 : i32
      %dma_wait3A_290 = arith.constant 0 : i32
      %dma_wait3A_291 = tpu.memref_slice %arg2[%dma_wait3A_289, %dma_wait3A_290] : memref<1000000x128xf32, #tpu.memory_space<hbm>> -> memref<1000000x128xf32, #tpu.memory_space<hbm>>
      tpu.wait_indirect_dma semaphore(%arg8 : memref<!tpu.dma_semaphore, #tpu.memory_space<semaphore_mem>>) src(%dma_wait3A_291 : memref<1000000x128xf32, #tpu.memory_space<hbm>>) dst(%dma_wait3A_285 : memref<50x128xf32, #tpu.memory_space<vmem>>)
      %mul3A_292 = arith.constant 8 : i32
      %mul3A_293 = arith.muli %mul3A_120, %mul3A_292 : i32
      %add3A_294 = arith.constant 3 : i32
      %add3A_295 = arith.addi %mul3A_293, %add3A_294 : i32
      %dma_wait3A_296 = arith.constant 3 : i32
      %dma_wait3A_297 = arith.constant 0 : i32
      %dma_wait3A_298 = arith.constant 0 : i32
      %dma_wait3A_299 = tpu.memref_slice %arg6[%dma_wait3A_296, %dma_wait3A_297, %dma_wait3A_298] : memref<8x50x128xf32, #tpu.memory_space<vmem>> -> memref<1x50x128xf32, #tpu.memory_space<vmem>>
      %dma_wait3A_300 = tpu.memref_squeeze %dma_wait3A_299 : memref<1x50x128xf32, #tpu.memory_space<vmem>> -> memref<50x128xf32, #tpu.memory_space<vmem>>
      %dma_wait3A_301 = arith.constant 0 : i32
      %dma_wait3A_302 = tpu.memref_slice %arg5[%add3A_295, %dma_wait3A_301] : memref<128x50xi32, #tpu.memory_space<vmem>> -> memref<1x50xi32, #tpu.memory_space<vmem>>
      %dma_wait3A_303 = tpu.memref_squeeze %dma_wait3A_302 : memref<1x50xi32, #tpu.memory_space<vmem>> -> memref<50xi32, #tpu.memory_space<vmem>>
      %dma_wait3A_304 = arith.constant 0 : i32
      %dma_wait3A_305 = arith.constant 0 : i32
      %dma_wait3A_306 = tpu.memref_slice %arg2[%dma_wait3A_304, %dma_wait3A_305] : memref<1000000x128xf32, #tpu.memory_space<hbm>> -> memref<1000000x128xf32, #tpu.memory_space<hbm>>
      tpu.wait_indirect_dma semaphore(%arg8 : memref<!tpu.dma_semaphore, #tpu.memory_space<semaphore_mem>>) src(%dma_wait3A_306 : memref<1000000x128xf32, #tpu.memory_space<hbm>>) dst(%dma_wait3A_300 : memref<50x128xf32, #tpu.memory_space<vmem>>)
      %mul3A_307 = arith.constant 8 : i32
      %mul3A_308 = arith.muli %mul3A_120, %mul3A_307 : i32
      %add3A_309 = arith.constant 4 : i32
      %add3A_310 = arith.addi %mul3A_308, %add3A_309 : i32
      %dma_wait3A_311 = arith.constant 4 : i32
      %dma_wait3A_312 = arith.constant 0 : i32
      %dma_wait3A_313 = arith.constant 0 : i32
      %dma_wait3A_314 = tpu.memref_slice %arg6[%dma_wait3A_311, %dma_wait3A_312, %dma_wait3A_313] : memref<8x50x128xf32, #tpu.memory_space<vmem>> -> memref<1x50x128xf32, #tpu.memory_space<vmem>>
      %dma_wait3A_315 = tpu.memref_squeeze %dma_wait3A_314 : memref<1x50x128xf32, #tpu.memory_space<vmem>> -> memref<50x128xf32, #tpu.memory_space<vmem>>
      %dma_wait3A_316 = arith.constant 0 : i32
      %dma_wait3A_317 = tpu.memref_slice %arg5[%add3A_310, %dma_wait3A_316] : memref<128x50xi32, #tpu.memory_space<vmem>> -> memref<1x50xi32, #tpu.memory_space<vmem>>
      %dma_wait3A_318 = tpu.memref_squeeze %dma_wait3A_317 : memref<1x50xi32, #tpu.memory_space<vmem>> -> memref<50xi32, #tpu.memory_space<vmem>>
      %dma_wait3A_319 = arith.constant 0 : i32
      %dma_wait3A_320 = arith.constant 0 : i32
      %dma_wait3A_321 = tpu.memref_slice %arg2[%dma_wait3A_319, %dma_wait3A_320] : memref<1000000x128xf32, #tpu.memory_space<hbm>> -> memref<1000000x128xf32, #tpu.memory_space<hbm>>
      tpu.wait_indirect_dma semaphore(%arg8 : memref<!tpu.dma_semaphore, #tpu.memory_space<semaphore_mem>>) src(%dma_wait3A_321 : memref<1000000x128xf32, #tpu.memory_space<hbm>>) dst(%dma_wait3A_315 : memref<50x128xf32, #tpu.memory_space<vmem>>)
      %mul3A_322 = arith.constant 8 : i32
      %mul3A_323 = arith.muli %mul3A_120, %mul3A_322 : i32
      %add3A_324 = arith.constant 5 : i32
      %add3A_325 = arith.addi %mul3A_323, %add3A_324 : i32
      %dma_wait3A_326 = arith.constant 5 : i32
      %dma_wait3A_327 = arith.constant 0 : i32
      %dma_wait3A_328 = arith.constant 0 : i32
      %dma_wait3A_329 = tpu.memref_slice %arg6[%dma_wait3A_326, %dma_wait3A_327, %dma_wait3A_328] : memref<8x50x128xf32, #tpu.memory_space<vmem>> -> memref<1x50x128xf32, #tpu.memory_space<vmem>>
      %dma_wait3A_330 = tpu.memref_squeeze %dma_wait3A_329 : memref<1x50x128xf32, #tpu.memory_space<vmem>> -> memref<50x128xf32, #tpu.memory_space<vmem>>
      %dma_wait3A_331 = arith.constant 0 : i32
      %dma_wait3A_332 = tpu.memref_slice %arg5[%add3A_325, %dma_wait3A_331] : memref<128x50xi32, #tpu.memory_space<vmem>> -> memref<1x50xi32, #tpu.memory_space<vmem>>
      %dma_wait3A_333 = tpu.memref_squeeze %dma_wait3A_332 : memref<1x50xi32, #tpu.memory_space<vmem>> -> memref<50xi32, #tpu.memory_space<vmem>>
      %dma_wait3A_334 = arith.constant 0 : i32
      %dma_wait3A_335 = arith.constant 0 : i32
      %dma_wait3A_336 = tpu.memref_slice %arg2[%dma_wait3A_334, %dma_wait3A_335] : memref<1000000x128xf32, #tpu.memory_space<hbm>> -> memref<1000000x128xf32, #tpu.memory_space<hbm>>
      tpu.wait_indirect_dma semaphore(%arg8 : memref<!tpu.dma_semaphore, #tpu.memory_space<semaphore_mem>>) src(%dma_wait3A_336 : memref<1000000x128xf32, #tpu.memory_space<hbm>>) dst(%dma_wait3A_330 : memref<50x128xf32, #tpu.memory_space<vmem>>)
      %mul3A_337 = arith.constant 8 : i32
      %mul3A_338 = arith.muli %mul3A_120, %mul3A_337 : i32
      %add3A_339 = arith.constant 6 : i32
      %add3A_340 = arith.addi %mul3A_338, %add3A_339 : i32
      %dma_wait3A_341 = arith.constant 6 : i32
      %dma_wait3A_342 = arith.constant 0 : i32
      %dma_wait3A_343 = arith.constant 0 : i32
      %dma_wait3A_344 = tpu.memref_slice %arg6[%dma_wait3A_341, %dma_wait3A_342, %dma_wait3A_343] : memref<8x50x128xf32, #tpu.memory_space<vmem>> -> memref<1x50x128xf32, #tpu.memory_space<vmem>>
      %dma_wait3A_345 = tpu.memref_squeeze %dma_wait3A_344 : memref<1x50x128xf32, #tpu.memory_space<vmem>> -> memref<50x128xf32, #tpu.memory_space<vmem>>
      %dma_wait3A_346 = arith.constant 0 : i32
      %dma_wait3A_347 = tpu.memref_slice %arg5[%add3A_340, %dma_wait3A_346] : memref<128x50xi32, #tpu.memory_space<vmem>> -> memref<1x50xi32, #tpu.memory_space<vmem>>
      %dma_wait3A_348 = tpu.memref_squeeze %dma_wait3A_347 : memref<1x50xi32, #tpu.memory_space<vmem>> -> memref<50xi32, #tpu.memory_space<vmem>>
      %dma_wait3A_349 = arith.constant 0 : i32
      %dma_wait3A_350 = arith.constant 0 : i32
      %dma_wait3A_351 = tpu.memref_slice %arg2[%dma_wait3A_349, %dma_wait3A_350] : memref<1000000x128xf32, #tpu.memory_space<hbm>> -> memref<1000000x128xf32, #tpu.memory_space<hbm>>
      tpu.wait_indirect_dma semaphore(%arg8 : memref<!tpu.dma_semaphore, #tpu.memory_space<semaphore_mem>>) src(%dma_wait3A_351 : memref<1000000x128xf32, #tpu.memory_space<hbm>>) dst(%dma_wait3A_345 : memref<50x128xf32, #tpu.memory_space<vmem>>)
      %mul3A_352 = arith.constant 8 : i32
      %mul3A_353 = arith.muli %mul3A_120, %mul3A_352 : i32
      %add3A_354 = arith.constant 7 : i32
      %add3A_355 = arith.addi %mul3A_353, %add3A_354 : i32
      %dma_wait3A_356 = arith.constant 7 : i32
      %dma_wait3A_357 = arith.constant 0 : i32
      %dma_wait3A_358 = arith.constant 0 : i32
      %dma_wait3A_359 = tpu.memref_slice %arg6[%dma_wait3A_356, %dma_wait3A_357, %dma_wait3A_358] : memref<8x50x128xf32, #tpu.memory_space<vmem>> -> memref<1x50x128xf32, #tpu.memory_space<vmem>>
      %dma_wait3A_360 = tpu.memref_squeeze %dma_wait3A_359 : memref<1x50x128xf32, #tpu.memory_space<vmem>> -> memref<50x128xf32, #tpu.memory_space<vmem>>
      %dma_wait3A_361 = arith.constant 0 : i32
      %dma_wait3A_362 = tpu.memref_slice %arg5[%add3A_355, %dma_wait3A_361] : memref<128x50xi32, #tpu.memory_space<vmem>> -> memref<1x50xi32, #tpu.memory_space<vmem>>
      %dma_wait3A_363 = tpu.memref_squeeze %dma_wait3A_362 : memref<1x50xi32, #tpu.memory_space<vmem>> -> memref<50xi32, #tpu.memory_space<vmem>>
      %dma_wait3A_364 = arith.constant 0 : i32
      %dma_wait3A_365 = arith.constant 0 : i32
      %dma_wait3A_366 = tpu.memref_slice %arg2[%dma_wait3A_364, %dma_wait3A_365] : memref<1000000x128xf32, #tpu.memory_space<hbm>> -> memref<1000000x128xf32, #tpu.memory_space<hbm>>
      tpu.wait_indirect_dma semaphore(%arg8 : memref<!tpu.dma_semaphore, #tpu.memory_space<semaphore_mem>>) src(%dma_wait3A_366 : memref<1000000x128xf32, #tpu.memory_space<hbm>>) dst(%dma_wait3A_360 : memref<50x128xf32, #tpu.memory_space<vmem>>)
      %mul3A_367 = arith.constant 8 : i32
      %mul3A_368 = arith.muli %mul3A_120, %mul3A_367 : i32
      %add3A_369 = arith.addi %mul3A_2, %mul3A_368 : i32
      %dma_start3A_370 = arith.constant 0 : i32
      %dma_start3A_371 = arith.constant 0 : i32
      %dma_start3A_372 = tpu.memref_slice %arg4[%add3A_369, %dma_start3A_370, %dma_start3A_371] : memref<4096x50x128xf32, #tpu.memory_space<hbm>> -> memref<8x50x128xf32, #tpu.memory_space<hbm>>
      %dma_start3A_373 = arith.constant 0 : i32
      %dma_start3A_374 = arith.constant 0 : i32
      %dma_start3A_375 = tpu.memref_slice %arg4[%add3A_369, %dma_start3A_373, %dma_start3A_374] : memref<4096x50x128xf32, #tpu.memory_space<hbm>> -> memref<8x50x128xf32, #tpu.memory_space<hbm>>
      tpu.enqueue_dma source(%arg6 : memref<8x50x128xf32, #tpu.memory_space<vmem>>) target(%dma_start3A_375 : memref<8x50x128xf32, #tpu.memory_space<hbm>>) target_semaphore(%arg10 : memref<!tpu.dma_semaphore, #tpu.memory_space<semaphore_mem>>)
      %lt3A = arith.constant 7 : i32
      %lt3A_376 = arith.cmpi slt, %scan3A_118, %lt3A : i32
      %convert_element_type3A_377 = arith.extui %lt3A_376 : i1 to i32
      %cond3A_378 = arith.constant 0 : i32
      %cond3A_379 = arith.cmpi ne, %convert_element_type3A_377, %cond3A_378 : i32
      scf.if %cond3A_379 {
        %mul3A_509 = arith.constant 8 : i32
        %mul3A_510 = arith.muli %mul3A_120, %mul3A_509 : i32
        %add3A_511 = arith.addi %mul3A_2, %mul3A_510 : i32
        %dma_wait3A_512 = arith.constant 0 : i32
        %dma_wait3A_513 = arith.constant 0 : i32
        %dma_wait3A_514 = tpu.memref_slice %arg4[%add3A_511, %dma_wait3A_512, %dma_wait3A_513] : memref<4096x50x128xf32, #tpu.memory_space<hbm>> -> memref<8x50x128xf32, #tpu.memory_space<hbm>>
        %dma_wait3A_515 = arith.constant 0 : i32
        %dma_wait3A_516 = arith.constant 0 : i32
        %dma_wait3A_517 = tpu.memref_slice %arg4[%add3A_511, %dma_wait3A_515, %dma_wait3A_516] : memref<4096x50x128xf32, #tpu.memory_space<hbm>> -> memref<8x50x128xf32, #tpu.memory_space<hbm>>
        tpu.wait_dma2 semaphore(%arg10 : memref<!tpu.dma_semaphore, #tpu.memory_space<semaphore_mem>>) src(%arg6 : memref<8x50x128xf32, #tpu.memory_space<vmem>>) dst(%dma_wait3A_517 : memref<8x50x128xf32, #tpu.memory_space<hbm>>)
        %add3A_518 = arith.constant 2 : i32
        %add3A_519 = arith.addi %mul3A_120, %add3A_518 : i32
        %mul3A_520 = arith.constant 8 : i32
        %mul3A_521 = arith.muli %add3A_519, %mul3A_520 : i32
        %add3A_522 = arith.constant 0 : i32
        %add3A_523 = arith.addi %mul3A_521, %add3A_522 : i32
        %dma_start3A_524 = arith.constant 0 : i32
        %dma_start3A_525 = arith.constant 0 : i32
        %dma_start3A_526 = arith.constant 0 : i32
        %dma_start3A_527 = tpu.memref_slice %arg6[%dma_start3A_524, %dma_start3A_525, %dma_start3A_526] : memref<8x50x128xf32, #tpu.memory_space<vmem>> -> memref<1x50x128xf32, #tpu.memory_space<vmem>>
        %dma_start3A_528 = tpu.memref_squeeze %dma_start3A_527 : memref<1x50x128xf32, #tpu.memory_space<vmem>> -> memref<50x128xf32, #tpu.memory_space<vmem>>
        %dma_start3A_529 = arith.constant 0 : i32
        %dma_start3A_530 = tpu.memref_slice %arg5[%add3A_523, %dma_start3A_529] : memref<128x50xi32, #tpu.memory_space<vmem>> -> memref<1x50xi32, #tpu.memory_space<vmem>>
        %dma_start3A_531 = tpu.memref_squeeze %dma_start3A_530 : memref<1x50xi32, #tpu.memory_space<vmem>> -> memref<50xi32, #tpu.memory_space<vmem>>
        %dma_start3A_532 = arith.constant 0 : i32
        %dma_start3A_533 = arith.constant 0 : i32
        %dma_start3A_534 = tpu.memref_slice %arg2[%dma_start3A_532, %dma_start3A_533] : memref<1000000x128xf32, #tpu.memory_space<hbm>> -> memref<1000000x128xf32, #tpu.memory_space<hbm>>
        tpu.enqueue_indirect_dma source(%dma_start3A_534 : memref<1000000x128xf32, #tpu.memory_space<hbm>>) target(%dma_start3A_528 : memref<50x128xf32, #tpu.memory_space<vmem>>) offsets(%dma_start3A_531 : memref<50xi32, #tpu.memory_space<vmem>>) semaphore(%arg8 : memref<!tpu.dma_semaphore, #tpu.memory_space<semaphore_mem>>)
        %mul3A_535 = arith.constant 8 : i32
        %mul3A_536 = arith.muli %add3A_519, %mul3A_535 : i32
        %add3A_537 = arith.constant 1 : i32
        %add3A_538 = arith.addi %mul3A_536, %add3A_537 : i32
        %dma_start3A_539 = arith.constant 1 : i32
        %dma_start3A_540 = arith.constant 0 : i32
        %dma_start3A_541 = arith.constant 0 : i32
        %dma_start3A_542 = tpu.memref_slice %arg6[%dma_start3A_539, %dma_start3A_540, %dma_start3A_541] : memref<8x50x128xf32, #tpu.memory_space<vmem>> -> memref<1x50x128xf32, #tpu.memory_space<vmem>>
        %dma_start3A_543 = tpu.memref_squeeze %dma_start3A_542 : memref<1x50x128xf32, #tpu.memory_space<vmem>> -> memref<50x128xf32, #tpu.memory_space<vmem>>
        %dma_start3A_544 = arith.constant 0 : i32
        %dma_start3A_545 = tpu.memref_slice %arg5[%add3A_538, %dma_start3A_544] : memref<128x50xi32, #tpu.memory_space<vmem>> -> memref<1x50xi32, #tpu.memory_space<vmem>>
        %dma_start3A_546 = tpu.memref_squeeze %dma_start3A_545 : memref<1x50xi32, #tpu.memory_space<vmem>> -> memref<50xi32, #tpu.memory_space<vmem>>
        %dma_start3A_547 = arith.constant 0 : i32
        %dma_start3A_548 = arith.constant 0 : i32
        %dma_start3A_549 = tpu.memref_slice %arg2[%dma_start3A_547, %dma_start3A_548] : memref<1000000x128xf32, #tpu.memory_space<hbm>> -> memref<1000000x128xf32, #tpu.memory_space<hbm>>
        tpu.enqueue_indirect_dma source(%dma_start3A_549 : memref<1000000x128xf32, #tpu.memory_space<hbm>>) target(%dma_start3A_543 : memref<50x128xf32, #tpu.memory_space<vmem>>) offsets(%dma_start3A_546 : memref<50xi32, #tpu.memory_space<vmem>>) semaphore(%arg8 : memref<!tpu.dma_semaphore, #tpu.memory_space<semaphore_mem>>)
        %mul3A_550 = arith.constant 8 : i32
        %mul3A_551 = arith.muli %add3A_519, %mul3A_550 : i32
        %add3A_552 = arith.constant 2 : i32
        %add3A_553 = arith.addi %mul3A_551, %add3A_552 : i32
        %dma_start3A_554 = arith.constant 2 : i32
        %dma_start3A_555 = arith.constant 0 : i32
        %dma_start3A_556 = arith.constant 0 : i32
        %dma_start3A_557 = tpu.memref_slice %arg6[%dma_start3A_554, %dma_start3A_555, %dma_start3A_556] : memref<8x50x128xf32, #tpu.memory_space<vmem>> -> memref<1x50x128xf32, #tpu.memory_space<vmem>>
        %dma_start3A_558 = tpu.memref_squeeze %dma_start3A_557 : memref<1x50x128xf32, #tpu.memory_space<vmem>> -> memref<50x128xf32, #tpu.memory_space<vmem>>
        %dma_start3A_559 = arith.constant 0 : i32
        %dma_start3A_560 = tpu.memref_slice %arg5[%add3A_553, %dma_start3A_559] : memref<128x50xi32, #tpu.memory_space<vmem>> -> memref<1x50xi32, #tpu.memory_space<vmem>>
        %dma_start3A_561 = tpu.memref_squeeze %dma_start3A_560 : memref<1x50xi32, #tpu.memory_space<vmem>> -> memref<50xi32, #tpu.memory_space<vmem>>
        %dma_start3A_562 = arith.constant 0 : i32
        %dma_start3A_563 = arith.constant 0 : i32
        %dma_start3A_564 = tpu.memref_slice %arg2[%dma_start3A_562, %dma_start3A_563] : memref<1000000x128xf32, #tpu.memory_space<hbm>> -> memref<1000000x128xf32, #tpu.memory_space<hbm>>
        tpu.enqueue_indirect_dma source(%dma_start3A_564 : memref<1000000x128xf32, #tpu.memory_space<hbm>>) target(%dma_start3A_558 : memref<50x128xf32, #tpu.memory_space<vmem>>) offsets(%dma_start3A_561 : memref<50xi32, #tpu.memory_space<vmem>>) semaphore(%arg8 : memref<!tpu.dma_semaphore, #tpu.memory_space<semaphore_mem>>)
        %mul3A_565 = arith.constant 8 : i32
        %mul3A_566 = arith.muli %add3A_519, %mul3A_565 : i32
        %add3A_567 = arith.constant 3 : i32
        %add3A_568 = arith.addi %mul3A_566, %add3A_567 : i32
        %dma_start3A_569 = arith.constant 3 : i32
        %dma_start3A_570 = arith.constant 0 : i32
        %dma_start3A_571 = arith.constant 0 : i32
        %dma_start3A_572 = tpu.memref_slice %arg6[%dma_start3A_569, %dma_start3A_570, %dma_start3A_571] : memref<8x50x128xf32, #tpu.memory_space<vmem>> -> memref<1x50x128xf32, #tpu.memory_space<vmem>>
        %dma_start3A_573 = tpu.memref_squeeze %dma_start3A_572 : memref<1x50x128xf32, #tpu.memory_space<vmem>> -> memref<50x128xf32, #tpu.memory_space<vmem>>
        %dma_start3A_574 = arith.constant 0 : i32
        %dma_start3A_575 = tpu.memref_slice %arg5[%add3A_568, %dma_start3A_574] : memref<128x50xi32, #tpu.memory_space<vmem>> -> memref<1x50xi32, #tpu.memory_space<vmem>>
        %dma_start3A_576 = tpu.memref_squeeze %dma_start3A_575 : memref<1x50xi32, #tpu.memory_space<vmem>> -> memref<50xi32, #tpu.memory_space<vmem>>
        %dma_start3A_577 = arith.constant 0 : i32
        %dma_start3A_578 = arith.constant 0 : i32
        %dma_start3A_579 = tpu.memref_slice %arg2[%dma_start3A_577, %dma_start3A_578] : memref<1000000x128xf32, #tpu.memory_space<hbm>> -> memref<1000000x128xf32, #tpu.memory_space<hbm>>
        tpu.enqueue_indirect_dma source(%dma_start3A_579 : memref<1000000x128xf32, #tpu.memory_space<hbm>>) target(%dma_start3A_573 : memref<50x128xf32, #tpu.memory_space<vmem>>) offsets(%dma_start3A_576 : memref<50xi32, #tpu.memory_space<vmem>>) semaphore(%arg8 : memref<!tpu.dma_semaphore, #tpu.memory_space<semaphore_mem>>)
        %mul3A_580 = arith.constant 8 : i32
        %mul3A_581 = arith.muli %add3A_519, %mul3A_580 : i32
        %add3A_582 = arith.constant 4 : i32
        %add3A_583 = arith.addi %mul3A_581, %add3A_582 : i32
        %dma_start3A_584 = arith.constant 4 : i32
        %dma_start3A_585 = arith.constant 0 : i32
        %dma_start3A_586 = arith.constant 0 : i32
        %dma_start3A_587 = tpu.memref_slice %arg6[%dma_start3A_584, %dma_start3A_585, %dma_start3A_586] : memref<8x50x128xf32, #tpu.memory_space<vmem>> -> memref<1x50x128xf32, #tpu.memory_space<vmem>>
        %dma_start3A_588 = tpu.memref_squeeze %dma_start3A_587 : memref<1x50x128xf32, #tpu.memory_space<vmem>> -> memref<50x128xf32, #tpu.memory_space<vmem>>
        %dma_start3A_589 = arith.constant 0 : i32
        %dma_start3A_590 = tpu.memref_slice %arg5[%add3A_583, %dma_start3A_589] : memref<128x50xi32, #tpu.memory_space<vmem>> -> memref<1x50xi32, #tpu.memory_space<vmem>>
        %dma_start3A_591 = tpu.memref_squeeze %dma_start3A_590 : memref<1x50xi32, #tpu.memory_space<vmem>> -> memref<50xi32, #tpu.memory_space<vmem>>
        %dma_start3A_592 = arith.constant 0 : i32
        %dma_start3A_593 = arith.constant 0 : i32
        %dma_start3A_594 = tpu.memref_slice %arg2[%dma_start3A_592, %dma_start3A_593] : memref<1000000x128xf32, #tpu.memory_space<hbm>> -> memref<1000000x128xf32, #tpu.memory_space<hbm>>
        tpu.enqueue_indirect_dma source(%dma_start3A_594 : memref<1000000x128xf32, #tpu.memory_space<hbm>>) target(%dma_start3A_588 : memref<50x128xf32, #tpu.memory_space<vmem>>) offsets(%dma_start3A_591 : memref<50xi32, #tpu.memory_space<vmem>>) semaphore(%arg8 : memref<!tpu.dma_semaphore, #tpu.memory_space<semaphore_mem>>)
        %mul3A_595 = arith.constant 8 : i32
        %mul3A_596 = arith.muli %add3A_519, %mul3A_595 : i32
        %add3A_597 = arith.constant 5 : i32
        %add3A_598 = arith.addi %mul3A_596, %add3A_597 : i32
        %dma_start3A_599 = arith.constant 5 : i32
        %dma_start3A_600 = arith.constant 0 : i32
        %dma_start3A_601 = arith.constant 0 : i32
        %dma_start3A_602 = tpu.memref_slice %arg6[%dma_start3A_599, %dma_start3A_600, %dma_start3A_601] : memref<8x50x128xf32, #tpu.memory_space<vmem>> -> memref<1x50x128xf32, #tpu.memory_space<vmem>>
        %dma_start3A_603 = tpu.memref_squeeze %dma_start3A_602 : memref<1x50x128xf32, #tpu.memory_space<vmem>> -> memref<50x128xf32, #tpu.memory_space<vmem>>
        %dma_start3A_604 = arith.constant 0 : i32
        %dma_start3A_605 = tpu.memref_slice %arg5[%add3A_598, %dma_start3A_604] : memref<128x50xi32, #tpu.memory_space<vmem>> -> memref<1x50xi32, #tpu.memory_space<vmem>>
        %dma_start3A_606 = tpu.memref_squeeze %dma_start3A_605 : memref<1x50xi32, #tpu.memory_space<vmem>> -> memref<50xi32, #tpu.memory_space<vmem>>
        %dma_start3A_607 = arith.constant 0 : i32
        %dma_start3A_608 = arith.constant 0 : i32
        %dma_start3A_609 = tpu.memref_slice %arg2[%dma_start3A_607, %dma_start3A_608] : memref<1000000x128xf32, #tpu.memory_space<hbm>> -> memref<1000000x128xf32, #tpu.memory_space<hbm>>
        tpu.enqueue_indirect_dma source(%dma_start3A_609 : memref<1000000x128xf32, #tpu.memory_space<hbm>>) target(%dma_start3A_603 : memref<50x128xf32, #tpu.memory_space<vmem>>) offsets(%dma_start3A_606 : memref<50xi32, #tpu.memory_space<vmem>>) semaphore(%arg8 : memref<!tpu.dma_semaphore, #tpu.memory_space<semaphore_mem>>)
        %mul3A_610 = arith.constant 8 : i32
        %mul3A_611 = arith.muli %add3A_519, %mul3A_610 : i32
        %add3A_612 = arith.constant 6 : i32
        %add3A_613 = arith.addi %mul3A_611, %add3A_612 : i32
        %dma_start3A_614 = arith.constant 6 : i32
        %dma_start3A_615 = arith.constant 0 : i32
        %dma_start3A_616 = arith.constant 0 : i32
        %dma_start3A_617 = tpu.memref_slice %arg6[%dma_start3A_614, %dma_start3A_615, %dma_start3A_616] : memref<8x50x128xf32, #tpu.memory_space<vmem>> -> memref<1x50x128xf32, #tpu.memory_space<vmem>>
        %dma_start3A_618 = tpu.memref_squeeze %dma_start3A_617 : memref<1x50x128xf32, #tpu.memory_space<vmem>> -> memref<50x128xf32, #tpu.memory_space<vmem>>
        %dma_start3A_619 = arith.constant 0 : i32
        %dma_start3A_620 = tpu.memref_slice %arg5[%add3A_613, %dma_start3A_619] : memref<128x50xi32, #tpu.memory_space<vmem>> -> memref<1x50xi32, #tpu.memory_space<vmem>>
        %dma_start3A_621 = tpu.memref_squeeze %dma_start3A_620 : memref<1x50xi32, #tpu.memory_space<vmem>> -> memref<50xi32, #tpu.memory_space<vmem>>
        %dma_start3A_622 = arith.constant 0 : i32
        %dma_start3A_623 = arith.constant 0 : i32
        %dma_start3A_624 = tpu.memref_slice %arg2[%dma_start3A_622, %dma_start3A_623] : memref<1000000x128xf32, #tpu.memory_space<hbm>> -> memref<1000000x128xf32, #tpu.memory_space<hbm>>
        tpu.enqueue_indirect_dma source(%dma_start3A_624 : memref<1000000x128xf32, #tpu.memory_space<hbm>>) target(%dma_start3A_618 : memref<50x128xf32, #tpu.memory_space<vmem>>) offsets(%dma_start3A_621 : memref<50xi32, #tpu.memory_space<vmem>>) semaphore(%arg8 : memref<!tpu.dma_semaphore, #tpu.memory_space<semaphore_mem>>)
        %mul3A_625 = arith.constant 8 : i32
        %mul3A_626 = arith.muli %add3A_519, %mul3A_625 : i32
        %add3A_627 = arith.constant 7 : i32
        %add3A_628 = arith.addi %mul3A_626, %add3A_627 : i32
        %dma_start3A_629 = arith.constant 7 : i32
        %dma_start3A_630 = arith.constant 0 : i32
        %dma_start3A_631 = arith.constant 0 : i32
        %dma_start3A_632 = tpu.memref_slice %arg6[%dma_start3A_629, %dma_start3A_630, %dma_start3A_631] : memref<8x50x128xf32, #tpu.memory_space<vmem>> -> memref<1x50x128xf32, #tpu.memory_space<vmem>>
        %dma_start3A_633 = tpu.memref_squeeze %dma_start3A_632 : memref<1x50x128xf32, #tpu.memory_space<vmem>> -> memref<50x128xf32, #tpu.memory_space<vmem>>
        %dma_start3A_634 = arith.constant 0 : i32
        %dma_start3A_635 = tpu.memref_slice %arg5[%add3A_628, %dma_start3A_634] : memref<128x50xi32, #tpu.memory_space<vmem>> -> memref<1x50xi32, #tpu.memory_space<vmem>>
        %dma_start3A_636 = tpu.memref_squeeze %dma_start3A_635 : memref<1x50xi32, #tpu.memory_space<vmem>> -> memref<50xi32, #tpu.memory_space<vmem>>
        %dma_start3A_637 = arith.constant 0 : i32
        %dma_start3A_638 = arith.constant 0 : i32
        %dma_start3A_639 = tpu.memref_slice %arg2[%dma_start3A_637, %dma_start3A_638] : memref<1000000x128xf32, #tpu.memory_space<hbm>> -> memref<1000000x128xf32, #tpu.memory_space<hbm>>
        tpu.enqueue_indirect_dma source(%dma_start3A_639 : memref<1000000x128xf32, #tpu.memory_space<hbm>>) target(%dma_start3A_633 : memref<50x128xf32, #tpu.memory_space<vmem>>) offsets(%dma_start3A_636 : memref<50xi32, #tpu.memory_space<vmem>>) semaphore(%arg8 : memref<!tpu.dma_semaphore, #tpu.memory_space<semaphore_mem>>)
      } else {
      }
      %mul3A_380 = arith.constant 8 : i32
      %mul3A_381 = arith.muli %add3A_124, %mul3A_380 : i32
      %add3A_382 = arith.constant 0 : i32
      %add3A_383 = arith.addi %mul3A_381, %add3A_382 : i32
      %dma_wait3A_384 = arith.constant 0 : i32
      %dma_wait3A_385 = arith.constant 0 : i32
      %dma_wait3A_386 = arith.constant 0 : i32
      %dma_wait3A_387 = tpu.memref_slice %arg7[%dma_wait3A_384, %dma_wait3A_385, %dma_wait3A_386] : memref<8x50x128xf32, #tpu.memory_space<vmem>> -> memref<1x50x128xf32, #tpu.memory_space<vmem>>
      %dma_wait3A_388 = tpu.memref_squeeze %dma_wait3A_387 : memref<1x50x128xf32, #tpu.memory_space<vmem>> -> memref<50x128xf32, #tpu.memory_space<vmem>>
      %dma_wait3A_389 = arith.constant 0 : i32
      %dma_wait3A_390 = tpu.memref_slice %arg5[%add3A_383, %dma_wait3A_389] : memref<128x50xi32, #tpu.memory_space<vmem>> -> memref<1x50xi32, #tpu.memory_space<vmem>>
      %dma_wait3A_391 = tpu.memref_squeeze %dma_wait3A_390 : memref<1x50xi32, #tpu.memory_space<vmem>> -> memref<50xi32, #tpu.memory_space<vmem>>
      %dma_wait3A_392 = arith.constant 0 : i32
      %dma_wait3A_393 = arith.constant 0 : i32
      %dma_wait3A_394 = tpu.memref_slice %arg2[%dma_wait3A_392, %dma_wait3A_393] : memref<1000000x128xf32, #tpu.memory_space<hbm>> -> memref<1000000x128xf32, #tpu.memory_space<hbm>>
      tpu.wait_indirect_dma semaphore(%arg9 : memref<!tpu.dma_semaphore, #tpu.memory_space<semaphore_mem>>) src(%dma_wait3A_394 : memref<1000000x128xf32, #tpu.memory_space<hbm>>) dst(%dma_wait3A_388 : memref<50x128xf32, #tpu.memory_space<vmem>>)
      %mul3A_395 = arith.constant 8 : i32
      %mul3A_396 = arith.muli %add3A_124, %mul3A_395 : i32
      %add3A_397 = arith.constant 1 : i32
      %add3A_398 = arith.addi %mul3A_396, %add3A_397 : i32
      %dma_wait3A_399 = arith.constant 1 : i32
      %dma_wait3A_400 = arith.constant 0 : i32
      %dma_wait3A_401 = arith.constant 0 : i32
      %dma_wait3A_402 = tpu.memref_slice %arg7[%dma_wait3A_399, %dma_wait3A_400, %dma_wait3A_401] : memref<8x50x128xf32, #tpu.memory_space<vmem>> -> memref<1x50x128xf32, #tpu.memory_space<vmem>>
      %dma_wait3A_403 = tpu.memref_squeeze %dma_wait3A_402 : memref<1x50x128xf32, #tpu.memory_space<vmem>> -> memref<50x128xf32, #tpu.memory_space<vmem>>
      %dma_wait3A_404 = arith.constant 0 : i32
      %dma_wait3A_405 = tpu.memref_slice %arg5[%add3A_398, %dma_wait3A_404] : memref<128x50xi32, #tpu.memory_space<vmem>> -> memref<1x50xi32, #tpu.memory_space<vmem>>
      %dma_wait3A_406 = tpu.memref_squeeze %dma_wait3A_405 : memref<1x50xi32, #tpu.memory_space<vmem>> -> memref<50xi32, #tpu.memory_space<vmem>>
      %dma_wait3A_407 = arith.constant 0 : i32
      %dma_wait3A_408 = arith.constant 0 : i32
      %dma_wait3A_409 = tpu.memref_slice %arg2[%dma_wait3A_407, %dma_wait3A_408] : memref<1000000x128xf32, #tpu.memory_space<hbm>> -> memref<1000000x128xf32, #tpu.memory_space<hbm>>
      tpu.wait_indirect_dma semaphore(%arg9 : memref<!tpu.dma_semaphore, #tpu.memory_space<semaphore_mem>>) src(%dma_wait3A_409 : memref<1000000x128xf32, #tpu.memory_space<hbm>>) dst(%dma_wait3A_403 : memref<50x128xf32, #tpu.memory_space<vmem>>)
      %mul3A_410 = arith.constant 8 : i32
      %mul3A_411 = arith.muli %add3A_124, %mul3A_410 : i32
      %add3A_412 = arith.constant 2 : i32
      %add3A_413 = arith.addi %mul3A_411, %add3A_412 : i32
      %dma_wait3A_414 = arith.constant 2 : i32
      %dma_wait3A_415 = arith.constant 0 : i32
      %dma_wait3A_416 = arith.constant 0 : i32
      %dma_wait3A_417 = tpu.memref_slice %arg7[%dma_wait3A_414, %dma_wait3A_415, %dma_wait3A_416] : memref<8x50x128xf32, #tpu.memory_space<vmem>> -> memref<1x50x128xf32, #tpu.memory_space<vmem>>
      %dma_wait3A_418 = tpu.memref_squeeze %dma_wait3A_417 : memref<1x50x128xf32, #tpu.memory_space<vmem>> -> memref<50x128xf32, #tpu.memory_space<vmem>>
      %dma_wait3A_419 = arith.constant 0 : i32
      %dma_wait3A_420 = tpu.memref_slice %arg5[%add3A_413, %dma_wait3A_419] : memref<128x50xi32, #tpu.memory_space<vmem>> -> memref<1x50xi32, #tpu.memory_space<vmem>>
      %dma_wait3A_421 = tpu.memref_squeeze %dma_wait3A_420 : memref<1x50xi32, #tpu.memory_space<vmem>> -> memref<50xi32, #tpu.memory_space<vmem>>
      %dma_wait3A_422 = arith.constant 0 : i32
      %dma_wait3A_423 = arith.constant 0 : i32
      %dma_wait3A_424 = tpu.memref_slice %arg2[%dma_wait3A_422, %dma_wait3A_423] : memref<1000000x128xf32, #tpu.memory_space<hbm>> -> memref<1000000x128xf32, #tpu.memory_space<hbm>>
      tpu.wait_indirect_dma semaphore(%arg9 : memref<!tpu.dma_semaphore, #tpu.memory_space<semaphore_mem>>) src(%dma_wait3A_424 : memref<1000000x128xf32, #tpu.memory_space<hbm>>) dst(%dma_wait3A_418 : memref<50x128xf32, #tpu.memory_space<vmem>>)
      %mul3A_425 = arith.constant 8 : i32
      %mul3A_426 = arith.muli %add3A_124, %mul3A_425 : i32
      %add3A_427 = arith.constant 3 : i32
      %add3A_428 = arith.addi %mul3A_426, %add3A_427 : i32
      %dma_wait3A_429 = arith.constant 3 : i32
      %dma_wait3A_430 = arith.constant 0 : i32
      %dma_wait3A_431 = arith.constant 0 : i32
      %dma_wait3A_432 = tpu.memref_slice %arg7[%dma_wait3A_429, %dma_wait3A_430, %dma_wait3A_431] : memref<8x50x128xf32, #tpu.memory_space<vmem>> -> memref<1x50x128xf32, #tpu.memory_space<vmem>>
      %dma_wait3A_433 = tpu.memref_squeeze %dma_wait3A_432 : memref<1x50x128xf32, #tpu.memory_space<vmem>> -> memref<50x128xf32, #tpu.memory_space<vmem>>
      %dma_wait3A_434 = arith.constant 0 : i32
      %dma_wait3A_435 = tpu.memref_slice %arg5[%add3A_428, %dma_wait3A_434] : memref<128x50xi32, #tpu.memory_space<vmem>> -> memref<1x50xi32, #tpu.memory_space<vmem>>
      %dma_wait3A_436 = tpu.memref_squeeze %dma_wait3A_435 : memref<1x50xi32, #tpu.memory_space<vmem>> -> memref<50xi32, #tpu.memory_space<vmem>>
      %dma_wait3A_437 = arith.constant 0 : i32
      %dma_wait3A_438 = arith.constant 0 : i32
      %dma_wait3A_439 = tpu.memref_slice %arg2[%dma_wait3A_437, %dma_wait3A_438] : memref<1000000x128xf32, #tpu.memory_space<hbm>> -> memref<1000000x128xf32, #tpu.memory_space<hbm>>
      tpu.wait_indirect_dma semaphore(%arg9 : memref<!tpu.dma_semaphore, #tpu.memory_space<semaphore_mem>>) src(%dma_wait3A_439 : memref<1000000x128xf32, #tpu.memory_space<hbm>>) dst(%dma_wait3A_433 : memref<50x128xf32, #tpu.memory_space<vmem>>)
      %mul3A_440 = arith.constant 8 : i32
      %mul3A_441 = arith.muli %add3A_124, %mul3A_440 : i32
      %add3A_442 = arith.constant 4 : i32
      %add3A_443 = arith.addi %mul3A_441, %add3A_442 : i32
      %dma_wait3A_444 = arith.constant 4 : i32
      %dma_wait3A_445 = arith.constant 0 : i32
      %dma_wait3A_446 = arith.constant 0 : i32
      %dma_wait3A_447 = tpu.memref_slice %arg7[%dma_wait3A_444, %dma_wait3A_445, %dma_wait3A_446] : memref<8x50x128xf32, #tpu.memory_space<vmem>> -> memref<1x50x128xf32, #tpu.memory_space<vmem>>
      %dma_wait3A_448 = tpu.memref_squeeze %dma_wait3A_447 : memref<1x50x128xf32, #tpu.memory_space<vmem>> -> memref<50x128xf32, #tpu.memory_space<vmem>>
      %dma_wait3A_449 = arith.constant 0 : i32
      %dma_wait3A_450 = tpu.memref_slice %arg5[%add3A_443, %dma_wait3A_449] : memref<128x50xi32, #tpu.memory_space<vmem>> -> memref<1x50xi32, #tpu.memory_space<vmem>>
      %dma_wait3A_451 = tpu.memref_squeeze %dma_wait3A_450 : memref<1x50xi32, #tpu.memory_space<vmem>> -> memref<50xi32, #tpu.memory_space<vmem>>
      %dma_wait3A_452 = arith.constant 0 : i32
      %dma_wait3A_453 = arith.constant 0 : i32
      %dma_wait3A_454 = tpu.memref_slice %arg2[%dma_wait3A_452, %dma_wait3A_453] : memref<1000000x128xf32, #tpu.memory_space<hbm>> -> memref<1000000x128xf32, #tpu.memory_space<hbm>>
      tpu.wait_indirect_dma semaphore(%arg9 : memref<!tpu.dma_semaphore, #tpu.memory_space<semaphore_mem>>) src(%dma_wait3A_454 : memref<1000000x128xf32, #tpu.memory_space<hbm>>) dst(%dma_wait3A_448 : memref<50x128xf32, #tpu.memory_space<vmem>>)
      %mul3A_455 = arith.constant 8 : i32
      %mul3A_456 = arith.muli %add3A_124, %mul3A_455 : i32
      %add3A_457 = arith.constant 5 : i32
      %add3A_458 = arith.addi %mul3A_456, %add3A_457 : i32
      %dma_wait3A_459 = arith.constant 5 : i32
      %dma_wait3A_460 = arith.constant 0 : i32
      %dma_wait3A_461 = arith.constant 0 : i32
      %dma_wait3A_462 = tpu.memref_slice %arg7[%dma_wait3A_459, %dma_wait3A_460, %dma_wait3A_461] : memref<8x50x128xf32, #tpu.memory_space<vmem>> -> memref<1x50x128xf32, #tpu.memory_space<vmem>>
      %dma_wait3A_463 = tpu.memref_squeeze %dma_wait3A_462 : memref<1x50x128xf32, #tpu.memory_space<vmem>> -> memref<50x128xf32, #tpu.memory_space<vmem>>
      %dma_wait3A_464 = arith.constant 0 : i32
      %dma_wait3A_465 = tpu.memref_slice %arg5[%add3A_458, %dma_wait3A_464] : memref<128x50xi32, #tpu.memory_space<vmem>> -> memref<1x50xi32, #tpu.memory_space<vmem>>
      %dma_wait3A_466 = tpu.memref_squeeze %dma_wait3A_465 : memref<1x50xi32, #tpu.memory_space<vmem>> -> memref<50xi32, #tpu.memory_space<vmem>>
      %dma_wait3A_467 = arith.constant 0 : i32
      %dma_wait3A_468 = arith.constant 0 : i32
      %dma_wait3A_469 = tpu.memref_slice %arg2[%dma_wait3A_467, %dma_wait3A_468] : memref<1000000x128xf32, #tpu.memory_space<hbm>> -> memref<1000000x128xf32, #tpu.memory_space<hbm>>
      tpu.wait_indirect_dma semaphore(%arg9 : memref<!tpu.dma_semaphore, #tpu.memory_space<semaphore_mem>>) src(%dma_wait3A_469 : memref<1000000x128xf32, #tpu.memory_space<hbm>>) dst(%dma_wait3A_463 : memref<50x128xf32, #tpu.memory_space<vmem>>)
      %mul3A_470 = arith.constant 8 : i32
      %mul3A_471 = arith.muli %add3A_124, %mul3A_470 : i32
      %add3A_472 = arith.constant 6 : i32
      %add3A_473 = arith.addi %mul3A_471, %add3A_472 : i32
      %dma_wait3A_474 = arith.constant 6 : i32
      %dma_wait3A_475 = arith.constant 0 : i32
      %dma_wait3A_476 = arith.constant 0 : i32
      %dma_wait3A_477 = tpu.memref_slice %arg7[%dma_wait3A_474, %dma_wait3A_475, %dma_wait3A_476] : memref<8x50x128xf32, #tpu.memory_space<vmem>> -> memref<1x50x128xf32, #tpu.memory_space<vmem>>
      %dma_wait3A_478 = tpu.memref_squeeze %dma_wait3A_477 : memref<1x50x128xf32, #tpu.memory_space<vmem>> -> memref<50x128xf32, #tpu.memory_space<vmem>>
      %dma_wait3A_479 = arith.constant 0 : i32
      %dma_wait3A_480 = tpu.memref_slice %arg5[%add3A_473, %dma_wait3A_479] : memref<128x50xi32, #tpu.memory_space<vmem>> -> memref<1x50xi32, #tpu.memory_space<vmem>>
      %dma_wait3A_481 = tpu.memref_squeeze %dma_wait3A_480 : memref<1x50xi32, #tpu.memory_space<vmem>> -> memref<50xi32, #tpu.memory_space<vmem>>
      %dma_wait3A_482 = arith.constant 0 : i32
      %dma_wait3A_483 = arith.constant 0 : i32
      %dma_wait3A_484 = tpu.memref_slice %arg2[%dma_wait3A_482, %dma_wait3A_483] : memref<1000000x128xf32, #tpu.memory_space<hbm>> -> memref<1000000x128xf32, #tpu.memory_space<hbm>>
      tpu.wait_indirect_dma semaphore(%arg9 : memref<!tpu.dma_semaphore, #tpu.memory_space<semaphore_mem>>) src(%dma_wait3A_484 : memref<1000000x128xf32, #tpu.memory_space<hbm>>) dst(%dma_wait3A_478 : memref<50x128xf32, #tpu.memory_space<vmem>>)
      %mul3A_485 = arith.constant 8 : i32
      %mul3A_486 = arith.muli %add3A_124, %mul3A_485 : i32
      %add3A_487 = arith.constant 7 : i32
      %add3A_488 = arith.addi %mul3A_486, %add3A_487 : i32
      %dma_wait3A_489 = arith.constant 7 : i32
      %dma_wait3A_490 = arith.constant 0 : i32
      %dma_wait3A_491 = arith.constant 0 : i32
      %dma_wait3A_492 = tpu.memref_slice %arg7[%dma_wait3A_489, %dma_wait3A_490, %dma_wait3A_491] : memref<8x50x128xf32, #tpu.memory_space<vmem>> -> memref<1x50x128xf32, #tpu.memory_space<vmem>>
      %dma_wait3A_493 = tpu.memref_squeeze %dma_wait3A_492 : memref<1x50x128xf32, #tpu.memory_space<vmem>> -> memref<50x128xf32, #tpu.memory_space<vmem>>
      %dma_wait3A_494 = arith.constant 0 : i32
      %dma_wait3A_495 = tpu.memref_slice %arg5[%add3A_488, %dma_wait3A_494] : memref<128x50xi32, #tpu.memory_space<vmem>> -> memref<1x50xi32, #tpu.memory_space<vmem>>
      %dma_wait3A_496 = tpu.memref_squeeze %dma_wait3A_495 : memref<1x50xi32, #tpu.memory_space<vmem>> -> memref<50xi32, #tpu.memory_space<vmem>>
      %dma_wait3A_497 = arith.constant 0 : i32
      %dma_wait3A_498 = arith.constant 0 : i32
      %dma_wait3A_499 = tpu.memref_slice %arg2[%dma_wait3A_497, %dma_wait3A_498] : memref<1000000x128xf32, #tpu.memory_space<hbm>> -> memref<1000000x128xf32, #tpu.memory_space<hbm>>
      tpu.wait_indirect_dma semaphore(%arg9 : memref<!tpu.dma_semaphore, #tpu.memory_space<semaphore_mem>>) src(%dma_wait3A_499 : memref<1000000x128xf32, #tpu.memory_space<hbm>>) dst(%dma_wait3A_493 : memref<50x128xf32, #tpu.memory_space<vmem>>)
      %mul3A_500 = arith.constant 8 : i32
      %mul3A_501 = arith.muli %add3A_124, %mul3A_500 : i32
      %add3A_502 = arith.addi %mul3A_2, %mul3A_501 : i32
      %dma_start3A_503 = arith.constant 0 : i32
      %dma_start3A_504 = arith.constant 0 : i32
      %dma_start3A_505 = tpu.memref_slice %arg4[%add3A_502, %dma_start3A_503, %dma_start3A_504] : memref<4096x50x128xf32, #tpu.memory_space<hbm>> -> memref<8x50x128xf32, #tpu.memory_space<hbm>>
      %dma_start3A_506 = arith.constant 0 : i32
      %dma_start3A_507 = arith.constant 0 : i32
      %dma_start3A_508 = tpu.memref_slice %arg4[%add3A_502, %dma_start3A_506, %dma_start3A_507] : memref<4096x50x128xf32, #tpu.memory_space<hbm>> -> memref<8x50x128xf32, #tpu.memory_space<hbm>>
      tpu.enqueue_dma source(%arg7 : memref<8x50x128xf32, #tpu.memory_space<vmem>>) target(%dma_start3A_508 : memref<8x50x128xf32, #tpu.memory_space<hbm>>) target_semaphore(%arg11 : memref<!tpu.dma_semaphore, #tpu.memory_space<semaphore_mem>>)
    }
    %scan3A_102 = arith.constant 8 : i32
    %add3A_103 = arith.constant 112 : i32
    %add3A_104 = arith.addi %mul3A_2, %add3A_103 : i32
    %dma_wait3A = arith.constant 0 : i32
    %dma_wait3A_105 = arith.constant 0 : i32
    %dma_wait3A_106 = tpu.memref_slice %arg4[%add3A_104, %dma_wait3A, %dma_wait3A_105] : memref<4096x50x128xf32, #tpu.memory_space<hbm>> -> memref<8x50x128xf32, #tpu.memory_space<hbm>>
    %dma_wait3A_107 = arith.constant 0 : i32
    %dma_wait3A_108 = arith.constant 0 : i32
    %dma_wait3A_109 = tpu.memref_slice %arg4[%add3A_104, %dma_wait3A_107, %dma_wait3A_108] : memref<4096x50x128xf32, #tpu.memory_space<hbm>> -> memref<8x50x128xf32, #tpu.memory_space<hbm>>
    tpu.wait_dma2 semaphore(%arg10 : memref<!tpu.dma_semaphore, #tpu.memory_space<semaphore_mem>>) src(%arg6 : memref<8x50x128xf32, #tpu.memory_space<vmem>>) dst(%dma_wait3A_109 : memref<8x50x128xf32, #tpu.memory_space<hbm>>)
    %add3A_110 = arith.constant 120 : i32
    %add3A_111 = arith.addi %mul3A_2, %add3A_110 : i32
    %dma_wait3A_112 = arith.constant 0 : i32
    %dma_wait3A_113 = arith.constant 0 : i32
    %dma_wait3A_114 = tpu.memref_slice %arg4[%add3A_111, %dma_wait3A_112, %dma_wait3A_113] : memref<4096x50x128xf32, #tpu.memory_space<hbm>> -> memref<8x50x128xf32, #tpu.memory_space<hbm>>
    %dma_wait3A_115 = arith.constant 0 : i32
    %dma_wait3A_116 = arith.constant 0 : i32
    %dma_wait3A_117 = tpu.memref_slice %arg4[%add3A_111, %dma_wait3A_115, %dma_wait3A_116] : memref<4096x50x128xf32, #tpu.memory_space<hbm>> -> memref<8x50x128xf32, #tpu.memory_space<hbm>>
    tpu.wait_dma2 semaphore(%arg11 : memref<!tpu.dma_semaphore, #tpu.memory_space<semaphore_mem>>) src(%arg7 : memref<8x50x128xf32, #tpu.memory_space<vmem>>) dst(%dma_wait3A_117 : memref<8x50x128xf32, #tpu.memory_space<hbm>>)
    return
  }
}

</mosaic_0001>

<sc_bundles>
// kernel: kernel.4.cloned.1.call-start
scs
__scs_entry_jumppad:
0x0: {  	(pc) =	sbr.rel $0x88, $3  }
0x1: {  	(tag) =	ssettag $0x0;
	lr =	simm.s32 $0x1  }
0x2: {  	[smem:$0x3F9F] =	sst lr;
	_ =	strace $0xD0000000  }
0x3: {  	_ = 	snop  }
0x4: {  	_ = 	snop  }
0x5: {  	_ = 	snop  }
0x6: {  	_ = 	snop  }
0x7: {  	_ = 	snop  }
__scs_overlays_trampoline_lowered:
0x8: {  	[smem:$0x3FAE] =	sst s0  }
0x9: {  	[smem:$0x3FAF] =	sst s1  }
0xa: {  	[smem:$0x3FB0] =	sst s2  }
0xb: {  	[smem:$0x3FB1] =	sst s3  }
0xc: {  	[smem:$0x3FB2] =	sst s4  }
0xd: {  	[smem:$0x3FB3] =	sst s5  }
0xe: {  	[smem:$0x3FB4] =	sst s6  }
0xf: {  	[smem:$0x3FB5] =	sst s7  }
0x10: {  	[smem:$0x3FB6] =	sst s8  }
0x11: {  	[smem:$0x3FB7] =	sst s9;
	s0 =	simm.s32 @!p0 $0x0  }
0x12: {  	s1 =	sld [smem:$0x3F9D];
	s0 =	simm.s32 @p0 $0x1  }
0x13: {  	[smem:$0x3FB8] =	sst s0;
	s0 =	simm.s32 @!p1 $0x0  }
0x14: {  	s2 =	sld [smem:$0x3F9C];
	s0 =	simm.s32 @p1 $0x1  }
0x15: {  	[smem:$0x3FB9] =	sst s0;
	s0 =	simm.s32 @!p2 $0x0  }
0x16: {  	s3 =	sld [smem:$0x3FDB];
	s0 =	simm.s32 @p2 $0x1  }
0x17: {  	s4 =	simm.s32 $0x1BF5;
	[smem:$0x3FBB] =	sst s0  }
0x18: {  	s0 =	sld [smem:$0x3F9E];
	_ =	swait.ge [sflag:s4], $0x0  }
0x19: {  	s7 =	sld [smem:$0x3F9F]  }
0x1a: {  	s8 =	sadd.s32 $0xFFFFE003, lr  }
0x1b: {  	s9 =	sadd.s32 $0xFFFFFEF7, lr;
	s5 =	simm.s32 $0xFFFFFFFF;
	p2 =	slt.u32 s8, $0xFFFFF086  }
0x1c: {  	p1 =	slt.u32 s9, $0xF7A;
	s5 =	simm.s32 @!p2 $0x0  }
0x1d: {  	s5 =	simm.s32 @p1 $0x1;
	p0 =	seq.s32 s7, s2  }
0x1e: {  	s7 =	smul.u32 @!p0 $0xF7A, s2;
	p2 =	seq.s32 @!p0 s5, $0x0  }
0x1f: {  	s9 =	smul.u32 $0xF7A, s1;
	s8 =	simm.s32 @!p0 $0x1BF5;
	p2 =	por !p2, p0  }
0x20: {  	[sflag:s8] =	ssyncset.s32 @!p0 $0xFFFFF086;
	s6 =	sadd.s32 @!p0 s3, s7;
	s7 =	simm.s32 @!p0 $0x108  }
0x21: {  	s3 =	sadd.s32 s3, s9;
	s6 =	sadd.s32 @!p0 $0x88, s6;
	s7 =	simm.s32 @p2 $0x1082  }
0x22: {  	[simem:s7], [sflag:s8] =	dma.local @!p0 [hbm:s6], $0xF7A  }
0x23: {  	s9 =	sor.u32 $0xD0000000, s2;
	s6 =	simm.s32 $0x108;
	_ =	swait.ge @!p0 [sflag:s8], $0x0  }
0x24: {  	s3 =	sadd.s32 $0x88, s3;
	s6 =	simm.s32 @!p1 $0x1082;
	[sflag:s4] =	ssyncset.s32 $0xFFFFF086  }
0x25: {  	[simem:s6], [sflag:s4] =	dma.local [hbm:s3], $0xF7A  }
0x26: {  	[smem:$0x3F9F] =	sst s1;
	(tag) =	ssettag s2;
	_ =	strace s9  }
0x27: {  	s1 =	sld [smem:$0x3FAF]  }
0x28: {  	s2 =	sld [smem:$0x3FB0]  }
0x29: {  	s4 =	sld [smem:$0x3FB2]  }
0x2a: {  	p0 =	seq.s32 s5, $0x0;
	s5 =	sld [smem:$0x3FB3]  }
0x2b: {  	s6 =	sld [smem:$0x3FB4]  }
0x2c: {  	s7 =	sld [smem:$0x3FB5]  }
0x2d: {  	s3 =	simm.s32 $0x108;
	s8 =	sld [smem:$0x3FB6]  }
0x2e: {  	s3 =	simm.s32 @!p0 $0x1082;
	s9 =	sld [smem:$0x3FB7]  }
0x2f: {  	lr =	sadd.s32 s0, s3;
	s0 =	sld [smem:$0x3FAE]  }
0x30: {  	s3 =	sld [smem:$0x3FB1]  }
0x31: {  	[smem:$0x3FBA] =	sst s10  }
0x32: {  	s10 =	sld [smem:$0x3FB8];
	_ =	sdelay $0x3  }
0x33: {  	p0 =	seq.s32 s10, $0x1;
	s10 =	sld [smem:$0x3FBA];
	_ =	sdelay $0x3  }
0x34: {  	[smem:$0x3FBA] =	sst s10  }
0x35: {  	s10 =	sld [smem:$0x3FB9];
	_ =	sdelay $0x3  }
0x36: {  	p1 =	seq.s32 s10, $0x1;
	s10 =	sld [smem:$0x3FBA];
	_ =	sdelay $0x3  }
0x37: {  	[smem:$0x3FBA] =	sst s10  }
0x38: {  	s10 =	sld [smem:$0x3FBB]  }
0x39: {  	_ = 	snop;
	(pc) =	sbr.ind lr, $3  }
0x3a: {  	_ = 	snop  }
0x3b: {  	_ = 	snop  }
0x3c: {  	p2 =	seq.s32 s10, $0x1;
	s10 =	sld [smem:$0x3FBA]  }
0x3d: {  	_ =	shalt  }
0x3e: {  	_ =	shalt  }
0x3f: {  	_ =	shalt  }
0x40: {  	_ =	shalt  }
0x41: {  	_ =	shalt  }
0x42: {  	_ =	shalt  }
0x43: {  	_ =	shalt  }
0x44: {  	_ =	shalt  }
0x45: {  	_ =	shalt  }
0x46: {  	_ =	shalt  }
0x47: {  	_ =	shalt  }
0x48: {  	_ =	shalt  }
0x49: {  	_ =	shalt  }
0x4a: {  	_ =	shalt  }
0x4b: {  	_ =	shalt  }
0x4c: {  	_ =	shalt  }
0x4d: {  	_ =	shalt  }
0x4e: {  	_ =	shalt  }
0x4f: {  	_ =	shalt  }
0x50: {  	_ =	shalt  }
0x51: {  	_ =	shalt  }
0x52: {  	_ =	shalt  }
0x53: {  	_ =	shalt  }
0x54: {  	_ =	shalt  }
0x55: {  	_ =	shalt  }
0x56: {  	_ =	shalt  }
0x57: {  	_ =	shalt  }
0x58: {  	_ =	shalt  }
0x59: {  	_ =	shalt  }
0x5a: {  	_ =	shalt  }
0x5b: {  	_ =	shalt  }
0x5c: {  	_ =	shalt  }
0x5d: {  	_ =	shalt  }
0x5e: {  	_ =	shalt  }
0x5f: {  	_ =	shalt  }
0x60: {  	_ =	shalt  }
0x61: {  	_ =	shalt  }
0x62: {  	_ =	shalt  }
0x63: {  	_ =	shalt  }
0x64: {  	_ =	shalt  }
0x65: {  	_ =	shalt  }
0x66: {  	_ =	shalt  }
0x67: {  	_ =	shalt  }
0x68: {  	_ =	shalt  }
0x69: {  	_ =	shalt  }
0x6a: {  	_ =	shalt  }
0x6b: {  	_ =	shalt  }
0x6c: {  	_ =	shalt  }
0x6d: {  	_ =	shalt  }
0x6e: {  	_ =	shalt  }
0x6f: {  	_ =	shalt  }
0x70: {  	_ =	shalt  }
0x71: {  	_ =	shalt  }
0x72: {  	_ =	shalt  }
0x73: {  	_ =	shalt  }
0x74: {  	_ =	shalt  }
0x75: {  	_ =	shalt  }
0x76: {  	_ =	shalt  }
0x77: {  	_ =	shalt  }
0x78: {  	_ =	shalt  }
0x79: {  	_ =	shalt  }
0x7a: {  	_ =	shalt  }
0x7b: {  	_ =	shalt  }
0x7c: {  	_ =	shalt  }
0x7d: {  	_ =	shalt  }
0x7e: {  	_ =	shalt  }
0x7f: {  	_ =	shalt  }
0x80: {  	_ =	shalt  }
0x81: {  	_ =	shalt  }
0x82: {  	_ =	shalt  }
0x83: {  	_ =	shalt  }
0x84: {  	_ =	shalt  }
0x85: {  	_ =	shalt  }
0x86: {  	_ =	shalt  }
0x87: {  	_ =	shalt  }
.Lfunc_end0:
.L_simem_size_0:
called_computation.1_lowered:
.L_overlay_start_0:
0x88: {  	s2 =	sld [smem:$0x3FD9]  }
0x89: {  	s3 =	sld [smem:$0x3FFE];
	_ =	sdelay $0x1  }
0x8a: {  	s1 =	srdreg.scid  }
0x8b: {  	s0 =	sand.u32 $0x1, s1  }
0x8c: {  	s17 =	sshll.u32 s0, $0xA;
	s2 =	sadd.s32 s3, s2  }
0x8d: {  	s2 =	sadd.s32 s2, s17  }
0x8e: {  	[smem:$0x3FC6] =	sst s2  }
0x8f: {  	_ = 	snop  }
0x90: {  	s2 =	sld [smem:$0x3FC8];
	(tm) =	ssettm $0x1  }
0x91: {  	s18 =	sld [smem:$0x3FFB];
	_ =	sdelay $0x3  }
0x92: {  	_ =	strace s18  }
0x93: {  	s3 =	sld [smem:$0x3FFC];
	_ =	sdelay $0x3  }
0x94: {  	_ =	strace s3  }
0x95: {  	s3 =	sld [smem:$0x3FFD];
	_ =	sdelay $0x3  }
0x96: {  	_ =	strace s3  }
0x97: {  	_ =	strace $0x8FFFFFFF  }
0x98: {  	s19 =	sld [smem:$0x3FDB];
	_ =	sdelay $0x1  }
0x99: {  	s4 =	simm.s32 $_scs_section_size  }
0x9a: {  	s5 =	simm.s32 $_size__tile_overlayer_lowered;
	s6 =	simm.s32 $_tile_overlayer_lowered  }
0x9b: {  	s22 =	simm.s32 $0x1BFF;
	s21 =	sshll.u32 s6, $0x1;
	s3 =	sadd.s32 s4, s19  }
0x9c: {  	s7 =	simm.s32 $0x0;
	s20 =	sshll.u32 s5, $0x1;
	s5 =	sadd.s32 s21, s3  }
0x9d: {  	[timem:s7], [sflag:s22] =	dma.local [hbm:s5], s20  }
0x9e: {  	_ =	swait.ge [sflag:s22], s20  }
0x9f: {  	s4 =	ssub.s32 $0x0, s20;
	[sflag:s22] =	ssyncset.done $0x0  }
0xa0: {  	[sflag:s22] =	ssyncadd.s32 s4;
	_ =	sdelay $0x1  }
0xa1: {  	s23 =	simm.s32 $0x1B8B  }
0xa2: {  	_ =	swait.ge [sflag:s23], $0x1  }
0xa3: {  	[sflag:s23] =	ssyncset.done $0x0  }
0xa4: {  	s25 =	simm.s32 $0x1B8E;
	s24 =	sld [smem:$0x3FFE];
	[sflag:s23] =	ssyncadd.s32 $0xFFFFFFFF  }
0xa5: {  	s26 =	simm.s32 $execute0_lowered;
	[smem:$0x3FD2] =	sst s25  }
0xa6: {  	s5 =	sshll.u32 s26, $0x1;
	_ =	strace $0x80000046;
	[dreg:$0x1] =	wrdreg $0xFFFFFFFF  }
0xa7: {  	s28 =	simm.s32 $_size_execute0_lowered;
	s3 =	sadd.s32 s3, s5;
	[dreg:$0x0] =	wrdreg $0x0  }
0xa8: {  	s5 =	sshll.u32 s28, $0x1;
	[dreg:$0x2] =	wrdreg s3  }
0xa9: {  	[dreg:$0x3] =	wrdreg s5  }
0xaa: {  	[dreg:$0x4] =	wrdreg $0xC0  }
0xab: {  	_ =	task [dreg:s7], $0x5FFFF  }
0xac: {  	[dreg:$0x1] =	wrdreg $0xFFFFFFFF  }
0xad: {  	[dreg:$0x0] =	wrdreg $0x60  }
0xae: {  	[dreg:$0x2] =	wrdreg s2  }
0xaf: {  	[dreg:$0x3] =	wrdreg s24  }
0xb0: {  	[dreg:$0x4] =	wrdreg $0x9  }
0xb1: {  	_ =	task.clear_ibuf [dreg:s7], $0x5FFFF;
	_ =	strace $0x90000046  }
0xb2: {  	s29 =	simm.s32 $0x9;
	_ =	strace $0x80000048  }
0xb3: {  	_ =	swait.ge [sflag:s29], $0x1  }
0xb4: {  	[sflag:s29] =	ssyncadd.s32 $0xFFFFFFFF  }
0xb5: {  	_ =	strace $0x90000048  }
0xb6: {  	_ =	sfence  }
0xb7: {  	s30 =	sld [smem:$0x0];
	_ =	sdelay $0x2  }
0xb8: {  	s31 =	sshll.u32 s1, $0xD;
	s1 =	sshrl.u32 s1, $0x2  }
0xb9: {  	s3 =	sand.u32 $0x4000, s31;
	s1 =	sadd.s32 s1, s30  }
0xba: {  	s0 =	sor.u32 s3, s0;
	s1 =	sshll.u32 s1, $0x11  }
0xbb: {  	s0 =	sor.u32 s1, s0  }
0xbc: {  	s0 =	sadd.s32 $0x8F2B, s0  }
0xbd: {  	[sflag:s0] =	ssyncadd.remote.s32 $0x1  }
0xbe: {  	_ =	sfence.sel $0xFFFF  }
0xbf: {  	[dreg:$0x0] =	wrdreg $0xFFFFFFFF;
	(pc) =	sbr.abs _section_cstart, $3  }
0xc0: {  	[dreg:$0x1] =	wrdreg $0xFFFFFFFF  }
0xc1: {  	_ =	task.clear_ibuf [dreg:s7], $0x2FFFF;
	_ =	strace $0x9FFFFFFF  }
0xc2: {  	(tm) =	ssettm $0x7FFFFFFF  }
0xc3: {  	_ =	shalt  }
tec
execute0_lowered:
.L_overlay_start_1:
0x0: {  	(tag) =	ssettag $0x1  }
0x1: {  	s1 =	srdreg.scid  }
0x2: {  	s0 =	stileid.u32;
	s2 =	rddreg [dreg:$0x0]  }
0x3: {  	s11 =	rddreg [dreg:$0x1];
	s3 =	simm.s32 $0x0;
	s14 =	simm.s32 $0x7A1400  }
0x4: {  	s15 =	simm.s32 $0x2000;
	s16 =	simm.s32 $0x1;
	s17 =	simm.s32 $0x4000  }
0x5: {  	s18 =	simm.s32 $0x2;
	s19 =	simm.s32 $0x4;
	s20 =	simm.s32 $0x8000  }
0x6: {  	s21 =	simm.s32 $0x3;
	s23 =	simm.s32 $0x5;
	s24 =	simm.s32 $0x0  }
0x7: {  	s4 =	sand.u32 $0x1, s1;
	s31 =	sshll.u32 s0, $0x1;
	[smem:$0x7FF] =	sst s3  }
0x8: {  	p0 =	sgt.u32 s0, $0x1;
	s22 =	sor.u32 s4, s31;
	_ =	strace $0x80000047  }
0x9: {  	s7 =	ssub.s32 $0x2, s4;
	s5 =	smul.u32 $0xF4, s22;
	s6 =	smin.u32 s22, $0x4  }
0xa: {  	s8 =	sshrl.u32 s7, $0x1;
	p1 =	sne.s32 s22, $0x1F;
	s22 =	simm.s32 $0xC000  }
.Ltmp0:
0xb: {  	s12 =	ssub.s32 s7, s8;
	s4 =	sadd.s32 s6, s5;
	(pc) =	sbr.rel .LBB2_1-.Ltmp0, $4  }
0xc: {  	v0 =	vlaneseq.u32;
	s8 =	sadd.s32 $0x100, s2;
	s5 =	sadd.s32 $0xE00, s11;
	s9 =	sshll.u32 s4, $0x7  }
0xd: {  	v1 =	vmul.u32 $0x80, v0;
	s6 =	sadd.s32 $0x1200, s11;
	s11 =	sadd.s32 $0xF43200, s11;
	s10 =	sadd.s32 $0x7A00, s9  }
0xe: {  	v5 =	vor.u32 $0x10, v0;
	v6 =	vor.u32 $0x20, v0;
	v7 =	vor.u32 $0x30, v0;
	s12 =	smax.u32 s12, $0x1;
	s7 =	sadd.s32 s2, s9;
	s13 =	sshll.u32 s10, $0x4  }
0xf: {  	v2 =	vor.u32 $0x800, v1;
	v3 =	vor.u32 $0x1000, v1;
	v4 =	vor.u32 $0x1800, v1;
	s9 =	sadd.s32 s2, s10;
	s10 =	sadd.s32 s6, s13;
	s13 =	simm.s32 $0x400  }
.LBB2_19:
0x10: {  	s24 =	sadd.s32 $0x1, s24  }
0x11: {  	p2 =	sne.s32 s24, s12  }
.Ltmp1:
0x12: {  	_ = 	snop;
	(pc) =	sbr.rel @!p2 .LBB2_20-.Ltmp1, $1  }
0x13: {  	_ =	sdelay $0x3  }
.LBB2_1:
0x14: {  	[tilespmem:s3], [sflag:$0x1] =	stream.strided.gather [hbm4b:s7+s13], $0x2000, s14, s13, $0x38;
	[tilespmem:$0xE000] =	vst v63  }
0x15: {  	s25 =	simm.s32 $0x0  }
.LBB2_2:
0x16: {  	s26 =	sshll.u32 s25, $0x1  }
0x17: {  	s29 =	sadd.s32 s4, s26  }
0x18: {  	s28 =	sshll.u32 s29, $0x7  }
0x19: {  	s26 =	sadd.s32 $0x80, s28  }
0x1a: {  	s31 =	simm.s32 $0x0;
	s30 =	sadd.s32 s2, s26  }
0x1b: {  	v8 =	vadd.s32 s31, v0;
	[tilespmem:s15], [sflag:$0x2] =	stream.strided.gather [hbm4b:s30+s13], $0x2000, s14, s13, $0x38;
	[tilespmem:$0xE000] =	vst v63  }
0x1c: {  	v8 =	vand.u32 $0x7F, v8;
	_ =	swait.ge [sflag:s16], $0x2000  }
0x1d: {  	p2 =	seq.s32 s25, $0x0;
	v9 =	vor.u32 v4, v8;
	[sflag:s16] =	ssyncset.done $0x0  }
0x1e: {  	s1 =	simm.s32 $0x1;
	v10 =	vor.u32 v2, v8;
	s30 =	simm.s32 @!p2 $0x3;
	[sflag:s16] =	ssyncadd.s32 $0xFFFFE000  }
0x1f: {  	v11 =	vadd.s32 s1, v0;
	v12 =	vor.u32 v3, v8;
	_ =	swait.ge @!p2 [sflag:s30], $0x4000  }
0x20: {  	v18 =	vand.u32 $0x7F, v11;
	v13 =	vor.u32 v1, v8;
	[sflag:s30] =	ssyncset.done @!p2 $0x0  }
0x21: {  	v14 =	vor.u32 v3, v18;
	[sflag:s30] =	ssyncadd.s32 @!p2 $0xFFFFC000  }
0x22: {  	v16 =	vor.u32 v1, v18;
	s30 =	simm.s32 $0x2;
	v27 =	vld.idx.msk [tilespmem:v9+s3+$0x0], $0xffff  }
0x23: {  	v11 =	vor.u32 v2, v18;
	v15 =	vadd.s32 s30, v0;
	v24 =	vld.idx.msk [tilespmem:v10+s3+$0x0], $0xffff  }
0x24: {  	v9 =	vor.u32 v4, v18;
	v26 =	vld.idx.msk [tilespmem:v12+s3+$0x0], $0xffff;
	v19 =	vand.u32 $0x7F, v15  }
0x25: {  	s30 =	simm.s32 $0x3;
	v23 =	vld.idx.msk [tilespmem:v13+s3+$0x0], $0xffff;
	v15 =	vor.u32 v1, v19  }
0x26: {  	v12 =	vld.idx.msk [tilespmem:v14+s3+$0x0], $0xffff;
	v10 =	vadd.s32 s30, v0;
	v13 =	vor.u32 v3, v19  }
0x27: {  	v22 =	vld.idx.msk [tilespmem:v16+s3+$0x0], $0xffff;
	v28 =	vand.u32 $0x7F, v10;
	v21 =	vor.u32 v2, v19  }
0x28: {  	v10 =	vld.idx.msk [tilespmem:v11+s3+$0x0], $0xffff;
	v11 =	vor.u32 v2, v28  }
0x29: {  	v17 =	vor.u32 v1, v28;
	v14 =	vld.idx.msk [tilespmem:v9+s3+$0x0], $0xffff  }
0x2a: {  	v20 =	vor.u32 v4, v28;
	v15 =	vld.idx.msk [tilespmem:v15+s3+$0x0], $0xffff  }
0x2b: {  	v29 =	vshll.u32 v8, $0x7;
	v25 =	vor.u32 v4, v19;
	v16 =	vld.idx.msk [tilespmem:v13+s3+$0x0], $0xffff  }
0x2c: {  	v31 =	vor.u32 v0, v29;
	v30 =	vor.u32 v3, v28;
	v21 =	vld.idx.msk [tilespmem:v21+s3+$0x0], $0xffff  }
0x2d: {  	v9 =	vld.idx.msk [tilespmem:v11+s3+$0x0], $0xffff  }
0x2e: {  	v32 =	vor.u32 v5, v29;
	v11 =	vld.idx.msk [tilespmem:v17+s3+$0x0], $0xffff  }
0x2f: {  	v33 =	vor.u32 v6, v29;
	v8 =	vld.idx.msk [tilespmem:v20+s3+$0x0], $0xffff  }
0x30: {  	v63 =	vshll.u32 v18, $0x7;
	v29 =	vor.u32 v7, v29;
	v17 =	vld.idx.msk [tilespmem:v25+s3+$0x0], $0xffff  }
0x31: {  	v13 =	vld.idx.msk [tilespmem:v30+s3+$0x0], $0xffff;
	[tilespmem:v31+s17+$0x0] =	vst.idx.msk $0xffff, v23;
	v23 =	vor.u32 v0, v63  }
0x32: {  	v25 =	vor.u32 v5, v63  }
0x33: {  	[tilespmem:v32+s17+$0x0] =	vst.idx.msk $0xffff, v24;
	v24 =	vor.u32 v6, v63  }
0x34: {  	v20 =	vshll.u32 v19, $0x7;
	[tilespmem:v33+s17+$0x0] =	vst.idx.msk $0xffff, v26;
	v26 =	vor.u32 v7, v63  }
0x35: {  	s30 =	simm.s32 $0x4;
	v19 =	vshll.u32 v28, $0x7;
	v18 =	vor.u32 v5, v20;
	[tilespmem:v29+s17+$0x0] =	vst.idx.msk $0xffff, v27;
	v27 =	vor.u32 v0, v20  }
.LBB2_3:
0x36: {  	p3 =	sne.s32 s30, $0x7C;
	[tilespmem:v23+s17+$0x0] =	vst.idx.msk $0xffff, v22;
	s31 =	smov.u32 s30;
	s30 =	sadd.s32 $0x4, s30  }
0x37: {  	[tilespmem:v25+s17+$0x0] =	vst.idx.msk $0xffff, v10;
	v10 =	vor.u32 v6, v20  }
0x38: {  	[tilespmem:v24+s17+$0x0] =	vst.idx.msk $0xffff, v12;
	v12 =	vor.u32 v7, v20  }
0x39: {  	[tilespmem:v26+s17+$0x0] =	vst.idx.msk $0xffff, v14;
	v14 =	vor.u32 v0, v19  }
0x3a: {  	v20 =	vadd.s32 s31, v0;
	[tilespmem:v27+s17+$0x0] =	vst.idx.msk $0xffff, v15;
	v15 =	vor.u32 v5, v19  }
0x3b: {  	v20 =	vand.u32 $0x7F, v20;
	[tilespmem:v18+s17+$0x0] =	vst.idx.msk $0xffff, v21;
	v18 =	vor.u32 v6, v19;
	v19 =	vor.u32 v7, v19  }
0x3c: {  	v22 =	vor.u32 v2, v20;
	v21 =	vor.u32 v1, v20;
	[tilespmem:v10+s17+$0x0] =	vst.idx.msk $0xffff, v16  }
0x3d: {  	s1 =	sadd.s32 $0x1, s31;
	v27 =	vshll.u32 v20, $0x7;
	v10 =	vor.u32 v4, v20;
	[tilespmem:v12+s17+$0x0] =	vst.idx.msk $0xffff, v17  }
0x3e: {  	v16 =	vor.u32 v3, v20;
	v12 =	vadd.s32 s1, v0;
	[tilespmem:v14+s17+$0x0] =	vst.idx.msk $0xffff, v11  }
0x3f: {  	v11 =	vand.u32 $0x7F, v12;
	[tilespmem:v15+s17+$0x0] =	vst.idx.msk $0xffff, v9  }
0x40: {  	s1 =	sadd.s32 $0x2, s31;
	s31 =	sadd.s32 $0x3, s31;
	v9 =	vor.u32 v1, v11;
	v12 =	vor.u32 v3, v11;
	[tilespmem:v18+s17+$0x0] =	vst.idx.msk $0xffff, v13  }
0x41: {  	v14 =	vor.u32 v4, v11;
	v13 =	vor.u32 v2, v11;
	v11 =	vshll.u32 v11, $0x7;
	[tilespmem:v19+s17+$0x0] =	vst.idx.msk $0xffff, v8  }
0x42: {  	v15 =	vadd.s32 s31, v0;
	v8 =	vadd.s32 s1, v0;
	v28 =	vld.idx.msk [tilespmem:v10+s3+$0x0], $0xffff  }
0x43: {  	v15 =	vand.u32 $0x7F, v15;
	v8 =	vand.u32 $0x7F, v8;
	v29 =	vld.idx.msk [tilespmem:v22+s3+$0x0], $0xffff  }
0x44: {  	v31 =	vor.u32 v0, v27;
	v17 =	vor.u32 v1, v15;
	v30 =	vld.idx.msk [tilespmem:v16+s3+$0x0], $0xffff;
	v16 =	vor.u32 v1, v8  }
0x45: {  	v34 =	vor.u32 v5, v27;
	v33 =	vor.u32 v3, v15;
	v32 =	vld.idx.msk [tilespmem:v21+s3+$0x0], $0xffff;
	v21 =	vor.u32 v4, v15  }
0x46: {  	v35 =	vor.u32 v6, v27;
	v26 =	vor.u32 v2, v15;
	v10 =	vld.idx.msk [tilespmem:v13+s3+$0x0], $0xffff;
	v13 =	vor.u32 v2, v8  }
0x47: {  	v36 =	vor.u32 v3, v8;
	v37 =	vor.u32 v4, v8;
	v20 =	vshll.u32 v8, $0x7;
	v12 =	vld.idx.msk [tilespmem:v12+s3+$0x0], $0xffff  }
0x48: {  	v23 =	vor.u32 v0, v11;
	v19 =	vshll.u32 v15, $0x7;
	v18 =	vor.u32 v5, v20;
	v14 =	vld.idx.msk [tilespmem:v14+s3+$0x0], $0xffff  }
0x49: {  	v25 =	vor.u32 v5, v11;
	v15 =	vld.idx.msk [tilespmem:v16+s3+$0x0], $0xffff  }
0x4a: {  	v24 =	vor.u32 v6, v11;
	v22 =	vld.idx.msk [tilespmem:v9+s3+$0x0], $0xffff  }
0x4b: {  	v9 =	vld.idx.msk [tilespmem:v26+s3+$0x0], $0xffff;
	v26 =	vor.u32 v7, v11  }
0x4c: {  	v16 =	vld.idx.msk [tilespmem:v36+s3+$0x0], $0xffff  }
0x4d: {  	v11 =	vld.idx.msk [tilespmem:v17+s3+$0x0], $0xffff  }
0x4e: {  	v8 =	vld.idx.msk [tilespmem:v21+s3+$0x0], $0xffff  }
0x4f: {  	v21 =	vld.idx.msk [tilespmem:v13+s3+$0x0], $0xffff  }
0x50: {  	v27 =	vor.u32 v7, v27;
	v17 =	vld.idx.msk [tilespmem:v37+s3+$0x0], $0xffff  }
.Ltmp2:
0x51: {  	v13 =	vld.idx.msk [tilespmem:v33+s3+$0x0], $0xffff;
	(pc) =	sbr.rel @p3 .LBB2_3-.Ltmp2, $4  }
0x52: {  	[tilespmem:v31+s17+$0x0] =	vst.idx.msk $0xffff, v32  }
0x53: {  	[tilespmem:v34+s17+$0x0] =	vst.idx.msk $0xffff, v29  }
0x54: {  	[tilespmem:v35+s17+$0x0] =	vst.idx.msk $0xffff, v30  }
0x55: {  	[tilespmem:v27+s17+$0x0] =	vst.idx.msk $0xffff, v28;
	v27 =	vor.u32 v0, v20  }
0x56: {  	_ =	sdelay $0x3  }
0x57: {  	[tilespmem:v23+s17+$0x0] =	vst.idx.msk $0xffff, v22  }
0x58: {  	v58 =	vor.u32 v6, v20;
	[tilespmem:v25+s17+$0x0] =	vst.idx.msk $0xffff, v10  }
0x59: {  	v59 =	vor.u32 v7, v20;
	[tilespmem:v24+s17+$0x0] =	vst.idx.msk $0xffff, v12  }
0x5a: {  	v60 =	vor.u32 v0, v19;
	[tilespmem:v26+s17+$0x0] =	vst.idx.msk $0xffff, v14  }
0x5b: {  	v61 =	vor.u32 v5, v19;
	[tilespmem:v27+s17+$0x0] =	vst.idx.msk $0xffff, v15  }
0x5c: {  	v62 =	vor.u32 v6, v19;
	[tilespmem:v18+s17+$0x0] =	vst.idx.msk $0xffff, v21  }
0x5d: {  	v63 =	vor.u32 v7, v19;
	[tilespmem:v58+s17+$0x0] =	vst.idx.msk $0xffff, v16  }
0x5e: {  	p3 =	sne.s32 s25, $0x79;
	[tilespmem:v59+s17+$0x0] =	vst.idx.msk $0xffff, v17  }
.Ltmp3:
0x5f: {  	[tilespmem:v60+s17+$0x0] =	vst.idx.msk $0xffff, v11;
	(pc) =	sbr.rel @p3 .LBB2_6-.Ltmp3, $4  }
0x60: {  	s1 =	sshll.u32 s29, $0xB;
	[tilespmem:v61+s17+$0x0] =	vst.idx.msk $0xffff, v9  }
0x61: {  	s1 =	sand.u32 $0x1FFFF800, s1;
	[tilespmem:v62+s17+$0x0] =	vst.idx.msk $0xffff, v13  }
0x62: {  	s1 =	sadd.s32 s6, s1;
	[tilespmem:v63+s17+$0x0] =	vst.idx.msk $0xffff, v8  }
0x63: {  	[hbm4b:s1+s3] =	stream.linear.scatter [tilespmem:s17], [sflag:$0x3], $0x4000, $0x38;
	[tilespmem:$0xE000] =	vst v63  }
.Ltmp4:
0x64: {  	(pc) =	sbr.rel .LBB2_7-.Ltmp4, $4  }
0x65: {  	_ = 	snop  }
0x66: {  	_ =	swait.ge [sflag:s18], $0x2000  }
0x67: {  	[sflag:s18] =	ssyncset.done $0x0  }
0x68: {  	[sflag:s18] =	ssyncadd.s32 $0xFFFFE000  }
.LBB2_6:
.Ltmp5:
0x69: {  	s1 =	sadd.s32 s28, s8;
	(pc) =	sbr.rel @p2 .LBB2_8-.Ltmp5, $4  }
0x6a: {  	[tilespmem:s3], [sflag:$0x1] =	stream.strided.gather [hbm4b:s1+s13], $0x2000, s14, s13, $0x38;
	[tilespmem:$0xE000] =	vst v63  }
0x6b: {  	_ =	swait.ge [sflag:s18], $0x2000  }
0x6c: {  	[sflag:s18] =	ssyncset.done $0x0  }
0x6d: {  	[sflag:s18] =	ssyncadd.s32 $0xFFFFE000  }
.LBB2_7:
0x6e: {  	_ =	swait.ge [sflag:s19], $0x4000  }
0x6f: {  	[sflag:s19] =	ssyncset.done $0x0  }
0x70: {  	[sflag:s19] =	ssyncadd.s32 $0xFFFFC000  }
.LBB2_8:
0x71: {  	s1 =	simm.s32 $0x0  }
0x72: {  	v8 =	vadd.s32 s1, v0  }
0x73: {  	v9 =	vand.u32 $0x7F, v8  }
0x74: {  	v8 =	vor.u32 v4, v9  }
0x75: {  	s29 =	simm.s32 $0x1;
	v10 =	vor.u32 v2, v9  }
0x76: {  	s30 =	simm.s32 $0x2;
	v11 =	vadd.s32 s29, v0;
	v12 =	vor.u32 v3, v9  }
0x77: {  	v15 =	vadd.s32 s30, v0;
	v18 =	vand.u32 $0x7F, v11;
	v13 =	vor.u32 v1, v9  }
0x78: {  	v19 =	vand.u32 $0x7F, v15;
	v14 =	vor.u32 v3, v18  }
0x79: {  	v15 =	vor.u32 v1, v19;
	v27 =	vld.idx.msk [tilespmem:v8+s15+$0x0], $0xffff  }
0x7a: {  	v11 =	vor.u32 v2, v18;
	v24 =	vld.idx.msk [tilespmem:v10+s15+$0x0], $0xffff  }
0x7b: {  	v16 =	vor.u32 v1, v18;
	v26 =	vld.idx.msk [tilespmem:v12+s15+$0x0], $0xffff  }
0x7c: {  	s31 =	simm.s32 $0x3;
	v21 =	vor.u32 v2, v19;
	v23 =	vld.idx.msk [tilespmem:v13+s15+$0x0], $0xffff  }
0x7d: {  	v8 =	vor.u32 v4, v18;
	v10 =	vadd.s32 s31, v0;
	v12 =	vld.idx.msk [tilespmem:v14+s15+$0x0], $0xffff  }
0x7e: {  	v14 =	vor.u32 v3, v19;
	v15 =	vld.idx.msk [tilespmem:v15+s15+$0x0], $0xffff;
	v28 =	vand.u32 $0x7F, v10  }
0x7f: {  	v10 =	vld.idx.msk [tilespmem:v11+s15+$0x0], $0xffff;
	v11 =	vor.u32 v2, v28  }
0x80: {  	v22 =	vld.idx.msk [tilespmem:v16+s15+$0x0], $0xffff;
	v17 =	vor.u32 v1, v28  }
0x81: {  	v21 =	vld.idx.msk [tilespmem:v21+s15+$0x0], $0xffff;
	v20 =	vor.u32 v4, v28  }
0x82: {  	v25 =	vor.u32 v4, v19;
	v29 =	vshll.u32 v9, $0x7;
	v13 =	vld.idx.msk [tilespmem:v8+s15+$0x0], $0xffff  }
0x83: {  	v31 =	vor.u32 v0, v29;
	v30 =	vor.u32 v3, v28;
	v16 =	vld.idx.msk [tilespmem:v14+s15+$0x0], $0xffff  }
0x84: {  	v8 =	vld.idx.msk [tilespmem:v11+s15+$0x0], $0xffff  }
0x85: {  	v32 =	vor.u32 v5, v29;
	v11 =	vld.idx.msk [tilespmem:v17+s15+$0x0], $0xffff  }
0x86: {  	v33 =	vor.u32 v6, v29;
	v9 =	vld.idx.msk [tilespmem:v20+s15+$0x0], $0xffff  }
0x87: {  	v63 =	vshll.u32 v18, $0x7;
	v29 =	vor.u32 v7, v29;
	v17 =	vld.idx.msk [tilespmem:v25+s15+$0x0], $0xffff  }
0x88: {  	v14 =	vld.idx.msk [tilespmem:v30+s15+$0x0], $0xffff;
	[tilespmem:v31+s20+$0x0] =	vst.idx.msk $0xffff, v23;
	v23 =	vor.u32 v0, v63  }
0x89: {  	v25 =	vor.u32 v5, v63  }
0x8a: {  	[tilespmem:v32+s20+$0x0] =	vst.idx.msk $0xffff, v24;
	v24 =	vor.u32 v6, v63  }
0x8b: {  	v20 =	vshll.u32 v19, $0x7;
	[tilespmem:v33+s20+$0x0] =	vst.idx.msk $0xffff, v26;
	v26 =	vor.u32 v7, v63  }
0x8c: {  	s28 =	simm.s32 $0x4;
	v19 =	vshll.u32 v28, $0x7;
	v18 =	vor.u32 v5, v20;
	[tilespmem:v29+s20+$0x0] =	vst.idx.msk $0xffff, v27;
	v27 =	vor.u32 v0, v20  }
.LBB2_9:
0x8d: {  	p2 =	sne.s32 s28, $0x7C;
	[tilespmem:v23+s20+$0x0] =	vst.idx.msk $0xffff, v22;
	s1 =	smov.u32 s28;
	s28 =	sadd.s32 $0x4, s28  }
0x8e: {  	[tilespmem:v25+s20+$0x0] =	vst.idx.msk $0xffff, v10;
	v10 =	vor.u32 v6, v20  }
0x8f: {  	[tilespmem:v24+s20+$0x0] =	vst.idx.msk $0xffff, v12;
	v12 =	vor.u32 v7, v20  }
0x90: {  	[tilespmem:v26+s20+$0x0] =	vst.idx.msk $0xffff, v13;
	v13 =	vor.u32 v0, v19  }
0x91: {  	v20 =	vadd.s32 s1, v0;
	[tilespmem:v27+s20+$0x0] =	vst.idx.msk $0xffff, v15;
	v15 =	vor.u32 v5, v19  }
0x92: {  	v20 =	vand.u32 $0x7F, v20;
	[tilespmem:v18+s20+$0x0] =	vst.idx.msk $0xffff, v21;
	v18 =	vor.u32 v6, v19;
	v19 =	vor.u32 v7, v19  }
0x93: {  	v22 =	vor.u32 v2, v20;
	v21 =	vor.u32 v1, v20;
	[tilespmem:v10+s20+$0x0] =	vst.idx.msk $0xffff, v16  }
0x94: {  	s29 =	sadd.s32 $0x1, s1;
	v27 =	vshll.u32 v20, $0x7;
	v10 =	vor.u32 v4, v20;
	[tilespmem:v12+s20+$0x0] =	vst.idx.msk $0xffff, v17  }
0x95: {  	v16 =	vor.u32 v3, v20;
	v12 =	vadd.s32 s29, v0;
	[tilespmem:v13+s20+$0x0] =	vst.idx.msk $0xffff, v11  }
0x96: {  	v11 =	vand.u32 $0x7F, v12;
	[tilespmem:v15+s20+$0x0] =	vst.idx.msk $0xffff, v8  }
0x97: {  	s29 =	sadd.s32 $0x2, s1;
	s1 =	sadd.s32 $0x3, s1;
	v8 =	vor.u32 v1, v11;
	v12 =	vor.u32 v3, v11;
	[tilespmem:v18+s20+$0x0] =	vst.idx.msk $0xffff, v14  }
0x98: {  	v13 =	vor.u32 v2, v11;
	v14 =	vor.u32 v4, v11;
	v11 =	vshll.u32 v11, $0x7;
	[tilespmem:v19+s20+$0x0] =	vst.idx.msk $0xffff, v9  }
0x99: {  	v15 =	vadd.s32 s1, v0;
	v9 =	vadd.s32 s29, v0;
	v28 =	vld.idx.msk [tilespmem:v10+s15+$0x0], $0xffff  }
0x9a: {  	v15 =	vand.u32 $0x7F, v15;
	v9 =	vand.u32 $0x7F, v9;
	v29 =	vld.idx.msk [tilespmem:v22+s15+$0x0], $0xffff  }
0x9b: {  	v31 =	vor.u32 v0, v27;
	v17 =	vor.u32 v1, v15;
	v30 =	vld.idx.msk [tilespmem:v16+s15+$0x0], $0xffff;
	v16 =	vor.u32 v1, v9  }
0x9c: {  	v34 =	vor.u32 v5, v27;
	v33 =	vor.u32 v3, v15;
	v32 =	vld.idx.msk [tilespmem:v21+s15+$0x0], $0xffff;
	v21 =	vor.u32 v4, v15  }
0x9d: {  	v36 =	vor.u32 v6, v27;
	v26 =	vor.u32 v2, v15;
	v35 =	vor.u32 v2, v9;
	v10 =	vld.idx.msk [tilespmem:v13+s15+$0x0], $0xffff  }
0x9e: {  	v37 =	vor.u32 v3, v9;
	v38 =	vor.u32 v4, v9;
	v20 =	vshll.u32 v9, $0x7;
	v12 =	vld.idx.msk [tilespmem:v12+s15+$0x0], $0xffff  }
0x9f: {  	v23 =	vor.u32 v0, v11;
	v19 =	vshll.u32 v15, $0x7;
	v18 =	vor.u32 v5, v20;
	v13 =	vld.idx.msk [tilespmem:v14+s15+$0x0], $0xffff  }
0xa0: {  	v25 =	vor.u32 v5, v11;
	v15 =	vld.idx.msk [tilespmem:v16+s15+$0x0], $0xffff  }
0xa1: {  	v24 =	vor.u32 v6, v11;
	v22 =	vld.idx.msk [tilespmem:v8+s15+$0x0], $0xffff  }
0xa2: {  	v8 =	vld.idx.msk [tilespmem:v26+s15+$0x0], $0xffff;
	v26 =	vor.u32 v7, v11  }
0xa3: {  	v16 =	vld.idx.msk [tilespmem:v37+s15+$0x0], $0xffff  }
0xa4: {  	v11 =	vld.idx.msk [tilespmem:v17+s15+$0x0], $0xffff  }
0xa5: {  	v9 =	vld.idx.msk [tilespmem:v21+s15+$0x0], $0xffff  }
0xa6: {  	v21 =	vld.idx.msk [tilespmem:v35+s15+$0x0], $0xffff  }
0xa7: {  	v27 =	vor.u32 v7, v27;
	v17 =	vld.idx.msk [tilespmem:v38+s15+$0x0], $0xffff  }
.Ltmp6:
0xa8: {  	v14 =	vld.idx.msk [tilespmem:v33+s15+$0x0], $0xffff;
	(pc) =	sbr.rel @p2 .LBB2_9-.Ltmp6, $4  }
0xa9: {  	[tilespmem:v31+s20+$0x0] =	vst.idx.msk $0xffff, v32  }
0xaa: {  	[tilespmem:v34+s20+$0x0] =	vst.idx.msk $0xffff, v29  }
0xab: {  	[tilespmem:v36+s20+$0x0] =	vst.idx.msk $0xffff, v30  }
0xac: {  	[tilespmem:v27+s20+$0x0] =	vst.idx.msk $0xffff, v28;
	v27 =	vor.u32 v0, v20  }
0xad: {  	_ =	sdelay $0x3  }
0xae: {  	[tilespmem:v23+s20+$0x0] =	vst.idx.msk $0xffff, v22  }
0xaf: {  	v58 =	vor.u32 v6, v20;
	[tilespmem:v25+s20+$0x0] =	vst.idx.msk $0xffff, v10  }
0xb0: {  	v59 =	vor.u32 v7, v20;
	[tilespmem:v24+s20+$0x0] =	vst.idx.msk $0xffff, v12  }
0xb1: {  	v60 =	vor.u32 v0, v19;
	[tilespmem:v26+s20+$0x0] =	vst.idx.msk $0xffff, v13  }
0xb2: {  	v61 =	vor.u32 v5, v19;
	[tilespmem:v27+s20+$0x0] =	vst.idx.msk $0xffff, v15  }
0xb3: {  	v62 =	vor.u32 v6, v19;
	[tilespmem:v18+s20+$0x0] =	vst.idx.msk $0xffff, v21  }
0xb4: {  	v63 =	vor.u32 v7, v19;
	s25 =	sadd.s32 $0x1, s25;
	[tilespmem:v58+s20+$0x0] =	vst.idx.msk $0xffff, v16  }
0xb5: {  	p2 =	sne.s32 s25, $0x7A;
	[tilespmem:v59+s20+$0x0] =	vst.idx.msk $0xffff, v17  }
.Ltmp7:
0xb6: {  	[tilespmem:v60+s20+$0x0] =	vst.idx.msk $0xffff, v11;
	(pc) =	sbr.rel @p2 .LBB2_2-.Ltmp7, $4  }
0xb7: {  	[tilespmem:v61+s20+$0x0] =	vst.idx.msk $0xffff, v8  }
0xb8: {  	s1 =	sshll.u32 s26, $0x4;
	[tilespmem:v62+s20+$0x0] =	vst.idx.msk $0xffff, v14  }
0xb9: {  	s1 =	sadd.s32 s6, s1;
	[tilespmem:v63+s20+$0x0] =	vst.idx.msk $0xffff, v9  }
0xba: {  	[hbm4b:s1+s3] =	stream.linear.scatter [tilespmem:s20], [sflag:$0x4], $0x4000, $0x38;
	[tilespmem:$0xE000] =	vst v63  }
0xbb: {  	_ =	swait.ge [sflag:s21], $0x4000  }
.Ltmp8:
0xbc: {  	[sflag:s21] =	ssyncset.done $0x0;
	(pc) =	sbr.rel @p0 .LBB2_15-.Ltmp8, $4  }
0xbd: {  	[sflag:s21] =	ssyncadd.s32 $0xFFFFC000  }
0xbe: {  	_ =	swait.ge [sflag:s19], $0x4000  }
0xbf: {  	[sflag:s19] =	ssyncset.done $0x0  }
0xc0: {  	[sflag:s19] =	ssyncadd.s32 $0xFFFFC000  }
0xc1: {  	s1 =	simm.s32 $0x0  }
0xc2: {  	v8 =	vadd.s32 s1, v0  }
0xc3: {  	v9 =	vand.u32 $0x7F, v8  }
0xc4: {  	s29 =	simm.s32 $0x1;
	v8 =	vor.u32 v4, v9  }
0xc5: {  	[tilespmem:s1], [sflag:$0x1] =	stream.strided.gather [hbm4b:s9+s13], $0x2000, s14, s13, $0x38;
	v10 =	vor.u32 v2, v9;
	[tilespmem:$0xE000] =	vst v63  }
0xc6: {  	s30 =	simm.s32 $0x2;
	v11 =	vadd.s32 s29, v0;
	_ =	swait.ge [sflag:s16], $0x2000;
	v12 =	vor.u32 v3, v9  }
0xc7: {  	v15 =	vadd.s32 s30, v0;
	v18 =	vand.u32 $0x7F, v11;
	[sflag:s16] =	ssyncset.done $0x0;
	v13 =	vor.u32 v1, v9  }
0xc8: {  	v19 =	vand.u32 $0x7F, v15;
	v14 =	vor.u32 v3, v18;
	[sflag:s16] =	ssyncadd.s32 $0xFFFFE000  }
0xc9: {  	v15 =	vor.u32 v1, v19;
	v27 =	vld.idx.msk [tilespmem:v8+s3+$0x0], $0xffff  }
0xca: {  	v11 =	vor.u32 v2, v18;
	v24 =	vld.idx.msk [tilespmem:v10+s3+$0x0], $0xffff  }
0xcb: {  	v16 =	vor.u32 v1, v18;
	v26 =	vld.idx.msk [tilespmem:v12+s3+$0x0], $0xffff  }
0xcc: {  	s31 =	simm.s32 $0x3;
	v21 =	vor.u32 v2, v19;
	v23 =	vld.idx.msk [tilespmem:v13+s3+$0x0], $0xffff  }
0xcd: {  	v8 =	vor.u32 v4, v18;
	v10 =	vadd.s32 s31, v0;
	v12 =	vld.idx.msk [tilespmem:v14+s3+$0x0], $0xffff  }
0xce: {  	v14 =	vor.u32 v3, v19;
	v15 =	vld.idx.msk [tilespmem:v15+s3+$0x0], $0xffff;
	v28 =	vand.u32 $0x7F, v10  }
0xcf: {  	v10 =	vld.idx.msk [tilespmem:v11+s3+$0x0], $0xffff;
	v11 =	vor.u32 v2, v28  }
0xd0: {  	v22 =	vld.idx.msk [tilespmem:v16+s3+$0x0], $0xffff;
	v17 =	vor.u32 v1, v28  }
0xd1: {  	v21 =	vld.idx.msk [tilespmem:v21+s3+$0x0], $0xffff;
	v20 =	vor.u32 v4, v28  }
0xd2: {  	v25 =	vor.u32 v4, v19;
	v29 =	vshll.u32 v9, $0x7;
	v13 =	vld.idx.msk [tilespmem:v8+s3+$0x0], $0xffff  }
0xd3: {  	v31 =	vor.u32 v0, v29;
	v30 =	vor.u32 v3, v28;
	v16 =	vld.idx.msk [tilespmem:v14+s3+$0x0], $0xffff  }
0xd4: {  	v8 =	vld.idx.msk [tilespmem:v11+s3+$0x0], $0xffff  }
0xd5: {  	v32 =	vor.u32 v5, v29;
	v11 =	vld.idx.msk [tilespmem:v17+s3+$0x0], $0xffff  }
0xd6: {  	v33 =	vor.u32 v6, v29;
	v9 =	vld.idx.msk [tilespmem:v20+s3+$0x0], $0xffff  }
0xd7: {  	v63 =	vshll.u32 v18, $0x7;
	v29 =	vor.u32 v7, v29;
	v17 =	vld.idx.msk [tilespmem:v25+s3+$0x0], $0xffff  }
0xd8: {  	v14 =	vld.idx.msk [tilespmem:v30+s3+$0x0], $0xffff;
	[tilespmem:v31+s17+$0x0] =	vst.idx.msk $0xffff, v23;
	v23 =	vor.u32 v0, v63  }
0xd9: {  	v25 =	vor.u32 v5, v63  }
0xda: {  	[tilespmem:v32+s17+$0x0] =	vst.idx.msk $0xffff, v24;
	v24 =	vor.u32 v6, v63  }
0xdb: {  	v20 =	vshll.u32 v19, $0x7;
	[tilespmem:v33+s17+$0x0] =	vst.idx.msk $0xffff, v26;
	v26 =	vor.u32 v7, v63  }
0xdc: {  	s25 =	simm.s32 $0x4;
	v19 =	vshll.u32 v28, $0x7;
	v18 =	vor.u32 v5, v20;
	[tilespmem:v29+s17+$0x0] =	vst.idx.msk $0xffff, v27;
	v27 =	vor.u32 v0, v20  }
.LBB2_13:
0xdd: {  	p2 =	sne.s32 s25, $0x7C;
	[tilespmem:v23+s17+$0x0] =	vst.idx.msk $0xffff, v22;
	s1 =	smov.u32 s25;
	s25 =	sadd.s32 $0x4, s25  }
0xde: {  	[tilespmem:v25+s17+$0x0] =	vst.idx.msk $0xffff, v10;
	v10 =	vor.u32 v6, v20  }
0xdf: {  	[tilespmem:v24+s17+$0x0] =	vst.idx.msk $0xffff, v12;
	v12 =	vor.u32 v7, v20  }
0xe0: {  	[tilespmem:v26+s17+$0x0] =	vst.idx.msk $0xffff, v13;
	v13 =	vor.u32 v0, v19  }
0xe1: {  	v20 =	vadd.s32 s1, v0;
	[tilespmem:v27+s17+$0x0] =	vst.idx.msk $0xffff, v15;
	v15 =	vor.u32 v5, v19  }
0xe2: {  	v20 =	vand.u32 $0x7F, v20;
	[tilespmem:v18+s17+$0x0] =	vst.idx.msk $0xffff, v21;
	v18 =	vor.u32 v6, v19;
	v19 =	vor.u32 v7, v19  }
0xe3: {  	v22 =	vor.u32 v2, v20;
	v21 =	vor.u32 v1, v20;
	[tilespmem:v10+s17+$0x0] =	vst.idx.msk $0xffff, v16  }
0xe4: {  	s26 =	sadd.s32 $0x1, s1;
	v27 =	vshll.u32 v20, $0x7;
	v10 =	vor.u32 v4, v20;
	[tilespmem:v12+s17+$0x0] =	vst.idx.msk $0xffff, v17  }
0xe5: {  	v16 =	vor.u32 v3, v20;
	v12 =	vadd.s32 s26, v0;
	[tilespmem:v13+s17+$0x0] =	vst.idx.msk $0xffff, v11  }
0xe6: {  	v11 =	vand.u32 $0x7F, v12;
	[tilespmem:v15+s17+$0x0] =	vst.idx.msk $0xffff, v8  }
0xe7: {  	s26 =	sadd.s32 $0x2, s1;
	s1 =	sadd.s32 $0x3, s1;
	v8 =	vor.u32 v1, v11;
	v12 =	vor.u32 v3, v11;
	[tilespmem:v18+s17+$0x0] =	vst.idx.msk $0xffff, v14  }
0xe8: {  	v13 =	vor.u32 v2, v11;
	v14 =	vor.u32 v4, v11;
	v11 =	vshll.u32 v11, $0x7;
	[tilespmem:v19+s17+$0x0] =	vst.idx.msk $0xffff, v9  }
0xe9: {  	v15 =	vadd.s32 s1, v0;
	v9 =	vadd.s32 s26, v0;
	v28 =	vld.idx.msk [tilespmem:v10+s3+$0x0], $0xffff  }
0xea: {  	v15 =	vand.u32 $0x7F, v15;
	v9 =	vand.u32 $0x7F, v9;
	v29 =	vld.idx.msk [tilespmem:v22+s3+$0x0], $0xffff  }
0xeb: {  	v31 =	vor.u32 v0, v27;
	v17 =	vor.u32 v1, v15;
	v30 =	vld.idx.msk [tilespmem:v16+s3+$0x0], $0xffff;
	v16 =	vor.u32 v1, v9  }
0xec: {  	v34 =	vor.u32 v5, v27;
	v33 =	vor.u32 v3, v15;
	v32 =	vld.idx.msk [tilespmem:v21+s3+$0x0], $0xffff;
	v21 =	vor.u32 v4, v15  }
0xed: {  	v36 =	vor.u32 v6, v27;
	v26 =	vor.u32 v2, v15;
	v35 =	vor.u32 v2, v9;
	v10 =	vld.idx.msk [tilespmem:v13+s3+$0x0], $0xffff  }
0xee: {  	v37 =	vor.u32 v3, v9;
	v38 =	vor.u32 v4, v9;
	v20 =	vshll.u32 v9, $0x7;
	v12 =	vld.idx.msk [tilespmem:v12+s3+$0x0], $0xffff  }
0xef: {  	v23 =	vor.u32 v0, v11;
	v19 =	vshll.u32 v15, $0x7;
	v18 =	vor.u32 v5, v20;
	v13 =	vld.idx.msk [tilespmem:v14+s3+$0x0], $0xffff  }
0xf0: {  	v25 =	vor.u32 v5, v11;
	v15 =	vld.idx.msk [tilespmem:v16+s3+$0x0], $0xffff  }
0xf1: {  	v24 =	vor.u32 v6, v11;
	v22 =	vld.idx.msk [tilespmem:v8+s3+$0x0], $0xffff  }
0xf2: {  	v8 =	vld.idx.msk [tilespmem:v26+s3+$0x0], $0xffff;
	v26 =	vor.u32 v7, v11  }
0xf3: {  	v16 =	vld.idx.msk [tilespmem:v37+s3+$0x0], $0xffff  }
0xf4: {  	v11 =	vld.idx.msk [tilespmem:v17+s3+$0x0], $0xffff  }
0xf5: {  	v9 =	vld.idx.msk [tilespmem:v21+s3+$0x0], $0xffff  }
0xf6: {  	v21 =	vld.idx.msk [tilespmem:v35+s3+$0x0], $0xffff  }
0xf7: {  	v27 =	vor.u32 v7, v27;
	v17 =	vld.idx.msk [tilespmem:v38+s3+$0x0], $0xffff  }
.Ltmp9:
0xf8: {  	v14 =	vld.idx.msk [tilespmem:v33+s3+$0x0], $0xffff;
	(pc) =	sbr.rel @p2 .LBB2_13-.Ltmp9, $4  }
0xf9: {  	[tilespmem:v31+s17+$0x0] =	vst.idx.msk $0xffff, v32  }
0xfa: {  	[tilespmem:v34+s17+$0x0] =	vst.idx.msk $0xffff, v29  }
0xfb: {  	[tilespmem:v36+s17+$0x0] =	vst.idx.msk $0xffff, v30  }
0xfc: {  	[tilespmem:v27+s17+$0x0] =	vst.idx.msk $0xffff, v28;
	v27 =	vor.u32 v0, v20  }
0xfd: {  	_ =	sdelay $0x3  }
0xfe: {  	[tilespmem:v23+s17+$0x0] =	vst.idx.msk $0xffff, v22  }
0xff: {  	v58 =	vor.u32 v6, v20;
	[tilespmem:v25+s17+$0x0] =	vst.idx.msk $0xffff, v10  }
0x100: {  	v59 =	vor.u32 v7, v20;
	[tilespmem:v24+s17+$0x0] =	vst.idx.msk $0xffff, v12  }
0x101: {  	v60 =	vor.u32 v0, v19;
	[tilespmem:v26+s17+$0x0] =	vst.idx.msk $0xffff, v13  }
0x102: {  	v61 =	vor.u32 v5, v19;
	[tilespmem:v27+s17+$0x0] =	vst.idx.msk $0xffff, v15  }
0x103: {  	v62 =	vor.u32 v6, v19;
	[tilespmem:v18+s17+$0x0] =	vst.idx.msk $0xffff, v21  }
0x104: {  	v63 =	vor.u32 v7, v19;
	[tilespmem:v58+s17+$0x0] =	vst.idx.msk $0xffff, v16  }
0x105: {  	[tilespmem:v59+s17+$0x0] =	vst.idx.msk $0xffff, v17  }
0x106: {  	[tilespmem:v60+s17+$0x0] =	vst.idx.msk $0xffff, v11  }
0x107: {  	[tilespmem:v61+s17+$0x0] =	vst.idx.msk $0xffff, v8  }
0x108: {  	[tilespmem:v62+s17+$0x0] =	vst.idx.msk $0xffff, v14  }
0x109: {  	[tilespmem:v63+s17+$0x0] =	vst.idx.msk $0xffff, v9  }
0x10a: {  	[hbm4b:s10+s3] =	stream.linear.scatter [tilespmem:s17], [sflag:$0x3], $0x4000, $0x38;
	[tilespmem:$0xE000] =	vst v63  }
0x10b: {  	_ =	swait.ge [sflag:s21], $0x4000  }
0x10c: {  	[sflag:s21] =	ssyncset.done $0x0  }
0x10d: {  	[sflag:s21] =	ssyncadd.s32 $0xFFFFC000  }
.LBB2_15:
.Ltmp10:
0x10e: {  	(pc) =	sbr.rel @p1 .LBB2_19-.Ltmp10, $1  }
0x10f: {  	_ =	sdelay $0x3  }
0x110: {  	s1 =	simm.s32 $0x0  }
0x111: {  	[tilespmem:s22], [sflag:$0x5] =	stream.linear.gather [hbm4b:s5+s1], $0x2000, $0x38;
	[tilespmem:$0xE000] =	vst v63  }
0x112: {  	_ =	swait.ge [sflag:s23], $0x2000  }
0x113: {  	[sflag:s23] =	ssyncset.done $0x0  }
0x114: {  	s25 =	simm.s32 $0x0;
	[sflag:s23] =	ssyncadd.s32 $0xFFFFE000  }
0x115: {  	v8 =	vld [tilespmem:s25+$0xC3B0]  }
0x116: {  	v9 =	vld [tilespmem:s25+$0xC000]  }
0x117: {  	v10 =	vld [tilespmem:s25+$0xC010]  }
0x118: {  	v11 =	vld [tilespmem:s25+$0xC020]  }
0x119: {  	v12 =	vld [tilespmem:s25+$0xC030]  }
0x11a: {  	v13 =	vld [tilespmem:s25+$0xC080];
	[tilespmem:s25+$0x43B0] =	vst v8  }
0x11b: {  	[tilespmem:s25+$0x4000] =	vst v9;
	v8 =	vld [tilespmem:s25+$0xC090]  }
0x11c: {  	[tilespmem:s25+$0x4010] =	vst v10;
	v9 =	vld [tilespmem:s25+$0xC0A0]  }
0x11d: {  	[tilespmem:s25+$0x4020] =	vst v11;
	v10 =	vld [tilespmem:s25+$0xC0B0]  }
0x11e: {  	[tilespmem:s25+$0x4030] =	vst v12;
	v11 =	vld [tilespmem:s25+$0xC100]  }
0x11f: {  	[tilespmem:s25+$0x4080] =	vst v13;
	v12 =	vld [tilespmem:s25+$0xC110]  }
0x120: {  	v13 =	vld [tilespmem:s25+$0xC310];
	[tilespmem:s25+$0x4090] =	vst v8  }
0x121: {  	v8 =	vld [tilespmem:s25+$0xC120];
	[tilespmem:s25+$0x40A0] =	vst v9  }
0x122: {  	v9 =	vld [tilespmem:s25+$0xC130];
	[tilespmem:s25+$0x40B0] =	vst v10  }
0x123: {  	v10 =	vld [tilespmem:s25+$0xC180];
	[tilespmem:s25+$0x4100] =	vst v11  }
0x124: {  	v11 =	vld [tilespmem:s25+$0xC190];
	[tilespmem:s25+$0x4110] =	vst v12  }
0x125: {  	v12 =	vld [tilespmem:s25+$0xC1A0];
	[tilespmem:s25+$0x4310] =	vst v13  }
0x126: {  	[tilespmem:s25+$0x4120] =	vst v8;
	v8 =	vld [tilespmem:s25+$0xC1B0]  }
0x127: {  	[tilespmem:s25+$0x4130] =	vst v9;
	v9 =	vld [tilespmem:s25+$0xC200]  }
0x128: {  	[tilespmem:s25+$0x4180] =	vst v10;
	v10 =	vld [tilespmem:s25+$0xC210]  }
0x129: {  	[tilespmem:s25+$0x4190] =	vst v11;
	v11 =	vld [tilespmem:s25+$0xC220]  }
0x12a: {  	[tilespmem:s25+$0x41A0] =	vst v12;
	v12 =	vld [tilespmem:s25+$0xC230]  }
0x12b: {  	[tilespmem:s25+$0x41B0] =	vst v8;
	v8 =	vld [tilespmem:s25+$0xC280]  }
0x12c: {  	[tilespmem:s25+$0x4200] =	vst v9;
	v9 =	vld [tilespmem:s25+$0xC290]  }
0x12d: {  	[tilespmem:s25+$0x4210] =	vst v10;
	v10 =	vld [tilespmem:s25+$0xC2A0]  }
0x12e: {  	[tilespmem:s25+$0x4220] =	vst v11;
	v11 =	vld [tilespmem:s25+$0xC2B0]  }
0x12f: {  	[tilespmem:s25+$0x4230] =	vst v12;
	v12 =	vld [tilespmem:s25+$0xC300]  }
0x130: {  	[tilespmem:s25+$0x4280] =	vst v8;
	v8 =	vld [tilespmem:s25+$0xC320]  }
0x131: {  	[tilespmem:s25+$0x4290] =	vst v9;
	v9 =	vld [tilespmem:s25+$0xC330]  }
0x132: {  	[tilespmem:s25+$0x42A0] =	vst v10;
	v10 =	vld [tilespmem:s25+$0xC380]  }
0x133: {  	[tilespmem:s25+$0x42B0] =	vst v11;
	v11 =	vld [tilespmem:s25+$0xC390]  }
0x134: {  	s28 =	simm.s32 $0x400;
	s26 =	simm.s32 $0x2000;
	[tilespmem:s25+$0x4300] =	vst v12;
	v12 =	vld [tilespmem:s25+$0xC3A0]  }
.LBB2_17:
0x135: {  	p2 =	sne.s32 s26, $0x7000;
	v13 =	vld [tilespmem:s28+$0xC3B0];
	[tilespmem:s25+$0x4320] =	vst v8  }
0x136: {  	v8 =	vld [tilespmem:s28+$0xC000];
	[tilespmem:s25+$0x4330] =	vst v9  }
0x137: {  	v9 =	vld [tilespmem:s28+$0xC010];
	[tilespmem:s25+$0x4380] =	vst v10  }
0x138: {  	v10 =	vld [tilespmem:s28+$0xC020];
	[tilespmem:s25+$0x4390] =	vst v11  }
0x139: {  	v11 =	vld [tilespmem:s28+$0xC030];
	[tilespmem:s25+$0x43A0] =	vst v12;
	s25 =	smov.u32 s28  }
0x13a: {  	v12 =	vld [tilespmem:s25+$0xC080];
	[tilespmem:s25+$0x43B0] =	vst v13  }
0x13b: {  	[tilespmem:s25+$0x4000] =	vst v8;
	v8 =	vld [tilespmem:s25+$0xC090]  }
0x13c: {  	[tilespmem:s25+$0x4010] =	vst v9;
	v9 =	vld [tilespmem:s25+$0xC0A0]  }
0x13d: {  	[tilespmem:s25+$0x4020] =	vst v10;
	v10 =	vld [tilespmem:s25+$0xC0B0]  }
0x13e: {  	[tilespmem:s25+$0x4030] =	vst v11;
	v11 =	vld [tilespmem:s25+$0xC100]  }
0x13f: {  	[tilespmem:s25+$0x4080] =	vst v12;
	v12 =	vld [tilespmem:s25+$0xC110]  }
0x140: {  	[tilespmem:s25+$0x4090] =	vst v8;
	v8 =	vld [tilespmem:s25+$0xC120]  }
0x141: {  	[tilespmem:s25+$0x40A0] =	vst v9;
	v9 =	vld [tilespmem:s25+$0xC130]  }
0x142: {  	[tilespmem:s25+$0x40B0] =	vst v10;
	v10 =	vld [tilespmem:s25+$0xC180]  }
0x143: {  	[tilespmem:s25+$0x4100] =	vst v11;
	v11 =	vld [tilespmem:s25+$0xC190]  }
0x144: {  	[tilespmem:s25+$0x4110] =	vst v12;
	v12 =	vld [tilespmem:s25+$0xC1A0]  }
0x145: {  	[tilespmem:s25+$0x4120] =	vst v8;
	v8 =	vld [tilespmem:s25+$0xC1B0]  }
0x146: {  	[tilespmem:s25+$0x4130] =	vst v9;
	v9 =	vld [tilespmem:s25+$0xC200]  }
0x147: {  	[tilespmem:s25+$0x4180] =	vst v10;
	v10 =	vld [tilespmem:s25+$0xC210]  }
0x148: {  	[tilespmem:s25+$0x4190] =	vst v11;
	v11 =	vld [tilespmem:s25+$0xC220]  }
0x149: {  	[tilespmem:s25+$0x41A0] =	vst v12;
	v12 =	vld [tilespmem:s25+$0xC230]  }
0x14a: {  	[tilespmem:s25+$0x41B0] =	vst v8;
	v8 =	vld [tilespmem:s25+$0xC280]  }
0x14b: {  	[tilespmem:s25+$0x4200] =	vst v9;
	v9 =	vld [tilespmem:s25+$0xC290]  }
0x14c: {  	[tilespmem:s25+$0x4210] =	vst v10;
	v10 =	vld [tilespmem:s25+$0xC2A0]  }
0x14d: {  	[tilespmem:s25+$0x4220] =	vst v11;
	v11 =	vld [tilespmem:s25+$0xC2B0]  }
0x14e: {  	[tilespmem:s25+$0x4230] =	vst v12;
	v12 =	vld [tilespmem:s25+$0xC300]  }
0x14f: {  	[tilespmem:s25+$0x4280] =	vst v8;
	v13 =	vld [tilespmem:s25+$0xC310]  }
.Ltmp11:
0x150: {  	[tilespmem:s25+$0x4290] =	vst v9;
	v8 =	vld [tilespmem:s25+$0xC320];
	(pc) =	sbr.rel @p2 .LBB2_17-.Ltmp11, $4  }
0x151: {  	[tilespmem:s25+$0x42A0] =	vst v10;
	v9 =	vld [tilespmem:s25+$0xC330]  }
0x152: {  	[tilespmem:s25+$0x42B0] =	vst v11;
	v10 =	vld [tilespmem:s25+$0xC380]  }
0x153: {  	[tilespmem:s25+$0x4300] =	vst v12;
	v11 =	vld [tilespmem:s25+$0xC390]  }
0x154: {  	s28 =	sshra.s32 s26, $0x2;
	s26 =	sadd.s32 $0x1000, s26;
	[tilespmem:s25+$0x4310] =	vst v13;
	v12 =	vld [tilespmem:s25+$0xC3A0]  }
0x155: {  	v13 =	vld [tilespmem:s28+$0xC3B0];
	[tilespmem:s25+$0x4320] =	vst v8  }
0x156: {  	v8 =	vld [tilespmem:s28+$0xC000];
	[tilespmem:s25+$0x4330] =	vst v9  }
0x157: {  	v9 =	vld [tilespmem:s28+$0xC010];
	[tilespmem:s25+$0x4380] =	vst v10  }
0x158: {  	v10 =	vld [tilespmem:s28+$0xC020];
	[tilespmem:s25+$0x4390] =	vst v11  }
0x159: {  	v11 =	vld [tilespmem:s28+$0xC030];
	[tilespmem:s25+$0x43A0] =	vst v12  }
0x15a: {  	v12 =	vld [tilespmem:s28+$0xC080];
	[tilespmem:s28+$0x43B0] =	vst v13  }
0x15b: {  	[tilespmem:s28+$0x4000] =	vst v8;
	v8 =	vld [tilespmem:s28+$0xC090]  }
0x15c: {  	v44 =	vld [tilespmem:s28+$0xC0A0];
	[tilespmem:s28+$0x4010] =	vst v9  }
0x15d: {  	v45 =	vld [tilespmem:s28+$0xC0B0];
	[tilespmem:s28+$0x4020] =	vst v10  }
0x15e: {  	v46 =	vld [tilespmem:s28+$0xC100];
	[tilespmem:s28+$0x4030] =	vst v11  }
0x15f: {  	v47 =	vld [tilespmem:s28+$0xC110];
	[tilespmem:s28+$0x4080] =	vst v12  }
0x160: {  	[tilespmem:s28+$0x4090] =	vst v8;
	v8 =	vld [tilespmem:s28+$0xC120]  }
0x161: {  	v48 =	vld [tilespmem:s28+$0xC130];
	[tilespmem:s28+$0x40A0] =	vst v44  }
0x162: {  	v49 =	vld [tilespmem:s28+$0xC180];
	[tilespmem:s28+$0x40B0] =	vst v45  }
0x163: {  	v50 =	vld [tilespmem:s28+$0xC190];
	[tilespmem:s28+$0x4100] =	vst v46  }
0x164: {  	v51 =	vld [tilespmem:s28+$0xC1A0];
	[tilespmem:s28+$0x4110] =	vst v47  }
0x165: {  	[tilespmem:s28+$0x4120] =	vst v8;
	v8 =	vld [tilespmem:s28+$0xC1B0]  }
0x166: {  	v52 =	vld [tilespmem:s28+$0xC200];
	[tilespmem:s28+$0x4130] =	vst v48  }
0x167: {  	v53 =	vld [tilespmem:s28+$0xC210];
	[tilespmem:s28+$0x4180] =	vst v49  }
0x168: {  	v54 =	vld [tilespmem:s28+$0xC220];
	[tilespmem:s28+$0x4190] =	vst v50  }
0x169: {  	v55 =	vld [tilespmem:s28+$0xC230];
	[tilespmem:s28+$0x41A0] =	vst v51  }
0x16a: {  	[tilespmem:s28+$0x41B0] =	vst v8;
	v8 =	vld [tilespmem:s28+$0xC280]  }
0x16b: {  	v56 =	vld [tilespmem:s28+$0xC290];
	[tilespmem:s28+$0x4200] =	vst v52  }
0x16c: {  	v57 =	vld [tilespmem:s28+$0xC2A0];
	[tilespmem:s28+$0x4210] =	vst v53  }
0x16d: {  	v58 =	vld [tilespmem:s28+$0xC2B0];
	[tilespmem:s28+$0x4220] =	vst v54  }
0x16e: {  	v59 =	vld [tilespmem:s28+$0xC300];
	[tilespmem:s28+$0x4230] =	vst v55  }
0x16f: {  	[tilespmem:s28+$0x4280] =	vst v8;
	v8 =	vld [tilespmem:s28+$0xC310]  }
0x170: {  	v60 =	vld [tilespmem:s28+$0xC320];
	[tilespmem:s28+$0x4290] =	vst v56  }
0x171: {  	v61 =	vld [tilespmem:s28+$0xC330];
	[tilespmem:s28+$0x42A0] =	vst v57  }
0x172: {  	v62 =	vld [tilespmem:s28+$0xC380];
	[tilespmem:s28+$0x42B0] =	vst v58  }
0x173: {  	v63 =	vld [tilespmem:s28+$0xC390];
	[tilespmem:s28+$0x4300] =	vst v59  }
0x174: {  	[tilespmem:s28+$0x4310] =	vst v8;
	v8 =	vld [tilespmem:s28+$0xC3A0]  }
0x175: {  	[tilespmem:s28+$0x4320] =	vst v60  }
0x176: {  	[tilespmem:s28+$0x4330] =	vst v61  }
0x177: {  	[tilespmem:s28+$0x4380] =	vst v62  }
0x178: {  	[tilespmem:s28+$0x4390] =	vst v63  }
.Ltmp12:
0x179: {  	[tilespmem:s28+$0x43A0] =	vst v8;
	(pc) =	sbr.rel .LBB2_19-.Ltmp12, $4  }
0x17a: {  	[hbm4b:s11+s3] =	stream.linear.scatter [tilespmem:s17], [sflag:$0x5], $0x2000, $0x38;
	[tilespmem:$0xE000] =	vst v63  }
0x17b: {  	_ =	swait.ge [sflag:s23], $0x2000  }
0x17c: {  	[sflag:s23] =	ssyncset.done $0x0  }
0x17d: {  	[sflag:s23] =	ssyncadd.s32 $0xFFFFE000  }
.LBB2_20:
0x17e: {  	_ =	sfence.sel $0x180000  }
0x17f: {  	[bflag:$0x0] =	sbarrier.arrive $0xFFFF  }
0x180: {  	_ =	strace $0x90000047  }
0x181: {  	[bflag:$0x2] =	sbarrier.arrive $0xFFFF  }
0x182: {  	p0 =	sne.s32 s0, $0x0;
	s0 =	rddreg [dreg:$0x2]  }
0x183: {  	s0 =	sadd.s32 @!p0 $0x100000, s0  }
0x184: {  	[sflag:s0] =	ssyncadd.tile.s32 @!p0 $0x1;
	_ =	shalt  }
.Lfunc_end2:
_tile_overlayer_lowered:
.L_overlay_start_2:
0x185: {  	(tag) =	ssettag $0x2  }
0x186: {  	s0 =	rddreg [dreg:$0x0];
	s2 =	stileid.u32  }
0x187: {  	s1 =	rddreg [dreg:$0x1];
	p0 =	sne.s32 s2, $0x0  }
0x188: {  	s3 =	rddreg [dreg:$0x2];
	[bflag:$0x3] =	sbarrier.arrive $0xFFFF;
	s2 =	simm.s32 @!p0 $0x1C05  }
0x189: {  	[timem:s3], [sflag:s2] =	dma.local @!p0 [hbm:s0], s1  }
0x18a: {  	s0 =	simm.s32 @!p0 $0x5  }
0x18b: {  	_ =	swait.ge @!p0 [sflag:s0], s1  }
0x18c: {  	s1 =	ssub.s32 @!p0 $0x0, s1;
	[sflag:s0] =	ssyncset.done @!p0 $0x0  }
0x18d: {  	[sflag:s0] =	ssyncadd.s32 @!p0 s1  }
0x18e: {  	[bflag:$0x3] =	sbarrier.arrive $0xFFFF  }
0x18f: {  	_ =	shalt  }

// kernel: kernel.7.cloned.1.call-start
scs
__scs_entry_jumppad:
0x0: {  	(pc) =	sbr.rel $0x88, $3  }
0x1: {  	(tag) =	ssettag $0x0;
	lr =	simm.s32 $0x1  }
0x2: {  	[smem:$0x3F9F] =	sst lr;
	_ =	strace $0xD0000000  }
0x3: {  	_ = 	snop  }
0x4: {  	_ = 	snop  }
0x5: {  	_ = 	snop  }
0x6: {  	_ = 	snop  }
0x7: {  	_ = 	snop  }
__scs_overlays_trampoline_lowered:
0x8: {  	[smem:$0x3FAE] =	sst s0  }
0x9: {  	[smem:$0x3FAF] =	sst s1  }
0xa: {  	[smem:$0x3FB0] =	sst s2  }
0xb: {  	[smem:$0x3FB1] =	sst s3  }
0xc: {  	[smem:$0x3FB2] =	sst s4  }
0xd: {  	[smem:$0x3FB3] =	sst s5  }
0xe: {  	[smem:$0x3FB4] =	sst s6  }
0xf: {  	[smem:$0x3FB5] =	sst s7  }
0x10: {  	[smem:$0x3FB6] =	sst s8  }
0x11: {  	[smem:$0x3FB7] =	sst s9;
	s0 =	simm.s32 @!p0 $0x0  }
0x12: {  	s1 =	sld [smem:$0x3F9D];
	s0 =	simm.s32 @p0 $0x1  }
0x13: {  	[smem:$0x3FB8] =	sst s0;
	s0 =	simm.s32 @!p1 $0x0  }
0x14: {  	s2 =	sld [smem:$0x3F9C];
	s0 =	simm.s32 @p1 $0x1  }
0x15: {  	[smem:$0x3FB9] =	sst s0;
	s0 =	simm.s32 @!p2 $0x0  }
0x16: {  	s3 =	sld [smem:$0x3FDB];
	s0 =	simm.s32 @p2 $0x1  }
0x17: {  	s4 =	simm.s32 $0x1BF5;
	[smem:$0x3FBB] =	sst s0  }
0x18: {  	s0 =	sld [smem:$0x3F9E];
	_ =	swait.ge [sflag:s4], $0x0  }
0x19: {  	s7 =	sld [smem:$0x3F9F]  }
0x1a: {  	s8 =	sadd.s32 $0xFFFFE003, lr  }
0x1b: {  	s9 =	sadd.s32 $0xFFFFFEF7, lr;
	s5 =	simm.s32 $0xFFFFFFFF;
	p2 =	slt.u32 s8, $0xFFFFF086  }
0x1c: {  	p1 =	slt.u32 s9, $0xF7A;
	s5 =	simm.s32 @!p2 $0x0  }
0x1d: {  	s5 =	simm.s32 @p1 $0x1;
	p0 =	seq.s32 s7, s2  }
0x1e: {  	s7 =	smul.u32 @!p0 $0xF7A, s2;
	p2 =	seq.s32 @!p0 s5, $0x0  }
0x1f: {  	s9 =	smul.u32 $0xF7A, s1;
	s8 =	simm.s32 @!p0 $0x1BF5;
	p2 =	por !p2, p0  }
0x20: {  	[sflag:s8] =	ssyncset.s32 @!p0 $0xFFFFF086;
	s6 =	sadd.s32 @!p0 s3, s7;
	s7 =	simm.s32 @!p0 $0x108  }
0x21: {  	s3 =	sadd.s32 s3, s9;
	s6 =	sadd.s32 @!p0 $0x88, s6;
	s7 =	simm.s32 @p2 $0x1082  }
0x22: {  	[simem:s7], [sflag:s8] =	dma.local @!p0 [hbm:s6], $0xF7A  }
0x23: {  	s9 =	sor.u32 $0xD0000000, s2;
	s6 =	simm.s32 $0x108;
	_ =	swait.ge @!p0 [sflag:s8], $0x0  }
0x24: {  	s3 =	sadd.s32 $0x88, s3;
	s6 =	simm.s32 @!p1 $0x1082;
	[sflag:s4] =	ssyncset.s32 $0xFFFFF086  }
0x25: {  	[simem:s6], [sflag:s4] =	dma.local [hbm:s3], $0xF7A  }
0x26: {  	[smem:$0x3F9F] =	sst s1;
	(tag) =	ssettag s2;
	_ =	strace s9  }
0x27: {  	s1 =	sld [smem:$0x3FAF]  }
0x28: {  	s2 =	sld [smem:$0x3FB0]  }
0x29: {  	s4 =	sld [smem:$0x3FB2]  }
0x2a: {  	p0 =	seq.s32 s5, $0x0;
	s5 =	sld [smem:$0x3FB3]  }
0x2b: {  	s6 =	sld [smem:$0x3FB4]  }
0x2c: {  	s7 =	sld [smem:$0x3FB5]  }
0x2d: {  	s3 =	simm.s32 $0x108;
	s8 =	sld [smem:$0x3FB6]  }
0x2e: {  	s3 =	simm.s32 @!p0 $0x1082;
	s9 =	sld [smem:$0x3FB7]  }
0x2f: {  	lr =	sadd.s32 s0, s3;
	s0 =	sld [smem:$0x3FAE]  }
0x30: {  	s3 =	sld [smem:$0x3FB1]  }
0x31: {  	[smem:$0x3FBA] =	sst s10  }
0x32: {  	s10 =	sld [smem:$0x3FB8];
	_ =	sdelay $0x3  }
0x33: {  	p0 =	seq.s32 s10, $0x1;
	s10 =	sld [smem:$0x3FBA];
	_ =	sdelay $0x3  }
0x34: {  	[smem:$0x3FBA] =	sst s10  }
0x35: {  	s10 =	sld [smem:$0x3FB9];
	_ =	sdelay $0x3  }
0x36: {  	p1 =	seq.s32 s10, $0x1;
	s10 =	sld [smem:$0x3FBA];
	_ =	sdelay $0x3  }
0x37: {  	[smem:$0x3FBA] =	sst s10  }
0x38: {  	s10 =	sld [smem:$0x3FBB]  }
0x39: {  	_ = 	snop;
	(pc) =	sbr.ind lr, $3  }
0x3a: {  	_ = 	snop  }
0x3b: {  	_ = 	snop  }
0x3c: {  	p2 =	seq.s32 s10, $0x1;
	s10 =	sld [smem:$0x3FBA]  }
0x3d: {  	_ =	shalt  }
0x3e: {  	_ =	shalt  }
0x3f: {  	_ =	shalt  }
0x40: {  	_ =	shalt  }
0x41: {  	_ =	shalt  }
0x42: {  	_ =	shalt  }
0x43: {  	_ =	shalt  }
0x44: {  	_ =	shalt  }
0x45: {  	_ =	shalt  }
0x46: {  	_ =	shalt  }
0x47: {  	_ =	shalt  }
0x48: {  	_ =	shalt  }
0x49: {  	_ =	shalt  }
0x4a: {  	_ =	shalt  }
0x4b: {  	_ =	shalt  }
0x4c: {  	_ =	shalt  }
0x4d: {  	_ =	shalt  }
0x4e: {  	_ =	shalt  }
0x4f: {  	_ =	shalt  }
0x50: {  	_ =	shalt  }
0x51: {  	_ =	shalt  }
0x52: {  	_ =	shalt  }
0x53: {  	_ =	shalt  }
0x54: {  	_ =	shalt  }
0x55: {  	_ =	shalt  }
0x56: {  	_ =	shalt  }
0x57: {  	_ =	shalt  }
0x58: {  	_ =	shalt  }
0x59: {  	_ =	shalt  }
0x5a: {  	_ =	shalt  }
0x5b: {  	_ =	shalt  }
0x5c: {  	_ =	shalt  }
0x5d: {  	_ =	shalt  }
0x5e: {  	_ =	shalt  }
0x5f: {  	_ =	shalt  }
0x60: {  	_ =	shalt  }
0x61: {  	_ =	shalt  }
0x62: {  	_ =	shalt  }
0x63: {  	_ =	shalt  }
0x64: {  	_ =	shalt  }
0x65: {  	_ =	shalt  }
0x66: {  	_ =	shalt  }
0x67: {  	_ =	shalt  }
0x68: {  	_ =	shalt  }
0x69: {  	_ =	shalt  }
0x6a: {  	_ =	shalt  }
0x6b: {  	_ =	shalt  }
0x6c: {  	_ =	shalt  }
0x6d: {  	_ =	shalt  }
0x6e: {  	_ =	shalt  }
0x6f: {  	_ =	shalt  }
0x70: {  	_ =	shalt  }
0x71: {  	_ =	shalt  }
0x72: {  	_ =	shalt  }
0x73: {  	_ =	shalt  }
0x74: {  	_ =	shalt  }
0x75: {  	_ =	shalt  }
0x76: {  	_ =	shalt  }
0x77: {  	_ =	shalt  }
0x78: {  	_ =	shalt  }
0x79: {  	_ =	shalt  }
0x7a: {  	_ =	shalt  }
0x7b: {  	_ =	shalt  }
0x7c: {  	_ =	shalt  }
0x7d: {  	_ =	shalt  }
0x7e: {  	_ =	shalt  }
0x7f: {  	_ =	shalt  }
0x80: {  	_ =	shalt  }
0x81: {  	_ =	shalt  }
0x82: {  	_ =	shalt  }
0x83: {  	_ =	shalt  }
0x84: {  	_ =	shalt  }
0x85: {  	_ =	shalt  }
0x86: {  	_ =	shalt  }
0x87: {  	_ =	shalt  }
.Lfunc_end0:
.L_simem_size_0:
called_computation.2_lowered:
.L_overlay_start_0:
0x88: {  	s2 =	sld [smem:$0x3FD9]  }
0x89: {  	s3 =	sld [smem:$0x3FFE];
	_ =	sdelay $0x1  }
0x8a: {  	s1 =	srdreg.scid  }
0x8b: {  	s0 =	sand.u32 $0x1, s1  }
0x8c: {  	s14 =	sshll.u32 s0, $0xA;
	s2 =	sadd.s32 s3, s2  }
0x8d: {  	s2 =	sadd.s32 s2, s14  }
0x8e: {  	[smem:$0x3FC6] =	sst s2  }
0x8f: {  	_ = 	snop  }
0x90: {  	s2 =	sld [smem:$0x3FD0];
	_ =	sdelay $0x2  }
0x91: {  	s15 =	simm.s32 $0xA;
	s4 =	simm.s32 $0x10  }
0x92: {  	[smem:s4], [sflag:s15] =	dma.local [hbm:s2], $0x1  }
0x93: {  	_ =	swait.eq [sflag:s15], $0x1  }
0x94: {  	[sflag:s15] =	ssyncset.done $0x0  }
0x95: {  	[sflag:s15] =	ssyncadd.s32 $0xFFFFFFFF  }
0x96: {  	s16 =	sld [smem:$0x10];
	(tm) =	ssettm $0x1  }
0x97: {  	s17 =	sld [smem:$0x3FFB];
	_ =	sdelay $0x3  }
0x98: {  	_ =	strace s17  }
0x99: {  	s3 =	sld [smem:$0x3FFC];
	_ =	sdelay $0x3  }
0x9a: {  	_ =	strace s3  }
0x9b: {  	s3 =	sld [smem:$0x3FFD];
	_ =	sdelay $0x3  }
0x9c: {  	_ =	strace s3  }
0x9d: {  	_ =	strace $0x8FFFFFFF  }
0x9e: {  	s18 =	sld [smem:$0x3FDB];
	_ =	sdelay $0x1  }
0x9f: {  	s19 =	simm.s32 $_scs_section_size  }
0xa0: {  	s5 =	simm.s32 $_size__tile_overlayer_lowered;
	s6 =	simm.s32 $_tile_overlayer_lowered  }
0xa1: {  	s22 =	simm.s32 $0x1BFF;
	s21 =	sshll.u32 s6, $0x1;
	s3 =	sadd.s32 s19, s18  }
0xa2: {  	s7 =	simm.s32 $0x0;
	s20 =	sshll.u32 s5, $0x1;
	s5 =	sadd.s32 s21, s3  }
0xa3: {  	[timem:s7], [sflag:s22] =	dma.local [hbm:s5], s20  }
0xa4: {  	_ =	swait.ge [sflag:s22], s20  }
0xa5: {  	s4 =	ssub.s32 $0x0, s20;
	[sflag:s22] =	ssyncset.done $0x0  }
0xa6: {  	[sflag:s22] =	ssyncadd.s32 s4;
	_ =	sdelay $0x1  }
0xa7: {  	s23 =	simm.s32 $0x1B8B  }
0xa8: {  	_ =	swait.ge [sflag:s23], $0x1  }
0xa9: {  	[sflag:s23] =	ssyncset.done $0x0  }
0xaa: {  	s25 =	simm.s32 $0x1B8E;
	s24 =	sld [smem:$0x3FFE];
	[sflag:s23] =	ssyncadd.s32 $0xFFFFFFFF  }
0xab: {  	s26 =	simm.s32 $execute0_lowered;
	[smem:$0x3FD2] =	sst s25  }
0xac: {  	s5 =	sshll.u32 s26, $0x1;
	_ =	strace $0x80000049;
	[dreg:$0x1] =	wrdreg $0xFFFFFFFF  }
0xad: {  	s28 =	simm.s32 $_size_execute0_lowered;
	s3 =	sadd.s32 s3, s5;
	[dreg:$0x0] =	wrdreg $0x0  }
0xae: {  	s5 =	sshll.u32 s28, $0x1;
	[dreg:$0x2] =	wrdreg s3  }
0xaf: {  	[dreg:$0x3] =	wrdreg s5  }
0xb0: {  	[dreg:$0x4] =	wrdreg $0xC0  }
0xb1: {  	_ =	task [dreg:s7], $0x5FFFF  }
0xb2: {  	[dreg:$0x1] =	wrdreg $0xFFFFFFFF  }
0xb3: {  	[dreg:$0x0] =	wrdreg $0x60  }
0xb4: {  	[dreg:$0x2] =	wrdreg s24  }
0xb5: {  	[dreg:$0x3] =	wrdreg s16  }
0xb6: {  	[dreg:$0x4] =	wrdreg $0x9  }
0xb7: {  	_ =	task.clear_ibuf [dreg:s7], $0x5FFFF;
	_ =	strace $0x90000049  }
0xb8: {  	s29 =	simm.s32 $0x9;
	_ =	strace $0x8000004B  }
0xb9: {  	_ =	swait.ge [sflag:s29], $0x1  }
0xba: {  	[sflag:s29] =	ssyncadd.s32 $0xFFFFFFFF  }
0xbb: {  	_ =	strace $0x9000004B  }
0xbc: {  	_ =	sfence  }
0xbd: {  	s30 =	sld [smem:$0x0];
	_ =	sdelay $0x2  }
0xbe: {  	s31 =	sshll.u32 s1, $0xD;
	s1 =	sshrl.u32 s1, $0x2  }
0xbf: {  	s3 =	sand.u32 $0x4000, s31;
	s1 =	sadd.s32 s1, s30  }
0xc0: {  	s0 =	sor.u32 s3, s0;
	s1 =	sshll.u32 s1, $0x11  }
0xc1: {  	s0 =	sor.u32 s1, s0  }
0xc2: {  	s0 =	sadd.s32 $0x8F2B, s0  }
0xc3: {  	[sflag:s0] =	ssyncadd.remote.s32 $0x1  }
0xc4: {  	_ =	sfence.sel $0xFFFF  }
0xc5: {  	[dreg:$0x0] =	wrdreg $0xFFFFFFFF;
	(pc) =	sbr.abs _section_cstart, $3  }
0xc6: {  	[dreg:$0x1] =	wrdreg $0xFFFFFFFF  }
0xc7: {  	_ =	task.clear_ibuf [dreg:s7], $0x2FFFF;
	_ =	strace $0x9FFFFFFF  }
0xc8: {  	(tm) =	ssettm $0x7FFFFFFF  }
0xc9: {  	_ =	shalt  }
tec
execute0_lowered:
.L_overlay_start_1:
0x0: {  	(tag) =	ssettag $0x1  }
0x1: {  	s0 =	rddreg [dreg:$0x0]  }
0x2: {  	s1 =	rddreg [dreg:$0x1];
	s2 =	simm.s32 $0x0;
	s8 =	stileid.u32  }
0x3: {  	s5 =	srdreg.scid;
	s24 =	simm.s32 $0x12000;
	s28 =	simm.s32 $0x17400  }
0x4: {  	s29 =	simm.s32 $0x19000;
	s30 =	simm.s32 $0x1AC00;
	s31 =	simm.s32 $0x1C800  }
0x5: {  	s10 =	simm.s32 $0x2;
	s13 =	simm.s32 $0x4000;
	s15 =	simm.s32 $0x5C00  }
0x6: {  	s17 =	simm.s32 $0x7800;
	s19 =	simm.s32 $0x9400;
	s21 =	simm.s32 $0xB000  }
0x7: {  	s23 =	simm.s32 $0xCC00;
	[smem:$0x7FF] =	sst s2;
	s4 =	smul.u32 $0x38000, s8  }
0x8: {  	s3 =	sadd.s32 $0x1200, s0;
	s5 =	sand.u32 $0x1, s5;
	s8 =	sshll.u32 s8, $0xC  }
0x9: {  	_ =	strace $0x8000004A;
	s25 =	ssub.s32 $0x2, s5;
	s6 =	smul.u32 $0x1C000, s5  }
0xa: {  	s5 =	sshll.u32 s5, $0xB;
	s0 =	sadd.s32 s4, s0;
	s7 =	sshrl.u32 s25, $0x1  }
0xb: {  	s5 =	sor.u32 s5, s8;
	s8 =	simm.s32 $0x32;
	s4 =	ssub.s32 s25, s7  }
0xc: {  	s0 =	sadd.s32 s6, s0;
	s1 =	sadd.s32 s1, s5;
	s25 =	simm.s32 $0x13C00  }
0xd: {  	s6 =	simm.s32 $0x0;
	[dreg:$0x3] =	wrdreg s1;
	s26 =	smax.u32 s4, $0x1  }
0xe: {  	s0 =	sadd.s32 $0xF43600, s0;
	s1 =	simm.s32 $0x1;
	[dreg:$0x4] =	wrdreg s26  }
0xf: {  	[dreg:$0x5] =	wrdreg s0;
	s26 =	simm.s32 $0x15800;
	s0 =	simm.s32 $0x1E400  }
.LBB2_1:
0x10: {  	[dreg:$0x6] =	wrdreg s6  }
0x11: {  	s4 =	rddreg [dreg:$0x3];
	s11 =	simm.s32 $0x5  }
0x12: {  	[tilespmem:s2], [sflag:$0x5] =	stream.linear.gather [hbm4b:s4+s2], $0x4000, $0x38;
	v63 =	vld [tilespmem:$0x0]  }
0x13: {  	_ =	swait.ge [sflag:s11], $0x4000  }
0x14: {  	[sflag:s11] =	ssyncset.done $0x0  }
0x15: {  	s5 =	simm.s32 $0x4000;
	[sflag:s11] =	ssyncadd.s32 $0xFFFFC000  }
0x16: {  	[tilespmem:s5], [sflag:$0x1] =	stream.indirect.gather [hbm4b:s3+s8], $0x80, s2, s8, $0xb8;
	v63 =	vld [tilespmem:$0x0]  }
0x17: {  	s12 =	simm.s32 $0x80;
	s7 =	simm.s32 $0x5C00  }
0x18: {  	[tilespmem:s7], [sflag:$0x1] =	stream.indirect.gather [hbm4b:s3+s8], $0x80, s12, s8, $0xb8;
	v63 =	vld [tilespmem:$0x0]  }
0x19: {  	s14 =	simm.s32 $0x100;
	s9 =	simm.s32 $0x7800  }
0x1a: {  	[tilespmem:s9], [sflag:$0x1] =	stream.indirect.gather [hbm4b:s3+s8], $0x80, s14, s8, $0xb8;
	v63 =	vld [tilespmem:$0x0]  }
0x1b: {  	s16 =	simm.s32 $0x180;
	s11 =	simm.s32 $0x9400  }
0x1c: {  	[tilespmem:s11], [sflag:$0x1] =	stream.indirect.gather [hbm4b:s3+s8], $0x80, s16, s8, $0xb8;
	v63 =	vld [tilespmem:$0x0]  }
0x1d: {  	s18 =	simm.s32 $0x200;
	s12 =	simm.s32 $0xB000  }
0x1e: {  	[tilespmem:s12], [sflag:$0x1] =	stream.indirect.gather [hbm4b:s3+s8], $0x80, s18, s8, $0xb8;
	v63 =	vld [tilespmem:$0x0]  }
0x1f: {  	s20 =	simm.s32 $0x280;
	p0 =	por $0x1, $0x1;
	s14 =	simm.s32 $0xCC00  }
0x20: {  	[tilespmem:s14], [sflag:$0x1] =	stream.indirect.gather [hbm4b:s3+s8], $0x80, s20, s8, $0xb8;
	v63 =	vld [tilespmem:$0x0]  }
0x21: {  	s22 =	simm.s32 $0x300;
	p0 =	por p0, p0;
	s16 =	simm.s32 $0xE800  }
0x22: {  	[tilespmem:s16], [sflag:$0x1] =	stream.indirect.gather [hbm4b:s3+s8], $0x80, s22, s8, $0xb8;
	v63 =	vld [tilespmem:$0x0]  }
0x23: {  	s6 =	simm.s32 $0x380;
	s4 =	simm.s32 @!p0 $0x4;
	s18 =	simm.s32 $0x10400  }
0x24: {  	[tilespmem:s18], [sflag:$0x1] =	stream.indirect.gather [hbm4b:s3+s8], $0x80, s6, s8, $0xb8;
	v63 =	vld [tilespmem:$0x0]  }
0x25: {  	_ =	swait.ge @!p0 [sflag:s4], $0xC800  }
0x26: {  	[sflag:s4] =	ssyncset.done @!p0 $0x0  }
0x27: {  	s20 =	simm.s32 $0x400;
	[sflag:s4] =	ssyncadd.s32 @!p0 $0xFFFF3800  }
0x28: {  	[tilespmem:s24], [sflag:$0x2] =	stream.indirect.gather [hbm4b:s3+s8], $0x80, s20, s8, $0xb8;
	v63 =	vld [tilespmem:$0x0]  }
0x29: {  	s22 =	simm.s32 $0x480  }
0x2a: {  	[tilespmem:s25], [sflag:$0x2] =	stream.indirect.gather [hbm4b:s3+s8], $0x80, s22, s8, $0xb8;
	v63 =	vld [tilespmem:$0x0]  }
0x2b: {  	s6 =	simm.s32 $0x500  }
0x2c: {  	[tilespmem:s26], [sflag:$0x2] =	stream.indirect.gather [hbm4b:s3+s8], $0x80, s6, s8, $0xb8;
	v63 =	vld [tilespmem:$0x0]  }
0x2d: {  	s20 =	simm.s32 $0x580  }
0x2e: {  	[tilespmem:s28], [sflag:$0x2] =	stream.indirect.gather [hbm4b:s3+s8], $0x80, s20, s8, $0xb8;
	v63 =	vld [tilespmem:$0x0]  }
0x2f: {  	s22 =	simm.s32 $0x600  }
0x30: {  	[tilespmem:s29], [sflag:$0x2] =	stream.indirect.gather [hbm4b:s3+s8], $0x80, s22, s8, $0xb8;
	v63 =	vld [tilespmem:$0x0]  }
0x31: {  	s6 =	simm.s32 $0x680  }
0x32: {  	[tilespmem:s30], [sflag:$0x2] =	stream.indirect.gather [hbm4b:s3+s8], $0x80, s6, s8, $0xb8;
	v63 =	vld [tilespmem:$0x0]  }
0x33: {  	s20 =	simm.s32 $0x700  }
0x34: {  	[tilespmem:s31], [sflag:$0x2] =	stream.indirect.gather [hbm4b:s3+s8], $0x80, s20, s8, $0xb8;
	v63 =	vld [tilespmem:$0x0]  }
0x35: {  	s22 =	simm.s32 $0x780  }
0x36: {  	[tilespmem:s0], [sflag:$0x2] =	stream.indirect.gather [hbm4b:s3+s8], $0x80, s22, s8, $0xb8;
	v63 =	vld [tilespmem:$0x0]  }
0x37: {  	_ =	swait.ge [sflag:s1], $0x1900  }
0x38: {  	[sflag:s1] =	ssyncset.done $0x0  }
0x39: {  	[sflag:s1] =	ssyncadd.s32 $0xFFFFE700  }
0x3a: {  	_ =	swait.ge [sflag:s1], $0x1900  }
0x3b: {  	[sflag:s1] =	ssyncset.done $0x0  }
0x3c: {  	[sflag:s1] =	ssyncadd.s32 $0xFFFFE700  }
0x3d: {  	_ =	swait.ge [sflag:s1], $0x1900  }
0x3e: {  	[sflag:s1] =	ssyncset.done $0x0  }
0x3f: {  	[sflag:s1] =	ssyncadd.s32 $0xFFFFE700  }
0x40: {  	_ =	swait.ge [sflag:s1], $0x1900  }
0x41: {  	[sflag:s1] =	ssyncset.done $0x0  }
0x42: {  	[sflag:s1] =	ssyncadd.s32 $0xFFFFE700  }
0x43: {  	_ =	swait.ge [sflag:s1], $0x1900  }
0x44: {  	[sflag:s1] =	ssyncset.done $0x0  }
0x45: {  	[sflag:s1] =	ssyncadd.s32 $0xFFFFE700  }
0x46: {  	_ =	swait.ge [sflag:s1], $0x1900  }
0x47: {  	[sflag:s1] =	ssyncset.done $0x0  }
0x48: {  	[sflag:s1] =	ssyncadd.s32 $0xFFFFE700  }
0x49: {  	_ =	swait.ge [sflag:s1], $0x1900  }
0x4a: {  	[sflag:s1] =	ssyncset.done $0x0  }
0x4b: {  	[sflag:s1] =	ssyncadd.s32 $0xFFFFE700  }
0x4c: {  	_ =	swait.ge [sflag:s1], $0x1900  }
0x4d: {  	[sflag:s1] =	ssyncset.done $0x0  }
0x4e: {  	s6 =	rddreg [dreg:$0x5];
	[sflag:s1] =	ssyncadd.s32 $0xFFFFE700  }
0x4f: {  	[hbm4b:s6+s2] =	stream.linear.scatter [tilespmem:s5], [sflag:$0x3], $0x1900, $0x38;
	v63 =	vld [tilespmem:$0x0]  }
0x50: {  	s5 =	sadd.s32 $0x380, s6  }
0x51: {  	[hbm4b:s5+s2] =	stream.linear.scatter [tilespmem:s7], [sflag:$0x3], $0x1900, $0x38;
	v63 =	vld [tilespmem:$0x0]  }
0x52: {  	s7 =	sadd.s32 $0x700, s6  }
0x53: {  	[hbm4b:s7+s2] =	stream.linear.scatter [tilespmem:s9], [sflag:$0x3], $0x1900, $0x38;
	v63 =	vld [tilespmem:$0x0]  }
0x54: {  	s20 =	sadd.s32 $0xA80, s6  }
0x55: {  	[hbm4b:s20+s2] =	stream.linear.scatter [tilespmem:s11], [sflag:$0x3], $0x1900, $0x38;
	v63 =	vld [tilespmem:$0x0]  }
0x56: {  	s22 =	sadd.s32 $0xE00, s6  }
0x57: {  	[hbm4b:s22+s2] =	stream.linear.scatter [tilespmem:s12], [sflag:$0x3], $0x1900, $0x38;
	v63 =	vld [tilespmem:$0x0]  }
0x58: {  	s5 =	sadd.s32 $0x1180, s6  }
0x59: {  	[hbm4b:s5+s2] =	stream.linear.scatter [tilespmem:s14], [sflag:$0x3], $0x1900, $0x38;
	v63 =	vld [tilespmem:$0x0]  }
0x5a: {  	p0 =	por $0x0, $0x0;
	s7 =	sadd.s32 $0x1500, s6  }
0x5b: {  	[hbm4b:s7+s2] =	stream.linear.scatter [tilespmem:s16], [sflag:$0x3], $0x1900, $0x38;
	v63 =	vld [tilespmem:$0x0]  }
0x5c: {  	s4 =	simm.s32 @!p0 $0x3;
	s9 =	sadd.s32 $0x1880, s6  }
0x5d: {  	[hbm4b:s9+s2] =	stream.linear.scatter [tilespmem:s18], [sflag:$0x3], $0x1900, $0x38;
	v63 =	vld [tilespmem:$0x0]  }
0x5e: {  	_ =	swait.ge @!p0 [sflag:s4], $0xC800  }
0x5f: {  	s20 =	simm.s32 @!p0 $0x4000;
	[sflag:s4] =	ssyncset.done @!p0 $0x0  }
0x60: {  	s5 =	simm.s32 @!p0 $0x800;
	s18 =	simm.s32 @!p0 $0x32;
	[sflag:s4] =	ssyncadd.s32 @!p0 $0xFFFF3800  }
0x61: {  	[tilespmem:s20], [sflag:$0x1] =	stream.indirect.gather @!p0 [hbm4b:s3+s18], $0x80, s5, s18, $0xb8;
	v63 =	vld [tilespmem:$0x0]  }
0x62: {  	s4 =	simm.s32 @!p0 $0x880;
	s5 =	simm.s32 @!p0 $0x5C00  }
0x63: {  	[tilespmem:s5], [sflag:$0x1] =	stream.indirect.gather @!p0 [hbm4b:s3+s18], $0x80, s4, s18, $0xb8;
	v63 =	vld [tilespmem:$0x0]  }
0x64: {  	s4 =	simm.s32 @!p0 $0x900;
	s5 =	simm.s32 @!p0 $0x7800  }
0x65: {  	[tilespmem:s5], [sflag:$0x1] =	stream.indirect.gather @!p0 [hbm4b:s3+s18], $0x80, s4, s18, $0xb8;
	v63 =	vld [tilespmem:$0x0]  }
0x66: {  	s4 =	simm.s32 @!p0 $0x980;
	s5 =	simm.s32 @!p0 $0x9400  }
0x67: {  	[tilespmem:s5], [sflag:$0x1] =	stream.indirect.gather @!p0 [hbm4b:s3+s18], $0x80, s4, s18, $0xb8;
	v63 =	vld [tilespmem:$0x0]  }
0x68: {  	s4 =	simm.s32 @!p0 $0xA00;
	s5 =	simm.s32 @!p0 $0xB000  }
0x69: {  	[tilespmem:s5], [sflag:$0x1] =	stream.indirect.gather @!p0 [hbm4b:s3+s18], $0x80, s4, s18, $0xb8;
	v63 =	vld [tilespmem:$0x0]  }
0x6a: {  	s4 =	simm.s32 @!p0 $0xA80;
	s5 =	simm.s32 @!p0 $0xCC00  }
0x6b: {  	[tilespmem:s5], [sflag:$0x1] =	stream.indirect.gather @!p0 [hbm4b:s3+s18], $0x80, s4, s18, $0xb8;
	v63 =	vld [tilespmem:$0x0]  }
0x6c: {  	s4 =	simm.s32 @!p0 $0xB00;
	s5 =	simm.s32 @!p0 $0xE800  }
0x6d: {  	[tilespmem:s5], [sflag:$0x1] =	stream.indirect.gather @!p0 [hbm4b:s3+s18], $0x80, s4, s18, $0xb8;
	v63 =	vld [tilespmem:$0x0]  }
0x6e: {  	s4 =	simm.s32 @!p0 $0xB80;
	s5 =	simm.s32 @!p0 $0x10400  }
0x6f: {  	[tilespmem:s5], [sflag:$0x1] =	stream.indirect.gather @!p0 [hbm4b:s3+s18], $0x80, s4, s18, $0xb8;
	v63 =	vld [tilespmem:$0x0]  }
0x70: {  	_ =	swait.ge [sflag:s10], $0x1900  }
0x71: {  	[sflag:s10] =	ssyncset.done $0x0  }
0x72: {  	[sflag:s10] =	ssyncadd.s32 $0xFFFFE700  }
0x73: {  	_ =	swait.ge [sflag:s10], $0x1900  }
0x74: {  	[sflag:s10] =	ssyncset.done $0x0  }
0x75: {  	[sflag:s10] =	ssyncadd.s32 $0xFFFFE700  }
0x76: {  	_ =	swait.ge [sflag:s10], $0x1900  }
0x77: {  	[sflag:s10] =	ssyncset.done $0x0  }
0x78: {  	[sflag:s10] =	ssyncadd.s32 $0xFFFFE700  }
0x79: {  	_ =	swait.ge [sflag:s10], $0x1900  }
0x7a: {  	[sflag:s10] =	ssyncset.done $0x0  }
0x7b: {  	[sflag:s10] =	ssyncadd.s32 $0xFFFFE700  }
0x7c: {  	_ =	swait.ge [sflag:s10], $0x1900  }
0x7d: {  	[sflag:s10] =	ssyncset.done $0x0  }
0x7e: {  	[sflag:s10] =	ssyncadd.s32 $0xFFFFE700  }
0x7f: {  	_ =	swait.ge [sflag:s10], $0x1900  }
0x80: {  	[sflag:s10] =	ssyncset.done $0x0  }
0x81: {  	[sflag:s10] =	ssyncadd.s32 $0xFFFFE700  }
0x82: {  	_ =	swait.ge [sflag:s10], $0x1900  }
0x83: {  	[sflag:s10] =	ssyncset.done $0x0  }
0x84: {  	[sflag:s10] =	ssyncadd.s32 $0xFFFFE700  }
0x85: {  	_ =	swait.ge [sflag:s10], $0x1900  }
0x86: {  	[sflag:s10] =	ssyncset.done $0x0  }
0x87: {  	s11 =	sadd.s32 $0x1C00, s6;
	[sflag:s10] =	ssyncadd.s32 $0xFFFFE700  }
0x88: {  	[hbm4b:s11+s2] =	stream.linear.scatter [tilespmem:s24], [sflag:$0x4], $0x1900, $0x38;
	v63 =	vld [tilespmem:$0x0]  }
0x89: {  	s12 =	sadd.s32 $0x1F80, s6  }
0x8a: {  	[hbm4b:s12+s2] =	stream.linear.scatter [tilespmem:s25], [sflag:$0x4], $0x1900, $0x38;
	v63 =	vld [tilespmem:$0x0]  }
0x8b: {  	s14 =	sadd.s32 $0x2300, s6  }
0x8c: {  	[hbm4b:s14+s2] =	stream.linear.scatter [tilespmem:s26], [sflag:$0x4], $0x1900, $0x38;
	v63 =	vld [tilespmem:$0x0]  }
0x8d: {  	s16 =	sadd.s32 $0x2680, s6  }
0x8e: {  	[hbm4b:s16+s2] =	stream.linear.scatter [tilespmem:s28], [sflag:$0x4], $0x1900, $0x38;
	v63 =	vld [tilespmem:$0x0]  }
0x8f: {  	s18 =	sadd.s32 $0x2A00, s6  }
0x90: {  	[hbm4b:s18+s2] =	stream.linear.scatter [tilespmem:s29], [sflag:$0x4], $0x1900, $0x38;
	v63 =	vld [tilespmem:$0x0]  }
0x91: {  	p6 =	por $0x0, $0x0;
	s20 =	sadd.s32 $0x2D80, s6  }
0x92: {  	[hbm4b:s20+s2] =	stream.linear.scatter [tilespmem:s30], [sflag:$0x4], $0x1900, $0x38;
	v63 =	vld [tilespmem:$0x0]  }
0x93: {  	s22 =	sadd.s32 $0x3100, s6;
	p0 =	por p6, p6;
	s5 =	sadd.s32 $0x3480, s6  }
0x94: {  	[hbm4b:s22+s2] =	stream.linear.scatter [tilespmem:s31], [sflag:$0x4], $0x1900, $0x38;
	v63 =	vld [tilespmem:$0x0]  }
0x95: {  	s18 =	sadd.s32 $0x3800, s6;
	s20 =	simm.s32 $0x2000;
	s22 =	simm.s32 $0x4000  }
.LBB2_2:
0x96: {  	p2 =	seq.s32 s22, $0x0  }
0x97: {  	s7 =	simm.s32 @!p0 $0x4;
	s4 =	smov.u32 s22;
	s22 =	sadd.s32 $0x2000, s22  }
0x98: {  	[hbm4b:s5+s2] =	stream.linear.scatter [tilespmem:s0], [sflag:$0x4], $0x1900, $0x38;
	v63 =	vld [tilespmem:$0x0]  }
0x99: {  	p1 =	sne.s32 s22, $0x10000;
	_ =	swait.ge @!p0 [sflag:s7], $0xC800  }
0x9a: {  	s5 =	sshra.s32 s20, $0x2;
	[sflag:s7] =	ssyncset.done @!p0 $0x0  }
0x9b: {  	[sflag:s7] =	ssyncadd.s32 @!p0 $0xFFFF3800;
	s7 =	sadd.s32 $0x400, s5;
	p0 =	por p2, p2  }
0x9c: {  	[tilespmem:s24], [sflag:$0x2] =	stream.indirect.gather [hbm4b:s3+s8], $0x80, s7, s8, $0xb8;
	v63 =	vld [tilespmem:$0x0]  }
0x9d: {  	s7 =	sadd.s32 $0x480, s5  }
0x9e: {  	[tilespmem:s25], [sflag:$0x2] =	stream.indirect.gather [hbm4b:s3+s8], $0x80, s7, s8, $0xb8;
	v63 =	vld [tilespmem:$0x0]  }
0x9f: {  	s7 =	sadd.s32 $0x500, s5  }
0xa0: {  	[tilespmem:s26], [sflag:$0x2] =	stream.indirect.gather [hbm4b:s3+s8], $0x80, s7, s8, $0xb8;
	v63 =	vld [tilespmem:$0x0]  }
0xa1: {  	s7 =	sadd.s32 $0x580, s5  }
0xa2: {  	[tilespmem:s28], [sflag:$0x2] =	stream.indirect.gather [hbm4b:s3+s8], $0x80, s7, s8, $0xb8;
	v63 =	vld [tilespmem:$0x0]  }
0xa3: {  	s7 =	sadd.s32 $0x600, s5  }
0xa4: {  	[tilespmem:s29], [sflag:$0x2] =	stream.indirect.gather [hbm4b:s3+s8], $0x80, s7, s8, $0xb8;
	v63 =	vld [tilespmem:$0x0]  }
0xa5: {  	s7 =	sadd.s32 $0x680, s5  }
0xa6: {  	[tilespmem:s30], [sflag:$0x2] =	stream.indirect.gather [hbm4b:s3+s8], $0x80, s7, s8, $0xb8;
	v63 =	vld [tilespmem:$0x0]  }
0xa7: {  	s7 =	sadd.s32 $0x700, s5  }
0xa8: {  	[tilespmem:s31], [sflag:$0x2] =	stream.indirect.gather [hbm4b:s3+s8], $0x80, s7, s8, $0xb8;
	v63 =	vld [tilespmem:$0x0]  }
0xa9: {  	s5 =	sadd.s32 $0x780, s5  }
0xaa: {  	[tilespmem:s0], [sflag:$0x2] =	stream.indirect.gather [hbm4b:s3+s8], $0x80, s5, s8, $0xb8;
	v63 =	vld [tilespmem:$0x0]  }
0xab: {  	_ =	swait.ge [sflag:s1], $0x1900  }
0xac: {  	[sflag:s1] =	ssyncset.done $0x0  }
0xad: {  	[sflag:s1] =	ssyncadd.s32 $0xFFFFE700  }
0xae: {  	_ =	swait.ge [sflag:s1], $0x1900  }
0xaf: {  	[sflag:s1] =	ssyncset.done $0x0  }
0xb0: {  	[sflag:s1] =	ssyncadd.s32 $0xFFFFE700  }
0xb1: {  	_ =	swait.ge [sflag:s1], $0x1900  }
0xb2: {  	[sflag:s1] =	ssyncset.done $0x0  }
0xb3: {  	[sflag:s1] =	ssyncadd.s32 $0xFFFFE700  }
0xb4: {  	_ =	swait.ge [sflag:s1], $0x1900  }
0xb5: {  	[sflag:s1] =	ssyncset.done $0x0  }
0xb6: {  	[sflag:s1] =	ssyncadd.s32 $0xFFFFE700  }
0xb7: {  	_ =	swait.ge [sflag:s1], $0x1900  }
0xb8: {  	[sflag:s1] =	ssyncset.done $0x0  }
0xb9: {  	[sflag:s1] =	ssyncadd.s32 $0xFFFFE700  }
0xba: {  	_ =	swait.ge [sflag:s1], $0x1900  }
0xbb: {  	[sflag:s1] =	ssyncset.done $0x0  }
0xbc: {  	[sflag:s1] =	ssyncadd.s32 $0xFFFFE700  }
0xbd: {  	_ =	swait.ge [sflag:s1], $0x1900  }
0xbe: {  	[sflag:s1] =	ssyncset.done $0x0  }
0xbf: {  	[sflag:s1] =	ssyncadd.s32 $0xFFFFE700  }
0xc0: {  	_ =	swait.ge [sflag:s1], $0x1900  }
0xc1: {  	[sflag:s1] =	ssyncset.done $0x0  }
0xc2: {  	[sflag:s1] =	ssyncadd.s32 $0xFFFFE700  }
0xc3: {  	[hbm4b:s18+s2] =	stream.linear.scatter [tilespmem:s13], [sflag:$0x3], $0x1900, $0x38;
	v63 =	vld [tilespmem:$0x0]  }
0xc4: {  	s5 =	sadd.s32 $0x380, s18  }
0xc5: {  	[hbm4b:s5+s2] =	stream.linear.scatter [tilespmem:s15], [sflag:$0x3], $0x1900, $0x38;
	v63 =	vld [tilespmem:$0x0]  }
0xc6: {  	s5 =	sadd.s32 $0x700, s18  }
0xc7: {  	[hbm4b:s5+s2] =	stream.linear.scatter [tilespmem:s17], [sflag:$0x3], $0x1900, $0x38;
	v63 =	vld [tilespmem:$0x0]  }
0xc8: {  	s5 =	sadd.s32 $0xA80, s18  }
0xc9: {  	[hbm4b:s5+s2] =	stream.linear.scatter [tilespmem:s19], [sflag:$0x3], $0x1900, $0x38;
	v63 =	vld [tilespmem:$0x0]  }
0xca: {  	s5 =	sadd.s32 $0xE00, s18  }
0xcb: {  	[hbm4b:s5+s2] =	stream.linear.scatter [tilespmem:s21], [sflag:$0x3], $0x1900, $0x38;
	v63 =	vld [tilespmem:$0x0]  }
0xcc: {  	s5 =	sadd.s32 $0x1180, s18  }
0xcd: {  	[hbm4b:s5+s2] =	stream.linear.scatter [tilespmem:s23], [sflag:$0x3], $0x1900, $0x38;
	v63 =	vld [tilespmem:$0x0]  }
0xce: {  	s6 =	simm.s32 $0xE800;
	s5 =	sadd.s32 $0x1500, s18  }
0xcf: {  	[hbm4b:s5+s2] =	stream.linear.scatter [tilespmem:s6], [sflag:$0x3], $0x1900, $0x38;
	v63 =	vld [tilespmem:$0x0]  }
0xd0: {  	p2 =	seq.s32 s20, $0xE000;
	s5 =	sadd.s32 $0x1880, s18;
	s6 =	simm.s32 $0x10400  }
0xd1: {  	[hbm4b:s5+s2] =	stream.linear.scatter [tilespmem:s6], [sflag:$0x3], $0x1900, $0x38;
	v63 =	vld [tilespmem:$0x0]  }
0xd2: {  	s7 =	sshra.s32 @!p2 s20, $0x2;
	s20 =	smov.u32 s4;
	s5 =	simm.s32 @!p2 $0x3  }
0xd3: {  	s4 =	sadd.s32 @!p2 $0x800, s7;
	s12 =	sadd.s32 @!p2 $0x880, s7;
	_ =	swait.ge @!p2 [sflag:s5], $0xC800  }
0xd4: {  	s14 =	simm.s32 @!p2 $0x32;
	s16 =	simm.s32 @!p2 $0x4000;
	[sflag:s5] =	ssyncset.done @!p2 $0x0  }
0xd5: {  	s6 =	sadd.s32 @!p2 $0x900, s7;
	[sflag:s5] =	ssyncadd.s32 @!p2 $0xFFFF3800;
	s5 =	simm.s32 @!p2 $0x5C00  }
0xd6: {  	[tilespmem:s16], [sflag:$0x1] =	stream.indirect.gather @!p2 [hbm4b:s3+s14], $0x80, s4, s14, $0xb8;
	v63 =	vld [tilespmem:$0x0]  }
0xd7: {  	s9 =	sadd.s32 @!p2 $0xA00, s7;
	s4 =	simm.s32 @!p2 $0x7800;
	s16 =	sadd.s32 @!p2 $0x980, s7  }
0xd8: {  	[tilespmem:s5], [sflag:$0x1] =	stream.indirect.gather @!p2 [hbm4b:s3+s14], $0x80, s12, s14, $0xb8;
	v63 =	vld [tilespmem:$0x0]  }
0xd9: {  	s11 =	sadd.s32 @!p2 $0xB00, s7;
	s5 =	simm.s32 @!p2 $0x9400;
	s12 =	sadd.s32 @!p2 $0xA80, s7  }
0xda: {  	[tilespmem:s4], [sflag:$0x1] =	stream.indirect.gather @!p2 [hbm4b:s3+s14], $0x80, s6, s14, $0xb8;
	v63 =	vld [tilespmem:$0x0]  }
0xdb: {  	s4 =	simm.s32 @!p2 $0xB000;
	s6 =	sadd.s32 @!p2 $0xB80, s7  }
0xdc: {  	[tilespmem:s5], [sflag:$0x1] =	stream.indirect.gather @!p2 [hbm4b:s3+s14], $0x80, s16, s14, $0xb8;
	v63 =	vld [tilespmem:$0x0]  }
0xdd: {  	s5 =	simm.s32 @!p2 $0xCC00  }
0xde: {  	[tilespmem:s4], [sflag:$0x1] =	stream.indirect.gather @!p2 [hbm4b:s3+s14], $0x80, s9, s14, $0xb8;
	v63 =	vld [tilespmem:$0x0]  }
0xdf: {  	s4 =	simm.s32 @!p2 $0xE800  }
0xe0: {  	[tilespmem:s5], [sflag:$0x1] =	stream.indirect.gather @!p2 [hbm4b:s3+s14], $0x80, s12, s14, $0xb8;
	v63 =	vld [tilespmem:$0x0]  }
0xe1: {  	s5 =	simm.s32 @!p2 $0x10400  }
0xe2: {  	[tilespmem:s4], [sflag:$0x1] =	stream.indirect.gather @!p2 [hbm4b:s3+s14], $0x80, s11, s14, $0xb8;
	v63 =	vld [tilespmem:$0x0]  }
0xe3: {  	_ = 	snop  }
0xe4: {  	[tilespmem:s5], [sflag:$0x1] =	stream.indirect.gather @!p2 [hbm4b:s3+s14], $0x80, s6, s14, $0xb8;
	v63 =	vld [tilespmem:$0x0]  }
0xe5: {  	_ =	swait.ge [sflag:s10], $0x1900  }
0xe6: {  	[sflag:s10] =	ssyncset.done $0x0  }
0xe7: {  	[sflag:s10] =	ssyncadd.s32 $0xFFFFE700  }
0xe8: {  	_ =	swait.ge [sflag:s10], $0x1900  }
0xe9: {  	[sflag:s10] =	ssyncset.done $0x0  }
0xea: {  	[sflag:s10] =	ssyncadd.s32 $0xFFFFE700  }
0xeb: {  	_ =	swait.ge [sflag:s10], $0x1900  }
0xec: {  	[sflag:s10] =	ssyncset.done $0x0  }
0xed: {  	[sflag:s10] =	ssyncadd.s32 $0xFFFFE700  }
0xee: {  	_ =	swait.ge [sflag:s10], $0x1900  }
0xef: {  	[sflag:s10] =	ssyncset.done $0x0  }
0xf0: {  	[sflag:s10] =	ssyncadd.s32 $0xFFFFE700  }
0xf1: {  	_ =	swait.ge [sflag:s10], $0x1900  }
0xf2: {  	[sflag:s10] =	ssyncset.done $0x0  }
0xf3: {  	[sflag:s10] =	ssyncadd.s32 $0xFFFFE700  }
0xf4: {  	_ =	swait.ge [sflag:s10], $0x1900  }
0xf5: {  	[sflag:s10] =	ssyncset.done $0x0  }
0xf6: {  	[sflag:s10] =	ssyncadd.s32 $0xFFFFE700  }
0xf7: {  	_ =	swait.ge [sflag:s10], $0x1900  }
0xf8: {  	[sflag:s10] =	ssyncset.done $0x0  }
0xf9: {  	[sflag:s10] =	ssyncadd.s32 $0xFFFFE700  }
0xfa: {  	_ =	swait.ge [sflag:s10], $0x1900  }
0xfb: {  	s4 =	sadd.s32 $0x1C00, s18;
	[sflag:s10] =	ssyncset.done $0x0  }
0xfc: {  	s5 =	sadd.s32 $0x1F80, s18;
	[sflag:s10] =	ssyncadd.s32 $0xFFFFE700  }
0xfd: {  	[hbm4b:s4+s2] =	stream.linear.scatter [tilespmem:s24], [sflag:$0x4], $0x1900, $0x38;
	v63 =	vld [tilespmem:$0x0]  }
0xfe: {  	s4 =	sadd.s32 $0x2300, s18  }
0xff: {  	[hbm4b:s5+s2] =	stream.linear.scatter [tilespmem:s25], [sflag:$0x4], $0x1900, $0x38;
	v63 =	vld [tilespmem:$0x0]  }
0x100: {  	s5 =	sadd.s32 $0x2680, s18  }
0x101: {  	[hbm4b:s4+s2] =	stream.linear.scatter [tilespmem:s26], [sflag:$0x4], $0x1900, $0x38;
	v63 =	vld [tilespmem:$0x0]  }
0x102: {  	s4 =	sadd.s32 $0x2A00, s18  }
0x103: {  	[hbm4b:s5+s2] =	stream.linear.scatter [tilespmem:s28], [sflag:$0x4], $0x1900, $0x38;
	v63 =	vld [tilespmem:$0x0]  }
0x104: {  	s5 =	sadd.s32 $0x2D80, s18  }
0x105: {  	[hbm4b:s4+s2] =	stream.linear.scatter [tilespmem:s29], [sflag:$0x4], $0x1900, $0x38;
	v63 =	vld [tilespmem:$0x0]  }
.Ltmp0:
0x106: {  	_ = 	snop;
	(pc) =	sbr.rel @p1 .LBB2_2-.Ltmp0, $4  }
0x107: {  	s4 =	sadd.s32 $0x3100, s18  }
0x108: {  	[hbm4b:s5+s2] =	stream.linear.scatter [tilespmem:s30], [sflag:$0x4], $0x1900, $0x38;
	v63 =	vld [tilespmem:$0x0]  }
0x109: {  	s5 =	sadd.s32 $0x3480, s18;
	s18 =	sadd.s32 $0x3800, s18  }
0x10a: {  	[hbm4b:s4+s2] =	stream.linear.scatter [tilespmem:s31], [sflag:$0x4], $0x1900, $0x38;
	v63 =	vld [tilespmem:$0x0]  }
0x10b: {  	s4 =	simm.s32 @!p0 $0x4  }
0x10c: {  	[hbm4b:s5+s2] =	stream.linear.scatter [tilespmem:s0], [sflag:$0x4], $0x1900, $0x38;
	v63 =	vld [tilespmem:$0x0]  }
0x10d: {  	_ =	swait.ge @!p0 [sflag:s4], $0xC800  }
0x10e: {  	s16 =	sshra.s32 s20, $0x2;
	[sflag:s4] =	ssyncset.done @!p0 $0x0  }
0x10f: {  	s22 =	sadd.s32 $0x400, s16;
	[sflag:s4] =	ssyncadd.s32 @!p0 $0xFFFF3800  }
0x110: {  	[tilespmem:s24], [sflag:$0x2] =	stream.indirect.gather [hbm4b:s3+s8], $0x80, s22, s8, $0xb8;
	v63 =	vld [tilespmem:$0x0]  }
0x111: {  	s6 =	sadd.s32 $0x480, s16  }
0x112: {  	[tilespmem:s25], [sflag:$0x2] =	stream.indirect.gather [hbm4b:s3+s8], $0x80, s6, s8, $0xb8;
	v63 =	vld [tilespmem:$0x0]  }
0x113: {  	s7 =	sadd.s32 $0x500, s16  }
0x114: {  	[tilespmem:s26], [sflag:$0x2] =	stream.indirect.gather [hbm4b:s3+s8], $0x80, s7, s8, $0xb8;
	v63 =	vld [tilespmem:$0x0]  }
0x115: {  	s9 =	sadd.s32 $0x580, s16  }
0x116: {  	[tilespmem:s28], [sflag:$0x2] =	stream.indirect.gather [hbm4b:s3+s8], $0x80, s9, s8, $0xb8;
	v63 =	vld [tilespmem:$0x0]  }
0x117: {  	s11 =	sadd.s32 $0x600, s16  }
0x118: {  	[tilespmem:s29], [sflag:$0x2] =	stream.indirect.gather [hbm4b:s3+s8], $0x80, s11, s8, $0xb8;
	v63 =	vld [tilespmem:$0x0]  }
0x119: {  	s12 =	sadd.s32 $0x680, s16  }
0x11a: {  	[tilespmem:s30], [sflag:$0x2] =	stream.indirect.gather [hbm4b:s3+s8], $0x80, s12, s8, $0xb8;
	v63 =	vld [tilespmem:$0x0]  }
0x11b: {  	s14 =	sadd.s32 $0x700, s16  }
0x11c: {  	[tilespmem:s31], [sflag:$0x2] =	stream.indirect.gather [hbm4b:s3+s8], $0x80, s14, s8, $0xb8;
	v63 =	vld [tilespmem:$0x0]  }
0x11d: {  	s16 =	sadd.s32 $0x780, s16  }
0x11e: {  	[tilespmem:s0], [sflag:$0x2] =	stream.indirect.gather [hbm4b:s3+s8], $0x80, s16, s8, $0xb8;
	v63 =	vld [tilespmem:$0x0]  }
0x11f: {  	_ =	swait.ge [sflag:s1], $0x1900  }
0x120: {  	[sflag:s1] =	ssyncset.done $0x0  }
0x121: {  	[sflag:s1] =	ssyncadd.s32 $0xFFFFE700  }
0x122: {  	_ =	swait.ge [sflag:s1], $0x1900  }
0x123: {  	[sflag:s1] =	ssyncset.done $0x0  }
0x124: {  	[sflag:s1] =	ssyncadd.s32 $0xFFFFE700  }
0x125: {  	_ =	swait.ge [sflag:s1], $0x1900  }
0x126: {  	[sflag:s1] =	ssyncset.done $0x0  }
0x127: {  	[sflag:s1] =	ssyncadd.s32 $0xFFFFE700  }
0x128: {  	_ =	swait.ge [sflag:s1], $0x1900  }
0x129: {  	[sflag:s1] =	ssyncset.done $0x0  }
0x12a: {  	[sflag:s1] =	ssyncadd.s32 $0xFFFFE700  }
0x12b: {  	_ =	swait.ge [sflag:s1], $0x1900  }
0x12c: {  	[sflag:s1] =	ssyncset.done $0x0  }
0x12d: {  	[sflag:s1] =	ssyncadd.s32 $0xFFFFE700  }
0x12e: {  	_ =	swait.ge [sflag:s1], $0x1900  }
0x12f: {  	[sflag:s1] =	ssyncset.done $0x0  }
0x130: {  	[sflag:s1] =	ssyncadd.s32 $0xFFFFE700  }
0x131: {  	_ =	swait.ge [sflag:s1], $0x1900  }
0x132: {  	[sflag:s1] =	ssyncset.done $0x0  }
0x133: {  	[sflag:s1] =	ssyncadd.s32 $0xFFFFE700  }
0x134: {  	_ =	swait.ge [sflag:s1], $0x1900  }
0x135: {  	[sflag:s1] =	ssyncset.done $0x0  }
0x136: {  	[sflag:s1] =	ssyncadd.s32 $0xFFFFE700  }
0x137: {  	[hbm4b:s18+s2] =	stream.linear.scatter [tilespmem:s13], [sflag:$0x3], $0x1900, $0x38;
	v63 =	vld [tilespmem:$0x0]  }
0x138: {  	s22 =	sadd.s32 $0x380, s18  }
0x139: {  	[hbm4b:s22+s2] =	stream.linear.scatter [tilespmem:s15], [sflag:$0x3], $0x1900, $0x38;
	v63 =	vld [tilespmem:$0x0]  }
0x13a: {  	s5 =	sadd.s32 $0x700, s18  }
0x13b: {  	[hbm4b:s5+s2] =	stream.linear.scatter [tilespmem:s17], [sflag:$0x3], $0x1900, $0x38;
	v63 =	vld [tilespmem:$0x0]  }
0x13c: {  	s6 =	sadd.s32 $0xA80, s18  }
0x13d: {  	[hbm4b:s6+s2] =	stream.linear.scatter [tilespmem:s19], [sflag:$0x3], $0x1900, $0x38;
	v63 =	vld [tilespmem:$0x0]  }
0x13e: {  	s7 =	sadd.s32 $0xE00, s18  }
0x13f: {  	[hbm4b:s7+s2] =	stream.linear.scatter [tilespmem:s21], [sflag:$0x3], $0x1900, $0x38;
	v63 =	vld [tilespmem:$0x0]  }
0x140: {  	s9 =	sadd.s32 $0x1180, s18  }
0x141: {  	[hbm4b:s9+s2] =	stream.linear.scatter [tilespmem:s23], [sflag:$0x3], $0x1900, $0x38;
	v63 =	vld [tilespmem:$0x0]  }
0x142: {  	p0 =	seq.s32 s20, $0xE000;
	s11 =	sadd.s32 $0x1500, s18;
	s12 =	simm.s32 $0xE800  }
0x143: {  	[hbm4b:s11+s2] =	stream.linear.scatter [tilespmem:s12], [sflag:$0x3], $0x1900, $0x38;
	v63 =	vld [tilespmem:$0x0]  }
0x144: {  	s4 =	simm.s32 @!p0 $0x3;
	s14 =	sadd.s32 $0x1880, s18;
	s16 =	simm.s32 $0x10400  }
0x145: {  	[hbm4b:s14+s2] =	stream.linear.scatter [tilespmem:s16], [sflag:$0x3], $0x1900, $0x38;
	v63 =	vld [tilespmem:$0x0]  }
0x146: {  	s5 =	sshra.s32 @!p0 s20, $0x2;
	_ =	swait.ge @!p0 [sflag:s4], $0xC800  }
0x147: {  	s6 =	sadd.s32 @!p0 $0x800, s5;
	[sflag:s4] =	ssyncset.done @!p0 $0x0  }
0x148: {  	s7 =	simm.s32 @!p0 $0x32;
	[sflag:s4] =	ssyncadd.s32 @!p0 $0xFFFF3800;
	s4 =	simm.s32 @!p0 $0x4000  }
0x149: {  	[tilespmem:s4], [sflag:$0x1] =	stream.indirect.gather @!p0 [hbm4b:s3+s7], $0x80, s6, s7, $0xb8;
	v63 =	vld [tilespmem:$0x0]  }
0x14a: {  	s4 =	sadd.s32 @!p0 $0x880, s5;
	s6 =	simm.s32 @!p0 $0x5C00  }
0x14b: {  	[tilespmem:s6], [sflag:$0x1] =	stream.indirect.gather @!p0 [hbm4b:s3+s7], $0x80, s4, s7, $0xb8;
	v63 =	vld [tilespmem:$0x0]  }
0x14c: {  	s4 =	sadd.s32 @!p0 $0x900, s5;
	s6 =	simm.s32 @!p0 $0x7800  }
0x14d: {  	[tilespmem:s6], [sflag:$0x1] =	stream.indirect.gather @!p0 [hbm4b:s3+s7], $0x80, s4, s7, $0xb8;
	v63 =	vld [tilespmem:$0x0]  }
0x14e: {  	s4 =	sadd.s32 @!p0 $0x980, s5;
	s6 =	simm.s32 @!p0 $0x9400  }
0x14f: {  	[tilespmem:s6], [sflag:$0x1] =	stream.indirect.gather @!p0 [hbm4b:s3+s7], $0x80, s4, s7, $0xb8;
	v63 =	vld [tilespmem:$0x0]  }
0x150: {  	s4 =	sadd.s32 @!p0 $0xA00, s5;
	s6 =	simm.s32 @!p0 $0xB000  }
0x151: {  	[tilespmem:s6], [sflag:$0x1] =	stream.indirect.gather @!p0 [hbm4b:s3+s7], $0x80, s4, s7, $0xb8;
	v63 =	vld [tilespmem:$0x0]  }
0x152: {  	s4 =	sadd.s32 @!p0 $0xA80, s5;
	s6 =	simm.s32 @!p0 $0xCC00  }
0x153: {  	[tilespmem:s6], [sflag:$0x1] =	stream.indirect.gather @!p0 [hbm4b:s3+s7], $0x80, s4, s7, $0xb8;
	v63 =	vld [tilespmem:$0x0]  }
0x154: {  	s4 =	sadd.s32 @!p0 $0xB00, s5;
	s6 =	simm.s32 @!p0 $0xE800  }
0x155: {  	[tilespmem:s6], [sflag:$0x1] =	stream.indirect.gather @!p0 [hbm4b:s3+s7], $0x80, s4, s7, $0xb8;
	v63 =	vld [tilespmem:$0x0]  }
0x156: {  	s4 =	sadd.s32 @!p0 $0xB80, s5;
	s5 =	simm.s32 @!p0 $0x10400  }
0x157: {  	[tilespmem:s5], [sflag:$0x1] =	stream.indirect.gather @!p0 [hbm4b:s3+s7], $0x80, s4, s7, $0xb8;
	v63 =	vld [tilespmem:$0x0]  }
0x158: {  	_ =	swait.ge [sflag:s10], $0x1900  }
0x159: {  	[sflag:s10] =	ssyncset.done $0x0  }
0x15a: {  	[sflag:s10] =	ssyncadd.s32 $0xFFFFE700  }
0x15b: {  	_ =	swait.ge [sflag:s10], $0x1900  }
0x15c: {  	[sflag:s10] =	ssyncset.done $0x0  }
0x15d: {  	[sflag:s10] =	ssyncadd.s32 $0xFFFFE700  }
0x15e: {  	_ =	swait.ge [sflag:s10], $0x1900  }
0x15f: {  	[sflag:s10] =	ssyncset.done $0x0  }
0x160: {  	[sflag:s10] =	ssyncadd.s32 $0xFFFFE700  }
0x161: {  	_ =	swait.ge [sflag:s10], $0x1900  }
0x162: {  	[sflag:s10] =	ssyncset.done $0x0  }
0x163: {  	[sflag:s10] =	ssyncadd.s32 $0xFFFFE700  }
0x164: {  	_ =	swait.ge [sflag:s10], $0x1900  }
0x165: {  	[sflag:s10] =	ssyncset.done $0x0  }
0x166: {  	[sflag:s10] =	ssyncadd.s32 $0xFFFFE700  }
0x167: {  	_ =	swait.ge [sflag:s10], $0x1900  }
0x168: {  	[sflag:s10] =	ssyncset.done $0x0  }
0x169: {  	[sflag:s10] =	ssyncadd.s32 $0xFFFFE700  }
0x16a: {  	_ =	swait.ge [sflag:s10], $0x1900  }
0x16b: {  	[sflag:s10] =	ssyncset.done $0x0  }
0x16c: {  	[sflag:s10] =	ssyncadd.s32 $0xFFFFE700  }
0x16d: {  	_ =	swait.ge [sflag:s10], $0x1900  }
0x16e: {  	[sflag:s10] =	ssyncset.done $0x0  }
0x16f: {  	s22 =	sadd.s32 $0x1C00, s18;
	[sflag:s10] =	ssyncadd.s32 $0xFFFFE700  }
0x170: {  	[hbm4b:s22+s2] =	stream.linear.scatter [tilespmem:s24], [sflag:$0x4], $0x1900, $0x38;
	v63 =	vld [tilespmem:$0x0]  }
0x171: {  	s5 =	sadd.s32 $0x1F80, s18  }
0x172: {  	[hbm4b:s5+s2] =	stream.linear.scatter [tilespmem:s25], [sflag:$0x4], $0x1900, $0x38;
	v63 =	vld [tilespmem:$0x0]  }
0x173: {  	s6 =	sadd.s32 $0x2300, s18  }
0x174: {  	[hbm4b:s6+s2] =	stream.linear.scatter [tilespmem:s26], [sflag:$0x4], $0x1900, $0x38;
	v63 =	vld [tilespmem:$0x0]  }
0x175: {  	s7 =	sadd.s32 $0x2680, s18  }
0x176: {  	[hbm4b:s7+s2] =	stream.linear.scatter [tilespmem:s28], [sflag:$0x4], $0x1900, $0x38;
	v63 =	vld [tilespmem:$0x0]  }
0x177: {  	s9 =	sadd.s32 $0x2A00, s18  }
0x178: {  	[hbm4b:s9+s2] =	stream.linear.scatter [tilespmem:s29], [sflag:$0x4], $0x1900, $0x38;
	v63 =	vld [tilespmem:$0x0]  }
0x179: {  	s11 =	sadd.s32 $0x2D80, s18  }
0x17a: {  	[hbm4b:s11+s2] =	stream.linear.scatter [tilespmem:s30], [sflag:$0x4], $0x1900, $0x38;
	v63 =	vld [tilespmem:$0x0]  }
0x17b: {  	s12 =	sadd.s32 $0x3100, s18  }
0x17c: {  	[hbm4b:s12+s2] =	stream.linear.scatter [tilespmem:s31], [sflag:$0x4], $0x1900, $0x38;
	v63 =	vld [tilespmem:$0x0]  }
0x17d: {  	s14 =	sadd.s32 $0x3480, s18;
	s16 =	simm.s32 $0x3  }
0x17e: {  	[hbm4b:s14+s2] =	stream.linear.scatter [tilespmem:s0], [sflag:$0x4], $0x1900, $0x38;
	v63 =	vld [tilespmem:$0x0]  }
0x17f: {  	_ =	swait.ge [sflag:s16], $0xC800  }
0x180: {  	[sflag:s16] =	ssyncset.done $0x0  }
0x181: {  	s18 =	simm.s32 $0x4;
	[sflag:s16] =	ssyncadd.s32 $0xFFFF3800  }
0x182: {  	_ =	swait.ge [sflag:s18], $0xC800  }
0x183: {  	s20 =	rddreg [dreg:$0x6]  }
0x184: {  	s22 =	rddreg [dreg:$0x4];
	s6 =	sadd.s32 $0x1, s20  }
0x185: {  	p0 =	sne.s32 s6, s22  }
.Ltmp1:
0x186: {  	_ = 	snop;
	(pc) =	sbr.rel @p0 .LBB2_1-.Ltmp1, $3  }
0x187: {  	_ =	sdelay $0x1  }
0x188: {  	[sflag:s18] =	ssyncset.done $0x0  }
0x189: {  	[sflag:s18] =	ssyncadd.s32 $0xFFFF3800  }
0x18a: {  	_ =	sfence.sel $0x180000  }
0x18b: {  	[bflag:$0x0] =	sbarrier.arrive $0xFFFF  }
0x18c: {  	_ =	strace $0x9000004A  }
0x18d: {  	s0 =	stileid.u32;
	[bflag:$0x2] =	sbarrier.arrive $0xFFFF  }
0x18e: {  	p0 =	sne.s32 s0, $0x0;
	s0 =	rddreg [dreg:$0x2]  }
0x18f: {  	s0 =	sadd.s32 @!p0 $0x100000, s0  }
0x190: {  	[sflag:s0] =	ssyncadd.tile.s32 @!p0 $0x1;
	_ =	shalt  }
.Lfunc_end2:
_tile_overlayer_lowered:
.L_overlay_start_2:
0x191: {  	(tag) =	ssettag $0x2  }
0x192: {  	s0 =	rddreg [dreg:$0x0];
	s2 =	stileid.u32  }
0x193: {  	s1 =	rddreg [dreg:$0x1];
	p0 =	sne.s32 s2, $0x0  }
0x194: {  	s3 =	rddreg [dreg:$0x2];
	[bflag:$0x3] =	sbarrier.arrive $0xFFFF;
	s2 =	simm.s32 @!p0 $0x1C05  }
0x195: {  	[timem:s3], [sflag:s2] =	dma.local @!p0 [hbm:s0], s1  }
0x196: {  	s0 =	simm.s32 @!p0 $0x5  }
0x197: {  	_ =	swait.ge @!p0 [sflag:s0], s1  }
0x198: {  	s1 =	ssub.s32 @!p0 $0x0, s1;
	[sflag:s0] =	ssyncset.done @!p0 $0x0  }
0x199: {  	[sflag:s0] =	ssyncadd.s32 @!p0 s1  }
0x19a: {  	[bflag:$0x3] =	sbarrier.arrive $0xFFFF  }
0x19b: {  	_ =	shalt  }

// kernel: sparse-core-data-format-call.cloned.1.call-start
scs
called_computation_lowered:
.L_overlay_start_0:
0x0: {  	s2 =	sld [smem:$0x3FD9]  }
0x1: {  	s3 =	sld [smem:$0x3FFE];
	_ =	sdelay $0x1  }
0x2: {  	s1 =	srdreg.scid  }
0x3: {  	s0 =	sand.u32 $0x1, s1  }
0x4: {  	s15 =	sshll.u32 s0, $0xA;
	s2 =	sadd.s32 s3, s2  }
0x5: {  	s2 =	sadd.s32 s2, s15  }
0x6: {  	[smem:$0x3FC6] =	sst s2  }
0x7: {  	_ = 	snop  }
0x8: {  	s2 =	sld [smem:$0x3FD0];
	_ =	sdelay $0x2  }
0x9: {  	s16 =	simm.s32 $0xA;
	s4 =	simm.s32 $0x10  }
0xa: {  	[smem:s4], [sflag:s16] =	dma.local [hbm:s2], $0x1  }
0xb: {  	_ =	swait.eq [sflag:s16], $0x1  }
0xc: {  	[sflag:s16] =	ssyncset.done $0x0  }
0xd: {  	[sflag:s16] =	ssyncadd.s32 $0xFFFFFFFF  }
0xe: {  	s17 =	sld [smem:$0x10];
	(tm) =	ssettm $0x1  }
0xf: {  	s18 =	sld [smem:$0x3FFB];
	_ =	sdelay $0x3  }
0x10: {  	_ =	strace s18  }
0x11: {  	s3 =	sld [smem:$0x3FFC];
	_ =	sdelay $0x3  }
0x12: {  	_ =	strace s3  }
0x13: {  	s3 =	sld [smem:$0x3FFD];
	_ =	sdelay $0x3  }
0x14: {  	_ =	strace s3  }
0x15: {  	_ =	strace $0x8FFFFFFF  }
0x16: {  	s19 =	sld [smem:$0x3FDB];
	_ =	sdelay $0x1  }
0x17: {  	s20 =	simm.s32 $_scs_section_size  }
0x18: {  	s5 =	simm.s32 $_size__tile_overlayer_lowered;
	s6 =	simm.s32 $_tile_overlayer_lowered  }
0x19: {  	s23 =	simm.s32 $0x1BFF;
	s22 =	sshll.u32 s6, $0x1;
	s3 =	sadd.s32 s20, s19  }
0x1a: {  	s7 =	simm.s32 $0x0;
	s21 =	sshll.u32 s5, $0x1;
	s5 =	sadd.s32 s22, s3  }
0x1b: {  	[timem:s7], [sflag:s23] =	dma.local [hbm:s5], s21  }
0x1c: {  	_ =	swait.ge [sflag:s23], s21  }
0x1d: {  	s4 =	ssub.s32 $0x0, s21;
	[sflag:s23] =	ssyncset.done $0x0  }
0x1e: {  	[sflag:s23] =	ssyncadd.s32 s4;
	_ =	sdelay $0x1  }
0x1f: {  	s24 =	simm.s32 $0x1B8B  }
0x20: {  	_ =	swait.ge [sflag:s24], $0x1  }
0x21: {  	[sflag:s24] =	ssyncset.done $0x0  }
0x22: {  	s26 =	simm.s32 $0x1B8E;
	s25 =	sld [smem:$0x3FFE];
	[sflag:s24] =	ssyncadd.s32 $0xFFFFFFFF  }
0x23: {  	s27 =	simm.s32 $execute0_lowered;
	[smem:$0x3FD2] =	sst s26  }
0x24: {  	s5 =	sshll.u32 s27, $0x1;
	_ =	strace $0x8000004C;
	[dreg:$0x1] =	wrdreg $0xFFFFFFFF  }
0x25: {  	s28 =	simm.s32 $_size_execute0_lowered;
	s3 =	sadd.s32 s3, s5;
	[dreg:$0x0] =	wrdreg $0x0  }
0x26: {  	s5 =	sshll.u32 s28, $0x1;
	[dreg:$0x2] =	wrdreg s3  }
0x27: {  	[dreg:$0x3] =	wrdreg s5  }
0x28: {  	[dreg:$0x4] =	wrdreg $0xC0  }
0x29: {  	_ =	task [dreg:s7], $0x5FFFF  }
0x2a: {  	[dreg:$0x1] =	wrdreg $0xFFFFFFFF  }
0x2b: {  	[dreg:$0x0] =	wrdreg $0x60  }
0x2c: {  	[dreg:$0x2] =	wrdreg s25  }
0x2d: {  	[dreg:$0x3] =	wrdreg s17  }
0x2e: {  	[dreg:$0x4] =	wrdreg $0x9  }
0x2f: {  	_ =	task.clear_ibuf [dreg:s7], $0x5FFFF;
	_ =	strace $0x9000004C  }
0x30: {  	s29 =	simm.s32 $0x9;
	_ =	strace $0x8000004E  }
0x31: {  	_ =	swait.ge [sflag:s29], $0x1  }
0x32: {  	[sflag:s29] =	ssyncadd.s32 $0xFFFFFFFF  }
0x33: {  	_ =	strace $0x9000004E  }
0x34: {  	_ =	sfence  }
0x35: {  	s30 =	sld [smem:$0x0];
	_ =	sdelay $0x2  }
0x36: {  	s31 =	sshll.u32 s1, $0xD;
	s1 =	sshrl.u32 s1, $0x2  }
0x37: {  	s3 =	sand.u32 $0x4000, s31;
	s1 =	sadd.s32 s1, s30  }
0x38: {  	s0 =	sor.u32 s3, s0;
	s1 =	sshll.u32 s1, $0x11  }
0x39: {  	s0 =	sor.u32 s1, s0  }
0x3a: {  	s0 =	sadd.s32 $0x8F2B, s0  }
0x3b: {  	[sflag:s0] =	ssyncadd.remote.s32 $0x1  }
0x3c: {  	_ =	sfence.sel $0xFFFF  }
0x3d: {  	[dreg:$0x0] =	wrdreg $0xFFFFFFFF;
	(pc) =	sbr.abs _section_cstart, $3  }
0x3e: {  	[dreg:$0x1] =	wrdreg $0xFFFFFFFF  }
0x3f: {  	_ =	task.clear_ibuf [dreg:s7], $0x2FFFF;
	_ =	strace $0x9FFFFFFF  }
0x40: {  	(tm) =	ssettm $0x7FFFFFFF  }
0x41: {  	_ =	shalt  }
tec
execute0_lowered:
.L_overlay_start_1:
0x0: {  	(tag) =	ssettag $0x1  }
0x1: {  	s0 =	srdreg.scid  }
0x2: {  	s1 =	sshll.u32 s0, $0x4  }
0x3: {  	s0 =	stileid.u32;
	s1 =	sand.u32 $0x10, s1  }
0x4: {  	s1 =	sor.u32 s0, s1  }
0x5: {  	s6 =	rddreg [dreg:$0x0];
	s4 =	simm.s32 $0x1;
	s2 =	sshll.u32 s1, $0x7  }
0x6: {  	s7 =	simm.s32 $0x2;
	s12 =	simm.s32 $0x0;
	s1 =	ssub.s32 $0x1000, s2  }
0x7: {  	s8 =	simm.s32 $0x8000;
	s13 =	simm.s32 $0x0;
	s3 =	sand.u32 $0xF80, s1  }
0x8: {  	s9 =	simm.s32 $0x0;
	s5 =	sshrl.u32 s1, $0xC;
	p0 =	sne.s32 s3, $0x0  }
.Ltmp0:
0x9: {  	s1 =	rddreg [dreg:$0x2];
	s4 =	simm.s32 @!p0 $0x0;
	(pc) =	sbr.rel .LBB1_1-.Ltmp0, $4  }
0xa: {  	s11 =	simm.s32 $0x0;
	s3 =	rddreg [dreg:$0x1];
	s5 =	sadd.s32 s4, s5  }
0xb: {  	_ =	strace $0x8000004D;
	s4 =	simm.s32 $0x1;
	s5 =	smul.u32 $0x32, s5  }
0xc: {  	s6 =	sadd.s32 $0xF43600, s6;
	s10 =	smov.u32 s2;
	[sflag:s4] =	ssyncpa.u1 $0x0  }
0xd: {  	p0 =	por $0x0, $0x0;
	[sflag:s7] =	ssyncpa.u1 $0x0;
	s7 =	sor.u32 $0x1, s5  }
.LBB1_4:
0xe: {  	s16 =	sshll.u32 s13, $0x3;
	s17 =	sand.u32 $0x78, s13  }
0xf: {  	s30 =	sand.u32 $0x7E00, s13;
	s12 =	sshll.u32 s12, $0xF;
	s16 =	sand.u32 $0xC00, s16  }
0x10: {  	[tilespmem:s15+$0x810 ss:$0x81] =	vst.msk $0xffff, v2;
	s31 =	sand.u32 $0x7, s13;
	s16 =	sor.u32 s17, s16;
	s17 =	sadd.s32 s3, s30  }
0x11: {  	[tilespmem:s15+$0x1020 ss:$0x81] =	vst.msk $0xffff, v0;
	s13 =	sshll.u32 s31, $0x12;
	s12 =	sadd.s32 s12, s17;
	s16 =	sshrl.u32 s16, $0x3  }
0x12: {  	[tilespmem:s15+$0x0 ss:$0x81] =	vst.msk $0xffff, v1;
	s13 =	sor.u32 $0x400, s13;
	s12 =	sadd.s32 s16, s12  }
0x13: {  	[hbm4b:s12+s13] =	stream.strided.scatter [tilespmem:s14], [sflag:$0x2], $0x2000, s8, s13, $0x20;
	[tilespmem:$0x8080] =	vst v63  }
.LBB1_5:
0x14: {  	s14 =	sadd.s32 $0x1, s9  }
0x15: {  	s12 =	sadd.s32 $0x1000, s10;
	s16 =	smov.u32 s10;
	p2 =	sgt.s32 s14, $0x31  }
0x16: {  	s16 =	smov.u32 @p2 s12  }
0x17: {  	s14 =	simm.s32 @p2 $0x0;
	p2 =	sgt.s32 s16, $0xFFF  }
0x18: {  	s16 =	smov.u32 @p2 s2;
	p2 =	sne.s32 s11, s7  }
.Ltmp1:
0x19: {  	p1 =	slt.u32 s11, $0x2;
	(pc) =	sbr.rel @!p2 .LBB1_6-.Ltmp1, $4  }
0x1a: {  	s15 =	simm.s32 @!p1 $0x2  }
0x1b: {  	s13 =	smov.u32 s10;
	p0 =	por !p0, !p0;
	_ =	swait.ge @!p1 [sflag:s15], $0x2000  }
0x1c: {  	s12 =	smov.u32 s9;
	[sflag:s15] =	ssyncset.done @!p1 $0x0;
	s9 =	smov.u32 s14  }
0x1d: {  	s11 =	sadd.s32 $0x1, s11;
	[sflag:s15] =	ssyncadd.s32 @!p1 $0xFFFFE000;
	s10 =	smov.u32 s16  }
.LBB1_1:
0x1e: {  	p1 =	sge.u32 s11, s5  }
0x1f: {  	s14 =	sand.u32 @!p1 $0x1FFFFFF, s9  }
0x20: {  	s15 =	smulhi.u32 @!p1 $0x4924925, s14;
	_ =	sdelay $0x1  }
0x21: {  	s15 =	smul.u32 @!p1 $0x38, s15  }
0x22: {  	s16 =	sxor.u32 @!p1 $0xFFFFFFFF, s11;
	s17 =	smul.u32 @!p1 $0x380, s10  }
0x23: {  	s31 =	sadd.s32 $0xFFFFFFFF, s11;
	s16 =	sshll.u32 @!p1 s16, $0xD;
	s14 =	ssub.s32 @!p1 s14, s15  }
0x24: {  	s15 =	sand.u32 @!p1 $0x2000, s16;
	s16 =	sadd.s32 @!p1 s6, s17;
	s14 =	sshll.u32 @!p1 s14, $0x4  }
0x25: {  	s17 =	simm.s32 @!p1 $0x1C00;
	s14 =	sadd.s32 @!p1 s14, s16;
	s16 =	simm.s32 @!p1 $0x40  }
0x26: {  	[tilespmem:s15], [sflag:$0x1] =	stream.strided.gather @!p1 [hbm4b:s14+s16], $0x2000, s17, s16, $0x38;
	[tilespmem:$0x8080] =	vst v63  }
0x27: {  	p1 =	sge.u32 s31, s5  }
.Ltmp2:
0x28: {  	_ = 	snop;
	(pc) =	sbr.rel @p1 .LBB1_5-.Ltmp2, $1  }
0x29: {  	_ =	sdelay $0x3  }
0x2a: {  	s14 =	simm.s32 $0x1  }
0x2b: {  	_ =	swait.ge [sflag:s4], $0x2000;
	s14 =	simm.s32 @!p0 $0x0  }
0x2c: {  	[sflag:s4] =	ssyncset.done $0x0;
	s15 =	sshll.u32 s14, $0xD  }
0x2d: {  	[sflag:s4] =	ssyncadd.s32 $0xFFFFE000;
	s18 =	sor.u32 $0x20, s15  }
0x2e: {  	s14 =	smul.u32 $0x8100, s14;
	v3 =	vld [tilespmem:s18+$0x10]  }
0x2f: {  	s30 =	sand.u32 $0x1, s11;
	v2 =	vld [tilespmem:s18+$0xFFFFFFF0]  }
0x30: {  	s15 =	smul.u32 $0x8100, s30;
	s14 =	sshrl.u32 s14, $0x2;
	v0 =	vld [tilespmem:s18+$0x0]  }
0x31: {  	v1 =	vld [tilespmem:s18+$0xFFFFFFE0];
	s16 =	sor.u32 $0x4000, s14  }
0x32: {  	s31 =	sshrl.u32 s15, $0x2;
	s15 =	sadd.s32 $0x0, s16  }
0x33: {  	s17 =	simm.s32 $0x4;
	s18 =	sadd.s32 $0x40, s18;
	s14 =	sor.u32 $0x4000, s31;
	[tilespmem:s15+$0x1830 ss:$0x81] =	vst.msk $0xffff, v3  }
.LBB1_3:
0x34: {  	v3 =	vld [tilespmem:s18+$0x10];
	p1 =	sne.s32 s17, $0x1FC;
	[tilespmem:s15+$0x810 ss:$0x81] =	vst.msk $0xffff, v2;
	s19 =	smov.u32 s17;
	s17 =	sadd.s32 $0x4, s17  }
.Ltmp3:
0x35: {  	v2 =	vld [tilespmem:s18+$0xFFFFFFF0];
	[tilespmem:s15+$0x1020 ss:$0x81] =	vst.msk $0xffff, v0;
	(pc) =	sbr.rel @p1 .LBB1_3-.Ltmp3, $4  }
0x36: {  	v0 =	vld [tilespmem:s18+$0x0];
	[tilespmem:s15+$0x0 ss:$0x81] =	vst.msk $0xffff, v1  }
0x37: {  	s15 =	sshra.s32 s19, $0x2;
	v1 =	vld [tilespmem:s18+$0xFFFFFFE0]  }
0x38: {  	s15 =	sadd.s32 s15, s16  }
0x39: {  	s18 =	sadd.s32 $0x40, s18;
	[tilespmem:s15+$0x1830 ss:$0x81] =	vst.msk $0xffff, v3  }
.Ltmp4:
0x3a: {  	_ = 	snop;
	(pc) =	sbr.rel .LBB1_4-.Ltmp4, $1  }
0x3b: {  	_ =	sdelay $0x3  }
.LBB1_6:
0x3c: {  	_ =	sfence.sel $0x180000  }
0x3d: {  	s2 =	simm.s32 $0x1;
	[bflag:$0x0] =	sbarrier.arrive $0xFFFF  }
0x3e: {  	s31 =	simm.s32 $0x2;
	[sflag:s2] =	ssyncpa.u1 $0x1  }
0x3f: {  	[sflag:s31] =	ssyncpa.u1 $0x1  }
0x40: {  	p0 =	sne.s32 s0, $0x0;
	_ =	strace $0x9000004D  }
0x41: {  	s0 =	sadd.s32 @!p0 $0x100000, s1;
	[bflag:$0x2] =	sbarrier.arrive $0xFFFF  }
0x42: {  	[sflag:s0] =	ssyncadd.tile.s32 @!p0 $0x1;
	_ =	shalt  }
.Lfunc_end1:
_tile_overlayer_lowered:
.L_overlay_start_2:
0x43: {  	(tag) =	ssettag $0x2  }
0x44: {  	s0 =	rddreg [dreg:$0x0];
	s2 =	stileid.u32  }
0x45: {  	s1 =	rddreg [dreg:$0x1];
	p0 =	sne.s32 s2, $0x0  }
0x46: {  	s3 =	rddreg [dreg:$0x2];
	[bflag:$0x3] =	sbarrier.arrive $0xFFFF;
	s2 =	simm.s32 @!p0 $0x1C01  }
0x47: {  	[timem:s3], [sflag:s2] =	dma.local @!p0 [hbm:s0], s1  }
0x48: {  	s0 =	simm.s32 @!p0 $0x1  }
0x49: {  	_ =	swait.ge @!p0 [sflag:s0], s1  }
0x4a: {  	s1 =	ssub.s32 @!p0 $0x0, s1;
	[sflag:s0] =	ssyncset.done @!p0 $0x0  }
0x4b: {  	[sflag:s0] =	ssyncadd.s32 @!p0 s1  }
0x4c: {  	[bflag:$0x3] =	sbarrier.arrive $0xFFFF  }
0x4d: {  	_ =	shalt  }

</sc_bundles>
